<compile_context>
chip_gen: v7x
topology: tpu7x:2x2x1
jax: 0.10.2.dev20260603
libtpu: 0.0.44.dev20260713+nightly
codegen_flags: <defaults>
</compile_context>

<pallas_src>
import functools

import jax
import jax.numpy as jnp
from jax import lax
from jax.experimental import pallas as pl
from jax.experimental.pallas import tpu as pltpu
from jax.experimental.pallas import tpu_sc as plsc

B = 4096
L = 200
EMBED = 64
NC = 2
NS = 16
NW = NC * NS
LB = L // 8
BB = B // 128
EB = EMBED // 8

_mesh = plsc.VectorSubcoreMesh(
    core_axis_name="c", subcore_axis_name="s", num_cores=NC, num_subcores=NS
)


@functools.partial(
    pl.kernel,
    out_type=jax.ShapeDtypeStruct((L, EB, BB, 8, 128), jnp.float32),
    mesh=_mesh,
    scratch_types=[
        pltpu.VMEM((LB, 8, 128), jnp.int32),
        pltpu.VMEM((128, EMBED), jnp.float32),
        pltpu.VMEM((128, EMBED), jnp.float32),
        pltpu.VMEM((EMBED, 133), jnp.float32),
        pltpu.VMEM((EMBED, 133), jnp.float32),
        pltpu.SemaphoreType.DMA,
        pltpu.SemaphoreType.DMA,
        pltpu.SemaphoreType.DMA,
        pltpu.SemaphoreType.DMA,
    ],
    compiler_params=pltpu.CompilerParams(
        use_tc_tiling_on_sc=False, needs_layout_passes=False),
)
def _gather_kernel(idx_hbm, table_hbm, out_hbm, idx_v, r0, r1, t0, t1,
                   g0, g1, s0, s1):
    rbuf = (r0, r1)
    tbuf = (t0, t1)
    gsem = (g0, g1)
    ssem = (s0, s1)
    wid = lax.axis_index("s") * NC + lax.axis_index("c")

    iota16 = lax.iota(jnp.int32, 16)
    evecs = [16 * m + iota16 for m in range(4)]

    def start_gather(a, s, p):
        pltpu.async_copy(table_hbm.at[idx_v.at[a, s]], rbuf[p], gsem[p])

    def start_gather_l(l, p):
        start_gather(l // 8, l % 8, p)

    def start_store(l, p):
        for eb in range(EB):
            pltpu.async_copy(
                tbuf[p].at[pl.ds(8 * eb, 8), pl.ds(0, 128)],
                out_hbm.at[l, eb, wid], ssem[p])

    def drain_gather(p):
        pltpu.make_async_copy(
            table_hbm.at[pl.ds(0, 128)], rbuf[p], gsem[p]).wait()

    def drain_store(p):
        for eb in range(EB):
            pltpu.make_async_copy(
                tbuf[p].at[pl.ds(8 * eb, 8), pl.ds(0, 128)],
                out_hbm.at[0, eb, wid], ssem[p]).wait()

    def transpose(p):
        @pl.loop(0, 128, step=8)
        def _t(j0):
            for dj in range(8):
                jvec = jnp.full((16,), 0, jnp.int32) + (j0 + dj)
                for m in range(4):
                    x = rbuf[p][j0 + dj, pl.ds(16 * m, 16)]
                    plsc.store_scatter(tbuf[p], [evecs[m], jvec], x)

    def body(l, p):
        @pl.when(l + 1 < L)
        def _():
            start_gather_l(l + 1, 1 - p)
        drain_gather(p)

        @pl.when(l >= 2)
        def _():
            drain_store(p)
        transpose(p)
        start_store(l, p)

    pltpu.sync_copy(idx_hbm.at[:, wid], idx_v)

    start_gather(0, 0, 0)

    @pl.loop(0, L, step=2)
    def _steady(l0):
        for k in range(2):
            body(l0 + k, k)

    drain_store(0)
    drain_store(1)


@jax.jit
def kernel(indices, table):
    idx5 = (indices.astype(jnp.int32).T
            .reshape(LB, 8, BB, 128).transpose(0, 2, 1, 3)) * 2
    table_pad = jnp.pad(table, ((0, 0), (0, 64))).reshape(2 * 1000000, EMBED)
    out5 = _gather_kernel(idx5, table_pad)
    return out5.transpose(2, 4, 0, 1, 3).reshape(B, L, EMBED)

# --- scband reference (transcript-rebuilt; emitter-appended) ---
"""Pipeline reference for scband-embeddings-22187801051848 (READ-ONLY COPY).

The authoritative reference and input builder live on the scoring server;
editing this copy changes nothing except your own understanding.
"""

import jax, jax.numpy as jnp
import numpy as np

VOCAB = 1000000
EMBED = 64
B = 4096
L = 200

def setup_inputs(seed: int = 0) -> dict:
    key = jax.random.key(seed)
    k1, k2 = jax.random.split(key)
    indices = jax.random.randint(k1, (B, L), 0, VOCAB, dtype=jnp.int64 if jax.config.read('jax_enable_x64') else jnp.int32)
    table = jax.random.normal(k2, (VOCAB, EMBED), dtype=jnp.float32)
    return {"indices": indices, "table": table}

def reference(indices, table):
    # Embedding lookup: converts input token ids to their embeddings.
    return jnp.take(table, indices, axis=0)

if __name__ == "__main__":
    import jax
    _d = setup_inputs()
    print(jax.jit(kernel)(*tuple(_d.values())))

</pallas_src>

<mosaic_0001>
#map = affine_map<(d0, d1) -> (0, 0, 0, 0)>
#map1 = affine_map<(d0, d1) -> (0, 0)>
#map2 = affine_map<(d0, d1) -> (0, 0, 0, 0, 0)>
module attributes {stable_mosaic.version = 14 : i64} {
  func.func @_gather_kernel(%arg0: i32, %arg1: i32, %arg2: memref<25x32x8x128xi32, #tpu.memory_space<hbm>>, %arg3: memref<2000000x64xf32, #tpu.memory_space<hbm>>, %arg4: memref<200x8x32x8x128xf32, #tpu.memory_space<hbm>>, %arg5: memref<25x8x128xi32, #tpu.memory_space<vmem>>, %arg6: memref<128x64xf32, #tpu.memory_space<vmem>>, %arg7: memref<128x64xf32, #tpu.memory_space<vmem>>, %arg8: memref<64x133xf32, #tpu.memory_space<vmem>>, %arg9: memref<64x133xf32, #tpu.memory_space<vmem>>, %arg10: memref<!tpu.dma_semaphore, #tpu.memory_space<semaphore_mem>>, %arg11: memref<!tpu.dma_semaphore, #tpu.memory_space<semaphore_mem>>, %arg12: memref<!tpu.dma_semaphore, #tpu.memory_space<semaphore_mem>>, %arg13: memref<!tpu.dma_semaphore, #tpu.memory_space<semaphore_mem>>) attributes {dimension_semantics = [#tpu.dimension_semantics<core_parallel>, #tpu.dimension_semantics<subcore_parallel>], iteration_bounds = array<i64: 2, 16>, scalar_prefetch = 0 : i64, scratch_operands = 9 : i64, tpu.core_type = #tpu.core_type<sc_vector_subcore>, window_params = [{transform_indices = #map}, {transform_indices = #map1}, {transform_indices = #map2}]} {
    %mul3A = arith.constant 2 : i32
    %mul3A_0 = arith.muli %arg1, %mul3A : i32
    %add3A = arith.addi %mul3A_0, %arg0 : i32
    %iota3A = tpu.iota {dimensions = array<i32: 0>} : vector<16xi32>
    %add3A_1 = arith.constant 0 : i32
    %add3A_2 = vector.broadcast %add3A_1 : i32 to vector<16xi32>
    %add3A_3 = arith.addi %add3A_2, %iota3A : vector<16xi32>
    %add3A_4 = arith.constant 16 : i32
    %add3A_5 = vector.broadcast %add3A_4 : i32 to vector<16xi32>
    %add3A_6 = arith.addi %add3A_5, %iota3A : vector<16xi32>
    %add3A_7 = arith.constant 32 : i32
    %add3A_8 = vector.broadcast %add3A_7 : i32 to vector<16xi32>
    %add3A_9 = arith.addi %add3A_8, %iota3A : vector<16xi32>
    %add3A_10 = arith.constant 48 : i32
    %add3A_11 = vector.broadcast %add3A_10 : i32 to vector<16xi32>
    %add3A_12 = arith.addi %add3A_11, %iota3A : vector<16xi32>
    "tpu.region"() ({
      %run_scoped3A = tpu.sem_alloc : memref<!tpu.dma_semaphore, #tpu.memory_space<semaphore_mem>>
      %dma_start3A_279 = arith.constant 0 : i32
      %dma_start3A_280 = arith.constant 0 : i32
      %dma_start3A_281 = arith.constant 0 : i32
      %dma_start3A_282 = tpu.memref_slice %arg2[%dma_start3A_279, %add3A, %dma_start3A_280, %dma_start3A_281] : memref<25x32x8x128xi32, #tpu.memory_space<hbm>> -> memref<25x1x8x128xi32, #tpu.memory_space<hbm>>
      %dma_start3A_283 = tpu.memref_squeeze %dma_start3A_282 : memref<25x1x8x128xi32, #tpu.memory_space<hbm>> -> memref<25x8x128xi32, #tpu.memory_space<hbm>>
      %dma_start3A_284 = arith.constant 0 : i32
      %dma_start3A_285 = arith.constant 0 : i32
      %dma_start3A_286 = arith.constant 0 : i32
      %dma_start3A_287 = tpu.memref_slice %arg2[%dma_start3A_284, %add3A, %dma_start3A_285, %dma_start3A_286] : memref<25x32x8x128xi32, #tpu.memory_space<hbm>> -> memref<25x1x8x128xi32, #tpu.memory_space<hbm>>
      %dma_start3A_288 = tpu.memref_squeeze %dma_start3A_287 : memref<25x1x8x128xi32, #tpu.memory_space<hbm>> -> memref<25x8x128xi32, #tpu.memory_space<hbm>>
      tpu.enqueue_dma source(%dma_start3A_288 : memref<25x8x128xi32, #tpu.memory_space<hbm>>) target(%arg5 : memref<25x8x128xi32, #tpu.memory_space<vmem>>) target_semaphore(%run_scoped3A : memref<!tpu.dma_semaphore, #tpu.memory_space<semaphore_mem>>)
      %dma_wait3A_289 = arith.constant 0 : i32
      %dma_wait3A_290 = arith.constant 0 : i32
      %dma_wait3A_291 = arith.constant 0 : i32
      %dma_wait3A_292 = tpu.memref_slice %arg2[%dma_wait3A_289, %add3A, %dma_wait3A_290, %dma_wait3A_291] : memref<25x32x8x128xi32, #tpu.memory_space<hbm>> -> memref<25x1x8x128xi32, #tpu.memory_space<hbm>>
      %dma_wait3A_293 = tpu.memref_squeeze %dma_wait3A_292 : memref<25x1x8x128xi32, #tpu.memory_space<hbm>> -> memref<25x8x128xi32, #tpu.memory_space<hbm>>
      %dma_wait3A_294 = arith.constant 0 : i32
      %dma_wait3A_295 = arith.constant 0 : i32
      %dma_wait3A_296 = arith.constant 0 : i32
      %dma_wait3A_297 = tpu.memref_slice %arg2[%dma_wait3A_294, %add3A, %dma_wait3A_295, %dma_wait3A_296] : memref<25x32x8x128xi32, #tpu.memory_space<hbm>> -> memref<25x1x8x128xi32, #tpu.memory_space<hbm>>
      %dma_wait3A_298 = tpu.memref_squeeze %dma_wait3A_297 : memref<25x1x8x128xi32, #tpu.memory_space<hbm>> -> memref<25x8x128xi32, #tpu.memory_space<hbm>>
      tpu.wait_dma2 semaphore(%run_scoped3A : memref<!tpu.dma_semaphore, #tpu.memory_space<semaphore_mem>>) src(%dma_wait3A_298 : memref<25x8x128xi32, #tpu.memory_space<hbm>>) dst(%arg5 : memref<25x8x128xi32, #tpu.memory_space<vmem>>)
      tpu.yield
    }) : () -> ()
    %dma_start3A = arith.constant 0 : i32
    %dma_start3A_13 = arith.constant 0 : i32
    %dma_start3A_14 = arith.constant 0 : i32
    %dma_start3A_15 = tpu.memref_slice %arg5[%dma_start3A, %dma_start3A_13, %dma_start3A_14] : memref<25x8x128xi32, #tpu.memory_space<vmem>> -> memref<1x1x128xi32, #tpu.memory_space<vmem>>
    %dma_start3A_16 = tpu.memref_squeeze %dma_start3A_15 : memref<1x1x128xi32, #tpu.memory_space<vmem>> -> memref<128xi32, #tpu.memory_space<vmem>>
    %dma_start3A_17 = arith.constant 0 : i32
    %dma_start3A_18 = arith.constant 0 : i32
    %dma_start3A_19 = tpu.memref_slice %arg3[%dma_start3A_17, %dma_start3A_18] : memref<2000000x64xf32, #tpu.memory_space<hbm>> -> memref<2000000x64xf32, #tpu.memory_space<hbm>>
    tpu.enqueue_indirect_dma source(%dma_start3A_19 : memref<2000000x64xf32, #tpu.memory_space<hbm>>) target(%arg6 : memref<128x64xf32, #tpu.memory_space<vmem>>) offsets(%dma_start3A_16 : memref<128xi32, #tpu.memory_space<vmem>>) semaphore(%arg10 : memref<!tpu.dma_semaphore, #tpu.memory_space<semaphore_mem>>)
    %scan3A = arith.constant 0 : i32
    %scan3A_20 = arith.constant 100 : i32
    %scan3A_21 = arith.addi %scan3A, %scan3A_20 : i32
    %scan3A_22 = arith.constant 1 : i32
    scf.for %scan3A_279 = %scan3A to %scan3A_21 step %scan3A_22  : i32 {
      %mul3A_280 = arith.constant 2 : i32
      %mul3A_281 = arith.muli %scan3A_279, %mul3A_280 : i32
      %add3A_282 = arith.constant 0 : i32
      %add3A_283 = arith.addi %add3A_282, %mul3A_281 : i32
      %add3A_284 = arith.constant 0 : i32
      %add3A_285 = arith.addi %add3A_283, %add3A_284 : i32
      %add3A_286 = arith.constant 1 : i32
      %add3A_287 = arith.addi %add3A_285, %add3A_286 : i32
      %lt3A = arith.constant 200 : i32
      %lt3A_288 = arith.cmpi slt, %add3A_287, %lt3A : i32
      %convert_element_type3A = arith.extui %lt3A_288 : i1 to i32
      %cond3A = arith.constant 0 : i32
      %cond3A_289 = arith.cmpi ne, %convert_element_type3A, %cond3A : i32
      scf.if %cond3A_289 {
        %add3A_570 = arith.constant 1 : i32
        %add3A_571 = arith.addi %add3A_285, %add3A_570 : i32
        %jit3A = arith.constant 8 : i32
        %div3A = arith.divsi %add3A_571, %jit3A : i32
        %sign3A = arith.constant 0 : i32
        %sign3A_572 = arith.cmpi sgt, %add3A_571, %sign3A : i32
        %sign3A_573 = arith.extui %sign3A_572 : i1 to i32
        %sign3A_574 = arith.constant 0 : i32
        %sign3A_575 = arith.cmpi slt, %add3A_571, %sign3A_574 : i32
        %sign3A_576 = arith.extui %sign3A_575 : i1 to i32
        %sign3A_577 = arith.subi %sign3A_573, %sign3A_576 : i32
        %sign3A_578 = arith.constant 0 : i32
        %sign3A_579 = arith.cmpi sgt, %jit3A, %sign3A_578 : i32
        %sign3A_580 = arith.extui %sign3A_579 : i1 to i32
        %sign3A_581 = arith.constant 0 : i32
        %sign3A_582 = arith.cmpi slt, %jit3A, %sign3A_581 : i32
        %sign3A_583 = arith.extui %sign3A_582 : i1 to i32
        %sign3A_584 = arith.subi %sign3A_580, %sign3A_583 : i32
        %ne3A = arith.cmpi ne, %sign3A_577, %sign3A_584 : i32
        %rem3A = arith.remsi %add3A_571, %jit3A : i32
        %ne3A_585 = arith.constant 0 : i32
        %ne3A_586 = arith.cmpi ne, %rem3A, %ne3A_585 : i32
        %and3A = arith.andi %ne3A, %ne3A_586 : i1
        %sub3A = arith.constant 1 : i32
        %sub3A_587 = arith.subi %div3A, %sub3A : i32
        %select_n3A = arith.select %and3A, %sub3A_587, %div3A : i32
        %jit3A_588 = arith.constant 8 : i32
        %eq3A = arith.constant 0 : i32
        %eq3A_589 = arith.cmpi eq, %jit3A_588, %eq3A : i32
        %jit3A_590 = arith.constant 1 : i32
        %select_n3A_591 = arith.select %eq3A_589, %jit3A_590, %jit3A_588 : i32
        %rem3A_592 = arith.remsi %add3A_571, %select_n3A_591 : i32
        %ne3A_593 = arith.constant 0 : i32
        %ne3A_594 = arith.cmpi ne, %rem3A_592, %ne3A_593 : i32
        %lt3A_595 = arith.constant 0 : i32
        %lt3A_596 = arith.cmpi slt, %rem3A_592, %lt3A_595 : i32
        %lt3A_597 = arith.constant 0 : i32
        %lt3A_598 = arith.cmpi slt, %select_n3A_591, %lt3A_597 : i32
        %ne3A_599 = arith.xori %lt3A_596, %lt3A_598 : i1
        %and3A_600 = arith.andi %ne3A_599, %ne3A_594 : i1
        %add3A_601 = arith.addi %rem3A_592, %select_n3A_591 : i32
        %select_n3A_602 = arith.select %and3A_600, %add3A_601, %rem3A_592 : i32
        %dma_start3A_603 = arith.constant 0 : i32
        %dma_start3A_604 = tpu.memref_slice %arg5[%select_n3A, %select_n3A_602, %dma_start3A_603] : memref<25x8x128xi32, #tpu.memory_space<vmem>> -> memref<1x1x128xi32, #tpu.memory_space<vmem>>
        %dma_start3A_605 = tpu.memref_squeeze %dma_start3A_604 : memref<1x1x128xi32, #tpu.memory_space<vmem>> -> memref<128xi32, #tpu.memory_space<vmem>>
        %dma_start3A_606 = arith.constant 0 : i32
        %dma_start3A_607 = arith.constant 0 : i32
        %dma_start3A_608 = tpu.memref_slice %arg3[%dma_start3A_606, %dma_start3A_607] : memref<2000000x64xf32, #tpu.memory_space<hbm>> -> memref<2000000x64xf32, #tpu.memory_space<hbm>>
        tpu.enqueue_indirect_dma source(%dma_start3A_608 : memref<2000000x64xf32, #tpu.memory_space<hbm>>) target(%arg7 : memref<128x64xf32, #tpu.memory_space<vmem>>) offsets(%dma_start3A_605 : memref<128xi32, #tpu.memory_space<vmem>>) semaphore(%arg11 : memref<!tpu.dma_semaphore, #tpu.memory_space<semaphore_mem>>)
      } else {
      }
      %dma_wait3A_290 = arith.constant 0 : i32
      %dma_wait3A_291 = arith.constant 0 : i32
      %dma_wait3A_292 = tpu.memref_slice %arg3[%dma_wait3A_290, %dma_wait3A_291] : memref<2000000x64xf32, #tpu.memory_space<hbm>> -> memref<128x64xf32, #tpu.memory_space<hbm>>
      %dma_wait3A_293 = arith.constant 0 : i32
      %dma_wait3A_294 = arith.constant 0 : i32
      %dma_wait3A_295 = tpu.memref_slice %arg3[%dma_wait3A_293, %dma_wait3A_294] : memref<2000000x64xf32, #tpu.memory_space<hbm>> -> memref<128x64xf32, #tpu.memory_space<hbm>>
      tpu.wait_dma2 semaphore(%arg10 : memref<!tpu.dma_semaphore, #tpu.memory_space<semaphore_mem>>) src(%dma_wait3A_295 : memref<128x64xf32, #tpu.memory_space<hbm>>) dst(%arg6 : memref<128x64xf32, #tpu.memory_space<vmem>>)
      %ge3A = arith.constant 2 : i32
      %ge3A_296 = arith.cmpi sge, %add3A_285, %ge3A : i32
      %convert_element_type3A_297 = arith.extui %ge3A_296 : i1 to i32
      %cond3A_298 = arith.constant 0 : i32
      %cond3A_299 = arith.cmpi ne, %convert_element_type3A_297, %cond3A_298 : i32
      scf.if %cond3A_299 {
        %dma_wait3A_570 = arith.constant 0 : i32
        %dma_wait3A_571 = arith.constant 0 : i32
        %dma_wait3A_572 = arith.constant 0 : i32
        %dma_wait3A_573 = arith.constant 0 : i32
        %dma_wait3A_574 = tpu.memref_slice %arg8[%dma_wait3A_572, %dma_wait3A_573] : memref<64x133xf32, #tpu.memory_space<vmem>> -> memref<8x128xf32, #tpu.memory_space<vmem>>
        %dma_wait3A_575 = arith.constant 0 : i32
        %dma_wait3A_576 = arith.constant 0 : i32
        %dma_wait3A_577 = tpu.memref_slice %arg4[%dma_wait3A_570, %dma_wait3A_571, %add3A, %dma_wait3A_575, %dma_wait3A_576] : memref<200x8x32x8x128xf32, #tpu.memory_space<hbm>> -> memref<1x1x1x8x128xf32, #tpu.memory_space<hbm>>
        %dma_wait3A_578 = tpu.memref_squeeze %dma_wait3A_577 : memref<1x1x1x8x128xf32, #tpu.memory_space<hbm>> -> memref<8x128xf32, #tpu.memory_space<hbm>>
        %dma_wait3A_579 = arith.constant 0 : i32
        %dma_wait3A_580 = arith.constant 0 : i32
        %dma_wait3A_581 = tpu.memref_slice %arg4[%dma_wait3A_570, %dma_wait3A_571, %add3A, %dma_wait3A_579, %dma_wait3A_580] : memref<200x8x32x8x128xf32, #tpu.memory_space<hbm>> -> memref<1x1x1x8x128xf32, #tpu.memory_space<hbm>>
        %dma_wait3A_582 = tpu.memref_squeeze %dma_wait3A_581 : memref<1x1x1x8x128xf32, #tpu.memory_space<hbm>> -> memref<8x128xf32, #tpu.memory_space<hbm>>
        %dma_wait3A_583 = arith.constant 0 : i32
        %dma_wait3A_584 = arith.constant 0 : i32
        %dma_wait3A_585 = tpu.memref_slice %arg8[%dma_wait3A_583, %dma_wait3A_584] : memref<64x133xf32, #tpu.memory_space<vmem>> -> memref<8x128xf32, #tpu.memory_space<vmem>>
        tpu.wait_dma2 semaphore(%arg12 : memref<!tpu.dma_semaphore, #tpu.memory_space<semaphore_mem>>) src(%dma_wait3A_585 : memref<8x128xf32, #tpu.memory_space<vmem>>) dst(%dma_wait3A_582 : memref<8x128xf32, #tpu.memory_space<hbm>>)
        %dma_wait3A_586 = arith.constant 0 : i32
        %dma_wait3A_587 = arith.constant 1 : i32
        %dma_wait3A_588 = arith.constant 8 : i32
        %dma_wait3A_589 = arith.constant 0 : i32
        %dma_wait3A_590 = tpu.memref_slice %arg8[%dma_wait3A_588, %dma_wait3A_589] : memref<64x133xf32, #tpu.memory_space<vmem>> -> memref<8x128xf32, #tpu.memory_space<vmem>>
        %dma_wait3A_591 = arith.constant 0 : i32
        %dma_wait3A_592 = arith.constant 0 : i32
        %dma_wait3A_593 = tpu.memref_slice %arg4[%dma_wait3A_586, %dma_wait3A_587, %add3A, %dma_wait3A_591, %dma_wait3A_592] : memref<200x8x32x8x128xf32, #tpu.memory_space<hbm>> -> memref<1x1x1x8x128xf32, #tpu.memory_space<hbm>>
        %dma_wait3A_594 = tpu.memref_squeeze %dma_wait3A_593 : memref<1x1x1x8x128xf32, #tpu.memory_space<hbm>> -> memref<8x128xf32, #tpu.memory_space<hbm>>
        %dma_wait3A_595 = arith.constant 0 : i32
        %dma_wait3A_596 = arith.constant 0 : i32
        %dma_wait3A_597 = tpu.memref_slice %arg4[%dma_wait3A_586, %dma_wait3A_587, %add3A, %dma_wait3A_595, %dma_wait3A_596] : memref<200x8x32x8x128xf32, #tpu.memory_space<hbm>> -> memref<1x1x1x8x128xf32, #tpu.memory_space<hbm>>
        %dma_wait3A_598 = tpu.memref_squeeze %dma_wait3A_597 : memref<1x1x1x8x128xf32, #tpu.memory_space<hbm>> -> memref<8x128xf32, #tpu.memory_space<hbm>>
        %dma_wait3A_599 = arith.constant 8 : i32
        %dma_wait3A_600 = arith.constant 0 : i32
        %dma_wait3A_601 = tpu.memref_slice %arg8[%dma_wait3A_599, %dma_wait3A_600] : memref<64x133xf32, #tpu.memory_space<vmem>> -> memref<8x128xf32, #tpu.memory_space<vmem>>
        tpu.wait_dma2 semaphore(%arg12 : memref<!tpu.dma_semaphore, #tpu.memory_space<semaphore_mem>>) src(%dma_wait3A_601 : memref<8x128xf32, #tpu.memory_space<vmem>>) dst(%dma_wait3A_598 : memref<8x128xf32, #tpu.memory_space<hbm>>)
        %dma_wait3A_602 = arith.constant 0 : i32
        %dma_wait3A_603 = arith.constant 2 : i32
        %dma_wait3A_604 = arith.constant 16 : i32
        %dma_wait3A_605 = arith.constant 0 : i32
        %dma_wait3A_606 = tpu.memref_slice %arg8[%dma_wait3A_604, %dma_wait3A_605] : memref<64x133xf32, #tpu.memory_space<vmem>> -> memref<8x128xf32, #tpu.memory_space<vmem>>
        %dma_wait3A_607 = arith.constant 0 : i32
        %dma_wait3A_608 = arith.constant 0 : i32
        %dma_wait3A_609 = tpu.memref_slice %arg4[%dma_wait3A_602, %dma_wait3A_603, %add3A, %dma_wait3A_607, %dma_wait3A_608] : memref<200x8x32x8x128xf32, #tpu.memory_space<hbm>> -> memref<1x1x1x8x128xf32, #tpu.memory_space<hbm>>
        %dma_wait3A_610 = tpu.memref_squeeze %dma_wait3A_609 : memref<1x1x1x8x128xf32, #tpu.memory_space<hbm>> -> memref<8x128xf32, #tpu.memory_space<hbm>>
        %dma_wait3A_611 = arith.constant 0 : i32
        %dma_wait3A_612 = arith.constant 0 : i32
        %dma_wait3A_613 = tpu.memref_slice %arg4[%dma_wait3A_602, %dma_wait3A_603, %add3A, %dma_wait3A_611, %dma_wait3A_612] : memref<200x8x32x8x128xf32, #tpu.memory_space<hbm>> -> memref<1x1x1x8x128xf32, #tpu.memory_space<hbm>>
        %dma_wait3A_614 = tpu.memref_squeeze %dma_wait3A_613 : memref<1x1x1x8x128xf32, #tpu.memory_space<hbm>> -> memref<8x128xf32, #tpu.memory_space<hbm>>
        %dma_wait3A_615 = arith.constant 16 : i32
        %dma_wait3A_616 = arith.constant 0 : i32
        %dma_wait3A_617 = tpu.memref_slice %arg8[%dma_wait3A_615, %dma_wait3A_616] : memref<64x133xf32, #tpu.memory_space<vmem>> -> memref<8x128xf32, #tpu.memory_space<vmem>>
        tpu.wait_dma2 semaphore(%arg12 : memref<!tpu.dma_semaphore, #tpu.memory_space<semaphore_mem>>) src(%dma_wait3A_617 : memref<8x128xf32, #tpu.memory_space<vmem>>) dst(%dma_wait3A_614 : memref<8x128xf32, #tpu.memory_space<hbm>>)
        %dma_wait3A_618 = arith.constant 0 : i32
        %dma_wait3A_619 = arith.constant 3 : i32
        %dma_wait3A_620 = arith.constant 24 : i32
        %dma_wait3A_621 = arith.constant 0 : i32
        %dma_wait3A_622 = tpu.memref_slice %arg8[%dma_wait3A_620, %dma_wait3A_621] : memref<64x133xf32, #tpu.memory_space<vmem>> -> memref<8x128xf32, #tpu.memory_space<vmem>>
        %dma_wait3A_623 = arith.constant 0 : i32
        %dma_wait3A_624 = arith.constant 0 : i32
        %dma_wait3A_625 = tpu.memref_slice %arg4[%dma_wait3A_618, %dma_wait3A_619, %add3A, %dma_wait3A_623, %dma_wait3A_624] : memref<200x8x32x8x128xf32, #tpu.memory_space<hbm>> -> memref<1x1x1x8x128xf32, #tpu.memory_space<hbm>>
        %dma_wait3A_626 = tpu.memref_squeeze %dma_wait3A_625 : memref<1x1x1x8x128xf32, #tpu.memory_space<hbm>> -> memref<8x128xf32, #tpu.memory_space<hbm>>
        %dma_wait3A_627 = arith.constant 0 : i32
        %dma_wait3A_628 = arith.constant 0 : i32
        %dma_wait3A_629 = tpu.memref_slice %arg4[%dma_wait3A_618, %dma_wait3A_619, %add3A, %dma_wait3A_627, %dma_wait3A_628] : memref<200x8x32x8x128xf32, #tpu.memory_space<hbm>> -> memref<1x1x1x8x128xf32, #tpu.memory_space<hbm>>
        %dma_wait3A_630 = tpu.memref_squeeze %dma_wait3A_629 : memref<1x1x1x8x128xf32, #tpu.memory_space<hbm>> -> memref<8x128xf32, #tpu.memory_space<hbm>>
        %dma_wait3A_631 = arith.constant 24 : i32
        %dma_wait3A_632 = arith.constant 0 : i32
        %dma_wait3A_633 = tpu.memref_slice %arg8[%dma_wait3A_631, %dma_wait3A_632] : memref<64x133xf32, #tpu.memory_space<vmem>> -> memref<8x128xf32, #tpu.memory_space<vmem>>
        tpu.wait_dma2 semaphore(%arg12 : memref<!tpu.dma_semaphore, #tpu.memory_space<semaphore_mem>>) src(%dma_wait3A_633 : memref<8x128xf32, #tpu.memory_space<vmem>>) dst(%dma_wait3A_630 : memref<8x128xf32, #tpu.memory_space<hbm>>)
        %dma_wait3A_634 = arith.constant 0 : i32
        %dma_wait3A_635 = arith.constant 4 : i32
        %dma_wait3A_636 = arith.constant 32 : i32
        %dma_wait3A_637 = arith.constant 0 : i32
        %dma_wait3A_638 = tpu.memref_slice %arg8[%dma_wait3A_636, %dma_wait3A_637] : memref<64x133xf32, #tpu.memory_space<vmem>> -> memref<8x128xf32, #tpu.memory_space<vmem>>
        %dma_wait3A_639 = arith.constant 0 : i32
        %dma_wait3A_640 = arith.constant 0 : i32
        %dma_wait3A_641 = tpu.memref_slice %arg4[%dma_wait3A_634, %dma_wait3A_635, %add3A, %dma_wait3A_639, %dma_wait3A_640] : memref<200x8x32x8x128xf32, #tpu.memory_space<hbm>> -> memref<1x1x1x8x128xf32, #tpu.memory_space<hbm>>
        %dma_wait3A_642 = tpu.memref_squeeze %dma_wait3A_641 : memref<1x1x1x8x128xf32, #tpu.memory_space<hbm>> -> memref<8x128xf32, #tpu.memory_space<hbm>>
        %dma_wait3A_643 = arith.constant 0 : i32
        %dma_wait3A_644 = arith.constant 0 : i32
        %dma_wait3A_645 = tpu.memref_slice %arg4[%dma_wait3A_634, %dma_wait3A_635, %add3A, %dma_wait3A_643, %dma_wait3A_644] : memref<200x8x32x8x128xf32, #tpu.memory_space<hbm>> -> memref<1x1x1x8x128xf32, #tpu.memory_space<hbm>>
        %dma_wait3A_646 = tpu.memref_squeeze %dma_wait3A_645 : memref<1x1x1x8x128xf32, #tpu.memory_space<hbm>> -> memref<8x128xf32, #tpu.memory_space<hbm>>
        %dma_wait3A_647 = arith.constant 32 : i32
        %dma_wait3A_648 = arith.constant 0 : i32
        %dma_wait3A_649 = tpu.memref_slice %arg8[%dma_wait3A_647, %dma_wait3A_648] : memref<64x133xf32, #tpu.memory_space<vmem>> -> memref<8x128xf32, #tpu.memory_space<vmem>>
        tpu.wait_dma2 semaphore(%arg12 : memref<!tpu.dma_semaphore, #tpu.memory_space<semaphore_mem>>) src(%dma_wait3A_649 : memref<8x128xf32, #tpu.memory_space<vmem>>) dst(%dma_wait3A_646 : memref<8x128xf32, #tpu.memory_space<hbm>>)
        %dma_wait3A_650 = arith.constant 0 : i32
        %dma_wait3A_651 = arith.constant 5 : i32
        %dma_wait3A_652 = arith.constant 40 : i32
        %dma_wait3A_653 = arith.constant 0 : i32
        %dma_wait3A_654 = tpu.memref_slice %arg8[%dma_wait3A_652, %dma_wait3A_653] : memref<64x133xf32, #tpu.memory_space<vmem>> -> memref<8x128xf32, #tpu.memory_space<vmem>>
        %dma_wait3A_655 = arith.constant 0 : i32
        %dma_wait3A_656 = arith.constant 0 : i32
        %dma_wait3A_657 = tpu.memref_slice %arg4[%dma_wait3A_650, %dma_wait3A_651, %add3A, %dma_wait3A_655, %dma_wait3A_656] : memref<200x8x32x8x128xf32, #tpu.memory_space<hbm>> -> memref<1x1x1x8x128xf32, #tpu.memory_space<hbm>>
        %dma_wait3A_658 = tpu.memref_squeeze %dma_wait3A_657 : memref<1x1x1x8x128xf32, #tpu.memory_space<hbm>> -> memref<8x128xf32, #tpu.memory_space<hbm>>
        %dma_wait3A_659 = arith.constant 0 : i32
        %dma_wait3A_660 = arith.constant 0 : i32
        %dma_wait3A_661 = tpu.memref_slice %arg4[%dma_wait3A_650, %dma_wait3A_651, %add3A, %dma_wait3A_659, %dma_wait3A_660] : memref<200x8x32x8x128xf32, #tpu.memory_space<hbm>> -> memref<1x1x1x8x128xf32, #tpu.memory_space<hbm>>
        %dma_wait3A_662 = tpu.memref_squeeze %dma_wait3A_661 : memref<1x1x1x8x128xf32, #tpu.memory_space<hbm>> -> memref<8x128xf32, #tpu.memory_space<hbm>>
        %dma_wait3A_663 = arith.constant 40 : i32
        %dma_wait3A_664 = arith.constant 0 : i32
        %dma_wait3A_665 = tpu.memref_slice %arg8[%dma_wait3A_663, %dma_wait3A_664] : memref<64x133xf32, #tpu.memory_space<vmem>> -> memref<8x128xf32, #tpu.memory_space<vmem>>
        tpu.wait_dma2 semaphore(%arg12 : memref<!tpu.dma_semaphore, #tpu.memory_space<semaphore_mem>>) src(%dma_wait3A_665 : memref<8x128xf32, #tpu.memory_space<vmem>>) dst(%dma_wait3A_662 : memref<8x128xf32, #tpu.memory_space<hbm>>)
        %dma_wait3A_666 = arith.constant 0 : i32
        %dma_wait3A_667 = arith.constant 6 : i32
        %dma_wait3A_668 = arith.constant 48 : i32
        %dma_wait3A_669 = arith.constant 0 : i32
        %dma_wait3A_670 = tpu.memref_slice %arg8[%dma_wait3A_668, %dma_wait3A_669] : memref<64x133xf32, #tpu.memory_space<vmem>> -> memref<8x128xf32, #tpu.memory_space<vmem>>
        %dma_wait3A_671 = arith.constant 0 : i32
        %dma_wait3A_672 = arith.constant 0 : i32
        %dma_wait3A_673 = tpu.memref_slice %arg4[%dma_wait3A_666, %dma_wait3A_667, %add3A, %dma_wait3A_671, %dma_wait3A_672] : memref<200x8x32x8x128xf32, #tpu.memory_space<hbm>> -> memref<1x1x1x8x128xf32, #tpu.memory_space<hbm>>
        %dma_wait3A_674 = tpu.memref_squeeze %dma_wait3A_673 : memref<1x1x1x8x128xf32, #tpu.memory_space<hbm>> -> memref<8x128xf32, #tpu.memory_space<hbm>>
        %dma_wait3A_675 = arith.constant 0 : i32
        %dma_wait3A_676 = arith.constant 0 : i32
        %dma_wait3A_677 = tpu.memref_slice %arg4[%dma_wait3A_666, %dma_wait3A_667, %add3A, %dma_wait3A_675, %dma_wait3A_676] : memref<200x8x32x8x128xf32, #tpu.memory_space<hbm>> -> memref<1x1x1x8x128xf32, #tpu.memory_space<hbm>>
        %dma_wait3A_678 = tpu.memref_squeeze %dma_wait3A_677 : memref<1x1x1x8x128xf32, #tpu.memory_space<hbm>> -> memref<8x128xf32, #tpu.memory_space<hbm>>
        %dma_wait3A_679 = arith.constant 48 : i32
        %dma_wait3A_680 = arith.constant 0 : i32
        %dma_wait3A_681 = tpu.memref_slice %arg8[%dma_wait3A_679, %dma_wait3A_680] : memref<64x133xf32, #tpu.memory_space<vmem>> -> memref<8x128xf32, #tpu.memory_space<vmem>>
        tpu.wait_dma2 semaphore(%arg12 : memref<!tpu.dma_semaphore, #tpu.memory_space<semaphore_mem>>) src(%dma_wait3A_681 : memref<8x128xf32, #tpu.memory_space<vmem>>) dst(%dma_wait3A_678 : memref<8x128xf32, #tpu.memory_space<hbm>>)
        %dma_wait3A_682 = arith.constant 0 : i32
        %dma_wait3A_683 = arith.constant 7 : i32
        %dma_wait3A_684 = arith.constant 56 : i32
        %dma_wait3A_685 = arith.constant 0 : i32
        %dma_wait3A_686 = tpu.memref_slice %arg8[%dma_wait3A_684, %dma_wait3A_685] : memref<64x133xf32, #tpu.memory_space<vmem>> -> memref<8x128xf32, #tpu.memory_space<vmem>>
        %dma_wait3A_687 = arith.constant 0 : i32
        %dma_wait3A_688 = arith.constant 0 : i32
        %dma_wait3A_689 = tpu.memref_slice %arg4[%dma_wait3A_682, %dma_wait3A_683, %add3A, %dma_wait3A_687, %dma_wait3A_688] : memref<200x8x32x8x128xf32, #tpu.memory_space<hbm>> -> memref<1x1x1x8x128xf32, #tpu.memory_space<hbm>>
        %dma_wait3A_690 = tpu.memref_squeeze %dma_wait3A_689 : memref<1x1x1x8x128xf32, #tpu.memory_space<hbm>> -> memref<8x128xf32, #tpu.memory_space<hbm>>
        %dma_wait3A_691 = arith.constant 0 : i32
        %dma_wait3A_692 = arith.constant 0 : i32
        %dma_wait3A_693 = tpu.memref_slice %arg4[%dma_wait3A_682, %dma_wait3A_683, %add3A, %dma_wait3A_691, %dma_wait3A_692] : memref<200x8x32x8x128xf32, #tpu.memory_space<hbm>> -> memref<1x1x1x8x128xf32, #tpu.memory_space<hbm>>
        %dma_wait3A_694 = tpu.memref_squeeze %dma_wait3A_693 : memref<1x1x1x8x128xf32, #tpu.memory_space<hbm>> -> memref<8x128xf32, #tpu.memory_space<hbm>>
        %dma_wait3A_695 = arith.constant 56 : i32
        %dma_wait3A_696 = arith.constant 0 : i32
        %dma_wait3A_697 = tpu.memref_slice %arg8[%dma_wait3A_695, %dma_wait3A_696] : memref<64x133xf32, #tpu.memory_space<vmem>> -> memref<8x128xf32, #tpu.memory_space<vmem>>
        tpu.wait_dma2 semaphore(%arg12 : memref<!tpu.dma_semaphore, #tpu.memory_space<semaphore_mem>>) src(%dma_wait3A_697 : memref<8x128xf32, #tpu.memory_space<vmem>>) dst(%dma_wait3A_694 : memref<8x128xf32, #tpu.memory_space<hbm>>)
      } else {
      }
      %scan3A_300 = arith.constant 0 : i32
      %scan3A_301 = arith.constant 16 : i32
      %scan3A_302 = arith.addi %scan3A_300, %scan3A_301 : i32
      %scan3A_303 = arith.constant 1 : i32
      scf.for %scan3A_570 = %scan3A_300 to %scan3A_302 step %scan3A_303  : i32 {
        %mul3A_571 = arith.constant 8 : i32
        %mul3A_572 = arith.muli %scan3A_570, %mul3A_571 : i32
        %add3A_573 = arith.constant 0 : i32
        %add3A_574 = arith.addi %add3A_573, %mul3A_572 : i32
        %broadcast_in_dim3A = arith.constant 0 : i32
        %broadcast_in_dim3A_575 = vector.broadcast %broadcast_in_dim3A : i32 to vector<16xi32>
        %add3A_576 = arith.constant 0 : i32
        %add3A_577 = arith.addi %add3A_574, %add3A_576 : i32
        %add3A_578 = vector.broadcast %add3A_577 : i32 to vector<16xi32>
        %add3A_579 = arith.addi %broadcast_in_dim3A_575, %add3A_578 : vector<16xi32>
        %add3A_580 = arith.constant 0 : i32
        %add3A_581 = arith.addi %add3A_574, %add3A_580 : i32
        %get3A = arith.index_cast %add3A_581 : i32 to index
        %get3A_582 = arith.constant 0 : index
        %get3A_583 = tpu.vector_load %arg6[%get3A, %get3A_582] {strides = array<i32>} : memref<128x64xf32, #tpu.memory_space<vmem>>, vector<16xf32>,
        tpu.vector_store_idx %arg8[%add3A_3, %add3A_579], %get3A_583 : memref<64x133xf32, #tpu.memory_space<vmem>>[vector<16xi32>, vector<16xi32>], vector<16xf32>,
        %add3A_584 = arith.constant 0 : i32
        %add3A_585 = arith.addi %add3A_574, %add3A_584 : i32
        %get3A_586 = arith.index_cast %add3A_585 : i32 to index
        %get3A_587 = arith.constant 16 : index
        %get3A_588 = tpu.vector_load %arg6[%get3A_586, %get3A_587] {strides = array<i32>} : memref<128x64xf32, #tpu.memory_space<vmem>>, vector<16xf32>,
        tpu.vector_store_idx %arg8[%add3A_6, %add3A_579], %get3A_588 : memref<64x133xf32, #tpu.memory_space<vmem>>[vector<16xi32>, vector<16xi32>], vector<16xf32>,
        %add3A_589 = arith.constant 0 : i32
        %add3A_590 = arith.addi %add3A_574, %add3A_589 : i32
        %get3A_591 = arith.index_cast %add3A_590 : i32 to index
        %get3A_592 = arith.constant 32 : index
        %get3A_593 = tpu.vector_load %arg6[%get3A_591, %get3A_592] {strides = array<i32>} : memref<128x64xf32, #tpu.memory_space<vmem>>, vector<16xf32>,
        tpu.vector_store_idx %arg8[%add3A_9, %add3A_579], %get3A_593 : memref<64x133xf32, #tpu.memory_space<vmem>>[vector<16xi32>, vector<16xi32>], vector<16xf32>,
        %add3A_594 = arith.constant 0 : i32
        %add3A_595 = arith.addi %add3A_574, %add3A_594 : i32
        %get3A_596 = arith.index_cast %add3A_595 : i32 to index
        %get3A_597 = arith.constant 48 : index
        %get3A_598 = tpu.vector_load %arg6[%get3A_596, %get3A_597] {strides = array<i32>} : memref<128x64xf32, #tpu.memory_space<vmem>>, vector<16xf32>,
        tpu.vector_store_idx %arg8[%add3A_12, %add3A_579], %get3A_598 : memref<64x133xf32, #tpu.memory_space<vmem>>[vector<16xi32>, vector<16xi32>], vector<16xf32>,
        %broadcast_in_dim3A_599 = arith.constant 0 : i32
        %broadcast_in_dim3A_600 = vector.broadcast %broadcast_in_dim3A_599 : i32 to vector<16xi32>
        %add3A_601 = arith.constant 1 : i32
        %add3A_602 = arith.addi %add3A_574, %add3A_601 : i32
        %add3A_603 = vector.broadcast %add3A_602 : i32 to vector<16xi32>
        %add3A_604 = arith.addi %broadcast_in_dim3A_600, %add3A_603 : vector<16xi32>
        %add3A_605 = arith.constant 1 : i32
        %add3A_606 = arith.addi %add3A_574, %add3A_605 : i32
        %get3A_607 = arith.index_cast %add3A_606 : i32 to index
        %get3A_608 = arith.constant 0 : index
        %get3A_609 = tpu.vector_load %arg6[%get3A_607, %get3A_608] {strides = array<i32>} : memref<128x64xf32, #tpu.memory_space<vmem>>, vector<16xf32>,
        tpu.vector_store_idx %arg8[%add3A_3, %add3A_604], %get3A_609 : memref<64x133xf32, #tpu.memory_space<vmem>>[vector<16xi32>, vector<16xi32>], vector<16xf32>,
        %add3A_610 = arith.constant 1 : i32
        %add3A_611 = arith.addi %add3A_574, %add3A_610 : i32
        %get3A_612 = arith.index_cast %add3A_611 : i32 to index
        %get3A_613 = arith.constant 16 : index
        %get3A_614 = tpu.vector_load %arg6[%get3A_612, %get3A_613] {strides = array<i32>} : memref<128x64xf32, #tpu.memory_space<vmem>>, vector<16xf32>,
        tpu.vector_store_idx %arg8[%add3A_6, %add3A_604], %get3A_614 : memref<64x133xf32, #tpu.memory_space<vmem>>[vector<16xi32>, vector<16xi32>], vector<16xf32>,
        %add3A_615 = arith.constant 1 : i32
        %add3A_616 = arith.addi %add3A_574, %add3A_615 : i32
        %get3A_617 = arith.index_cast %add3A_616 : i32 to index
        %get3A_618 = arith.constant 32 : index
        %get3A_619 = tpu.vector_load %arg6[%get3A_617, %get3A_618] {strides = array<i32>} : memref<128x64xf32, #tpu.memory_space<vmem>>, vector<16xf32>,
        tpu.vector_store_idx %arg8[%add3A_9, %add3A_604], %get3A_619 : memref<64x133xf32, #tpu.memory_space<vmem>>[vector<16xi32>, vector<16xi32>], vector<16xf32>,
        %add3A_620 = arith.constant 1 : i32
        %add3A_621 = arith.addi %add3A_574, %add3A_620 : i32
        %get3A_622 = arith.index_cast %add3A_621 : i32 to index
        %get3A_623 = arith.constant 48 : index
        %get3A_624 = tpu.vector_load %arg6[%get3A_622, %get3A_623] {strides = array<i32>} : memref<128x64xf32, #tpu.memory_space<vmem>>, vector<16xf32>,
        tpu.vector_store_idx %arg8[%add3A_12, %add3A_604], %get3A_624 : memref<64x133xf32, #tpu.memory_space<vmem>>[vector<16xi32>, vector<16xi32>], vector<16xf32>,
        %broadcast_in_dim3A_625 = arith.constant 0 : i32
        %broadcast_in_dim3A_626 = vector.broadcast %broadcast_in_dim3A_625 : i32 to vector<16xi32>
        %add3A_627 = arith.constant 2 : i32
        %add3A_628 = arith.addi %add3A_574, %add3A_627 : i32
        %add3A_629 = vector.broadcast %add3A_628 : i32 to vector<16xi32>
        %add3A_630 = arith.addi %broadcast_in_dim3A_626, %add3A_629 : vector<16xi32>
        %add3A_631 = arith.constant 2 : i32
        %add3A_632 = arith.addi %add3A_574, %add3A_631 : i32
        %get3A_633 = arith.index_cast %add3A_632 : i32 to index
        %get3A_634 = arith.constant 0 : index
        %get3A_635 = tpu.vector_load %arg6[%get3A_633, %get3A_634] {strides = array<i32>} : memref<128x64xf32, #tpu.memory_space<vmem>>, vector<16xf32>,
        tpu.vector_store_idx %arg8[%add3A_3, %add3A_630], %get3A_635 : memref<64x133xf32, #tpu.memory_space<vmem>>[vector<16xi32>, vector<16xi32>], vector<16xf32>,
        %add3A_636 = arith.constant 2 : i32
        %add3A_637 = arith.addi %add3A_574, %add3A_636 : i32
        %get3A_638 = arith.index_cast %add3A_637 : i32 to index
        %get3A_639 = arith.constant 16 : index
        %get3A_640 = tpu.vector_load %arg6[%get3A_638, %get3A_639] {strides = array<i32>} : memref<128x64xf32, #tpu.memory_space<vmem>>, vector<16xf32>,
        tpu.vector_store_idx %arg8[%add3A_6, %add3A_630], %get3A_640 : memref<64x133xf32, #tpu.memory_space<vmem>>[vector<16xi32>, vector<16xi32>], vector<16xf32>,
        %add3A_641 = arith.constant 2 : i32
        %add3A_642 = arith.addi %add3A_574, %add3A_641 : i32
        %get3A_643 = arith.index_cast %add3A_642 : i32 to index
        %get3A_644 = arith.constant 32 : index
        %get3A_645 = tpu.vector_load %arg6[%get3A_643, %get3A_644] {strides = array<i32>} : memref<128x64xf32, #tpu.memory_space<vmem>>, vector<16xf32>,
        tpu.vector_store_idx %arg8[%add3A_9, %add3A_630], %get3A_645 : memref<64x133xf32, #tpu.memory_space<vmem>>[vector<16xi32>, vector<16xi32>], vector<16xf32>,
        %add3A_646 = arith.constant 2 : i32
        %add3A_647 = arith.addi %add3A_574, %add3A_646 : i32
        %get3A_648 = arith.index_cast %add3A_647 : i32 to index
        %get3A_649 = arith.constant 48 : index
        %get3A_650 = tpu.vector_load %arg6[%get3A_648, %get3A_649] {strides = array<i32>} : memref<128x64xf32, #tpu.memory_space<vmem>>, vector<16xf32>,
        tpu.vector_store_idx %arg8[%add3A_12, %add3A_630], %get3A_650 : memref<64x133xf32, #tpu.memory_space<vmem>>[vector<16xi32>, vector<16xi32>], vector<16xf32>,
        %broadcast_in_dim3A_651 = arith.constant 0 : i32
        %broadcast_in_dim3A_652 = vector.broadcast %broadcast_in_dim3A_651 : i32 to vector<16xi32>
        %add3A_653 = arith.constant 3 : i32
        %add3A_654 = arith.addi %add3A_574, %add3A_653 : i32
        %add3A_655 = vector.broadcast %add3A_654 : i32 to vector<16xi32>
        %add3A_656 = arith.addi %broadcast_in_dim3A_652, %add3A_655 : vector<16xi32>
        %add3A_657 = arith.constant 3 : i32
        %add3A_658 = arith.addi %add3A_574, %add3A_657 : i32
        %get3A_659 = arith.index_cast %add3A_658 : i32 to index
        %get3A_660 = arith.constant 0 : index
        %get3A_661 = tpu.vector_load %arg6[%get3A_659, %get3A_660] {strides = array<i32>} : memref<128x64xf32, #tpu.memory_space<vmem>>, vector<16xf32>,
        tpu.vector_store_idx %arg8[%add3A_3, %add3A_656], %get3A_661 : memref<64x133xf32, #tpu.memory_space<vmem>>[vector<16xi32>, vector<16xi32>], vector<16xf32>,
        %add3A_662 = arith.constant 3 : i32
        %add3A_663 = arith.addi %add3A_574, %add3A_662 : i32
        %get3A_664 = arith.index_cast %add3A_663 : i32 to index
        %get3A_665 = arith.constant 16 : index
        %get3A_666 = tpu.vector_load %arg6[%get3A_664, %get3A_665] {strides = array<i32>} : memref<128x64xf32, #tpu.memory_space<vmem>>, vector<16xf32>,
        tpu.vector_store_idx %arg8[%add3A_6, %add3A_656], %get3A_666 : memref<64x133xf32, #tpu.memory_space<vmem>>[vector<16xi32>, vector<16xi32>], vector<16xf32>,
        %add3A_667 = arith.constant 3 : i32
        %add3A_668 = arith.addi %add3A_574, %add3A_667 : i32
        %get3A_669 = arith.index_cast %add3A_668 : i32 to index
        %get3A_670 = arith.constant 32 : index
        %get3A_671 = tpu.vector_load %arg6[%get3A_669, %get3A_670] {strides = array<i32>} : memref<128x64xf32, #tpu.memory_space<vmem>>, vector<16xf32>,
        tpu.vector_store_idx %arg8[%add3A_9, %add3A_656], %get3A_671 : memref<64x133xf32, #tpu.memory_space<vmem>>[vector<16xi32>, vector<16xi32>], vector<16xf32>,
        %add3A_672 = arith.constant 3 : i32
        %add3A_673 = arith.addi %add3A_574, %add3A_672 : i32
        %get3A_674 = arith.index_cast %add3A_673 : i32 to index
        %get3A_675 = arith.constant 48 : index
        %get3A_676 = tpu.vector_load %arg6[%get3A_674, %get3A_675] {strides = array<i32>} : memref<128x64xf32, #tpu.memory_space<vmem>>, vector<16xf32>,
        tpu.vector_store_idx %arg8[%add3A_12, %add3A_656], %get3A_676 : memref<64x133xf32, #tpu.memory_space<vmem>>[vector<16xi32>, vector<16xi32>], vector<16xf32>,
        %broadcast_in_dim3A_677 = arith.constant 0 : i32
        %broadcast_in_dim3A_678 = vector.broadcast %broadcast_in_dim3A_677 : i32 to vector<16xi32>
        %add3A_679 = arith.constant 4 : i32
        %add3A_680 = arith.addi %add3A_574, %add3A_679 : i32
        %add3A_681 = vector.broadcast %add3A_680 : i32 to vector<16xi32>
        %add3A_682 = arith.addi %broadcast_in_dim3A_678, %add3A_681 : vector<16xi32>
        %add3A_683 = arith.constant 4 : i32
        %add3A_684 = arith.addi %add3A_574, %add3A_683 : i32
        %get3A_685 = arith.index_cast %add3A_684 : i32 to index
        %get3A_686 = arith.constant 0 : index
        %get3A_687 = tpu.vector_load %arg6[%get3A_685, %get3A_686] {strides = array<i32>} : memref<128x64xf32, #tpu.memory_space<vmem>>, vector<16xf32>,
        tpu.vector_store_idx %arg8[%add3A_3, %add3A_682], %get3A_687 : memref<64x133xf32, #tpu.memory_space<vmem>>[vector<16xi32>, vector<16xi32>], vector<16xf32>,
        %add3A_688 = arith.constant 4 : i32
        %add3A_689 = arith.addi %add3A_574, %add3A_688 : i32
        %get3A_690 = arith.index_cast %add3A_689 : i32 to index
        %get3A_691 = arith.constant 16 : index
        %get3A_692 = tpu.vector_load %arg6[%get3A_690, %get3A_691] {strides = array<i32>} : memref<128x64xf32, #tpu.memory_space<vmem>>, vector<16xf32>,
        tpu.vector_store_idx %arg8[%add3A_6, %add3A_682], %get3A_692 : memref<64x133xf32, #tpu.memory_space<vmem>>[vector<16xi32>, vector<16xi32>], vector<16xf32>,
        %add3A_693 = arith.constant 4 : i32
        %add3A_694 = arith.addi %add3A_574, %add3A_693 : i32
        %get3A_695 = arith.index_cast %add3A_694 : i32 to index
        %get3A_696 = arith.constant 32 : index
        %get3A_697 = tpu.vector_load %arg6[%get3A_695, %get3A_696] {strides = array<i32>} : memref<128x64xf32, #tpu.memory_space<vmem>>, vector<16xf32>,
        tpu.vector_store_idx %arg8[%add3A_9, %add3A_682], %get3A_697 : memref<64x133xf32, #tpu.memory_space<vmem>>[vector<16xi32>, vector<16xi32>], vector<16xf32>,
        %add3A_698 = arith.constant 4 : i32
        %add3A_699 = arith.addi %add3A_574, %add3A_698 : i32
        %get3A_700 = arith.index_cast %add3A_699 : i32 to index
        %get3A_701 = arith.constant 48 : index
        %get3A_702 = tpu.vector_load %arg6[%get3A_700, %get3A_701] {strides = array<i32>} : memref<128x64xf32, #tpu.memory_space<vmem>>, vector<16xf32>,
        tpu.vector_store_idx %arg8[%add3A_12, %add3A_682], %get3A_702 : memref<64x133xf32, #tpu.memory_space<vmem>>[vector<16xi32>, vector<16xi32>], vector<16xf32>,
        %broadcast_in_dim3A_703 = arith.constant 0 : i32
        %broadcast_in_dim3A_704 = vector.broadcast %broadcast_in_dim3A_703 : i32 to vector<16xi32>
        %add3A_705 = arith.constant 5 : i32
        %add3A_706 = arith.addi %add3A_574, %add3A_705 : i32
        %add3A_707 = vector.broadcast %add3A_706 : i32 to vector<16xi32>
        %add3A_708 = arith.addi %broadcast_in_dim3A_704, %add3A_707 : vector<16xi32>
        %add3A_709 = arith.constant 5 : i32
        %add3A_710 = arith.addi %add3A_574, %add3A_709 : i32
        %get3A_711 = arith.index_cast %add3A_710 : i32 to index
        %get3A_712 = arith.constant 0 : index
        %get3A_713 = tpu.vector_load %arg6[%get3A_711, %get3A_712] {strides = array<i32>} : memref<128x64xf32, #tpu.memory_space<vmem>>, vector<16xf32>,
        tpu.vector_store_idx %arg8[%add3A_3, %add3A_708], %get3A_713 : memref<64x133xf32, #tpu.memory_space<vmem>>[vector<16xi32>, vector<16xi32>], vector<16xf32>,
        %add3A_714 = arith.constant 5 : i32
        %add3A_715 = arith.addi %add3A_574, %add3A_714 : i32
        %get3A_716 = arith.index_cast %add3A_715 : i32 to index
        %get3A_717 = arith.constant 16 : index
        %get3A_718 = tpu.vector_load %arg6[%get3A_716, %get3A_717] {strides = array<i32>} : memref<128x64xf32, #tpu.memory_space<vmem>>, vector<16xf32>,
        tpu.vector_store_idx %arg8[%add3A_6, %add3A_708], %get3A_718 : memref<64x133xf32, #tpu.memory_space<vmem>>[vector<16xi32>, vector<16xi32>], vector<16xf32>,
        %add3A_719 = arith.constant 5 : i32
        %add3A_720 = arith.addi %add3A_574, %add3A_719 : i32
        %get3A_721 = arith.index_cast %add3A_720 : i32 to index
        %get3A_722 = arith.constant 32 : index
        %get3A_723 = tpu.vector_load %arg6[%get3A_721, %get3A_722] {strides = array<i32>} : memref<128x64xf32, #tpu.memory_space<vmem>>, vector<16xf32>,
        tpu.vector_store_idx %arg8[%add3A_9, %add3A_708], %get3A_723 : memref<64x133xf32, #tpu.memory_space<vmem>>[vector<16xi32>, vector<16xi32>], vector<16xf32>,
        %add3A_724 = arith.constant 5 : i32
        %add3A_725 = arith.addi %add3A_574, %add3A_724 : i32
        %get3A_726 = arith.index_cast %add3A_725 : i32 to index
        %get3A_727 = arith.constant 48 : index
        %get3A_728 = tpu.vector_load %arg6[%get3A_726, %get3A_727] {strides = array<i32>} : memref<128x64xf32, #tpu.memory_space<vmem>>, vector<16xf32>,
        tpu.vector_store_idx %arg8[%add3A_12, %add3A_708], %get3A_728 : memref<64x133xf32, #tpu.memory_space<vmem>>[vector<16xi32>, vector<16xi32>], vector<16xf32>,
        %broadcast_in_dim3A_729 = arith.constant 0 : i32
        %broadcast_in_dim3A_730 = vector.broadcast %broadcast_in_dim3A_729 : i32 to vector<16xi32>
        %add3A_731 = arith.constant 6 : i32
        %add3A_732 = arith.addi %add3A_574, %add3A_731 : i32
        %add3A_733 = vector.broadcast %add3A_732 : i32 to vector<16xi32>
        %add3A_734 = arith.addi %broadcast_in_dim3A_730, %add3A_733 : vector<16xi32>
        %add3A_735 = arith.constant 6 : i32
        %add3A_736 = arith.addi %add3A_574, %add3A_735 : i32
        %get3A_737 = arith.index_cast %add3A_736 : i32 to index
        %get3A_738 = arith.constant 0 : index
        %get3A_739 = tpu.vector_load %arg6[%get3A_737, %get3A_738] {strides = array<i32>} : memref<128x64xf32, #tpu.memory_space<vmem>>, vector<16xf32>,
        tpu.vector_store_idx %arg8[%add3A_3, %add3A_734], %get3A_739 : memref<64x133xf32, #tpu.memory_space<vmem>>[vector<16xi32>, vector<16xi32>], vector<16xf32>,
        %add3A_740 = arith.constant 6 : i32
        %add3A_741 = arith.addi %add3A_574, %add3A_740 : i32
        %get3A_742 = arith.index_cast %add3A_741 : i32 to index
        %get3A_743 = arith.constant 16 : index
        %get3A_744 = tpu.vector_load %arg6[%get3A_742, %get3A_743] {strides = array<i32>} : memref<128x64xf32, #tpu.memory_space<vmem>>, vector<16xf32>,
        tpu.vector_store_idx %arg8[%add3A_6, %add3A_734], %get3A_744 : memref<64x133xf32, #tpu.memory_space<vmem>>[vector<16xi32>, vector<16xi32>], vector<16xf32>,
        %add3A_745 = arith.constant 6 : i32
        %add3A_746 = arith.addi %add3A_574, %add3A_745 : i32
        %get3A_747 = arith.index_cast %add3A_746 : i32 to index
        %get3A_748 = arith.constant 32 : index
        %get3A_749 = tpu.vector_load %arg6[%get3A_747, %get3A_748] {strides = array<i32>} : memref<128x64xf32, #tpu.memory_space<vmem>>, vector<16xf32>,
        tpu.vector_store_idx %arg8[%add3A_9, %add3A_734], %get3A_749 : memref<64x133xf32, #tpu.memory_space<vmem>>[vector<16xi32>, vector<16xi32>], vector<16xf32>,
        %add3A_750 = arith.constant 6 : i32
        %add3A_751 = arith.addi %add3A_574, %add3A_750 : i32
        %get3A_752 = arith.index_cast %add3A_751 : i32 to index
        %get3A_753 = arith.constant 48 : index
        %get3A_754 = tpu.vector_load %arg6[%get3A_752, %get3A_753] {strides = array<i32>} : memref<128x64xf32, #tpu.memory_space<vmem>>, vector<16xf32>,
        tpu.vector_store_idx %arg8[%add3A_12, %add3A_734], %get3A_754 : memref<64x133xf32, #tpu.memory_space<vmem>>[vector<16xi32>, vector<16xi32>], vector<16xf32>,
        %broadcast_in_dim3A_755 = arith.constant 0 : i32
        %broadcast_in_dim3A_756 = vector.broadcast %broadcast_in_dim3A_755 : i32 to vector<16xi32>
        %add3A_757 = arith.constant 7 : i32
        %add3A_758 = arith.addi %add3A_574, %add3A_757 : i32
        %add3A_759 = vector.broadcast %add3A_758 : i32 to vector<16xi32>
        %add3A_760 = arith.addi %broadcast_in_dim3A_756, %add3A_759 : vector<16xi32>
        %add3A_761 = arith.constant 7 : i32
        %add3A_762 = arith.addi %add3A_574, %add3A_761 : i32
        %get3A_763 = arith.index_cast %add3A_762 : i32 to index
        %get3A_764 = arith.constant 0 : index
        %get3A_765 = tpu.vector_load %arg6[%get3A_763, %get3A_764] {strides = array<i32>} : memref<128x64xf32, #tpu.memory_space<vmem>>, vector<16xf32>,
        tpu.vector_store_idx %arg8[%add3A_3, %add3A_760], %get3A_765 : memref<64x133xf32, #tpu.memory_space<vmem>>[vector<16xi32>, vector<16xi32>], vector<16xf32>,
        %add3A_766 = arith.constant 7 : i32
        %add3A_767 = arith.addi %add3A_574, %add3A_766 : i32
        %get3A_768 = arith.index_cast %add3A_767 : i32 to index
        %get3A_769 = arith.constant 16 : index
        %get3A_770 = tpu.vector_load %arg6[%get3A_768, %get3A_769] {strides = array<i32>} : memref<128x64xf32, #tpu.memory_space<vmem>>, vector<16xf32>,
        tpu.vector_store_idx %arg8[%add3A_6, %add3A_760], %get3A_770 : memref<64x133xf32, #tpu.memory_space<vmem>>[vector<16xi32>, vector<16xi32>], vector<16xf32>,
        %add3A_771 = arith.constant 7 : i32
        %add3A_772 = arith.addi %add3A_574, %add3A_771 : i32
        %get3A_773 = arith.index_cast %add3A_772 : i32 to index
        %get3A_774 = arith.constant 32 : index
        %get3A_775 = tpu.vector_load %arg6[%get3A_773, %get3A_774] {strides = array<i32>} : memref<128x64xf32, #tpu.memory_space<vmem>>, vector<16xf32>,
        tpu.vector_store_idx %arg8[%add3A_9, %add3A_760], %get3A_775 : memref<64x133xf32, #tpu.memory_space<vmem>>[vector<16xi32>, vector<16xi32>], vector<16xf32>,
        %add3A_776 = arith.constant 7 : i32
        %add3A_777 = arith.addi %add3A_574, %add3A_776 : i32
        %get3A_778 = arith.index_cast %add3A_777 : i32 to index
        %get3A_779 = arith.constant 48 : index
        %get3A_780 = tpu.vector_load %arg6[%get3A_778, %get3A_779] {strides = array<i32>} : memref<128x64xf32, #tpu.memory_space<vmem>>, vector<16xf32>,
        tpu.vector_store_idx %arg8[%add3A_12, %add3A_760], %get3A_780 : memref<64x133xf32, #tpu.memory_space<vmem>>[vector<16xi32>, vector<16xi32>], vector<16xf32>,
      }
      %scan3A_304 = arith.constant 16 : i32
      %dma_start3A_305 = arith.constant 0 : i32
      %dma_start3A_306 = arith.constant 0 : i32
      %dma_start3A_307 = arith.constant 0 : i32
      %dma_start3A_308 = tpu.memref_slice %arg8[%dma_start3A_306, %dma_start3A_307] : memref<64x133xf32, #tpu.memory_space<vmem>> -> memref<8x128xf32, #tpu.memory_space<vmem>>
      %dma_start3A_309 = arith.constant 0 : i32
      %dma_start3A_310 = arith.constant 0 : i32
      %dma_start3A_311 = tpu.memref_slice %arg4[%add3A_285, %dma_start3A_305, %add3A, %dma_start3A_309, %dma_start3A_310] : memref<200x8x32x8x128xf32, #tpu.memory_space<hbm>> -> memref<1x1x1x8x128xf32, #tpu.memory_space<hbm>>
      %dma_start3A_312 = tpu.memref_squeeze %dma_start3A_311 : memref<1x1x1x8x128xf32, #tpu.memory_space<hbm>> -> memref<8x128xf32, #tpu.memory_space<hbm>>
      %dma_start3A_313 = arith.constant 0 : i32
      %dma_start3A_314 = arith.constant 0 : i32
      %dma_start3A_315 = tpu.memref_slice %arg4[%add3A_285, %dma_start3A_305, %add3A, %dma_start3A_313, %dma_start3A_314] : memref<200x8x32x8x128xf32, #tpu.memory_space<hbm>> -> memref<1x1x1x8x128xf32, #tpu.memory_space<hbm>>
      %dma_start3A_316 = tpu.memref_squeeze %dma_start3A_315 : memref<1x1x1x8x128xf32, #tpu.memory_space<hbm>> -> memref<8x128xf32, #tpu.memory_space<hbm>>
      %dma_start3A_317 = arith.constant 0 : i32
      %dma_start3A_318 = arith.constant 0 : i32
      %dma_start3A_319 = tpu.memref_slice %arg8[%dma_start3A_317, %dma_start3A_318] : memref<64x133xf32, #tpu.memory_space<vmem>> -> memref<8x128xf32, #tpu.memory_space<vmem>>
      tpu.enqueue_dma source(%dma_start3A_319 : memref<8x128xf32, #tpu.memory_space<vmem>>) target(%dma_start3A_316 : memref<8x128xf32, #tpu.memory_space<hbm>>) target_semaphore(%arg12 : memref<!tpu.dma_semaphore, #tpu.memory_space<semaphore_mem>>)
      %dma_start3A_320 = arith.constant 1 : i32
      %dma_start3A_321 = arith.constant 8 : i32
      %dma_start3A_322 = arith.constant 0 : i32
      %dma_start3A_323 = tpu.memref_slice %arg8[%dma_start3A_321, %dma_start3A_322] : memref<64x133xf32, #tpu.memory_space<vmem>> -> memref<8x128xf32, #tpu.memory_space<vmem>>
      %dma_start3A_324 = arith.constant 0 : i32
      %dma_start3A_325 = arith.constant 0 : i32
      %dma_start3A_326 = tpu.memref_slice %arg4[%add3A_285, %dma_start3A_320, %add3A, %dma_start3A_324, %dma_start3A_325] : memref<200x8x32x8x128xf32, #tpu.memory_space<hbm>> -> memref<1x1x1x8x128xf32, #tpu.memory_space<hbm>>
      %dma_start3A_327 = tpu.memref_squeeze %dma_start3A_326 : memref<1x1x1x8x128xf32, #tpu.memory_space<hbm>> -> memref<8x128xf32, #tpu.memory_space<hbm>>
      %dma_start3A_328 = arith.constant 0 : i32
      %dma_start3A_329 = arith.constant 0 : i32
      %dma_start3A_330 = tpu.memref_slice %arg4[%add3A_285, %dma_start3A_320, %add3A, %dma_start3A_328, %dma_start3A_329] : memref<200x8x32x8x128xf32, #tpu.memory_space<hbm>> -> memref<1x1x1x8x128xf32, #tpu.memory_space<hbm>>
      %dma_start3A_331 = tpu.memref_squeeze %dma_start3A_330 : memref<1x1x1x8x128xf32, #tpu.memory_space<hbm>> -> memref<8x128xf32, #tpu.memory_space<hbm>>
      %dma_start3A_332 = arith.constant 8 : i32
      %dma_start3A_333 = arith.constant 0 : i32
      %dma_start3A_334 = tpu.memref_slice %arg8[%dma_start3A_332, %dma_start3A_333] : memref<64x133xf32, #tpu.memory_space<vmem>> -> memref<8x128xf32, #tpu.memory_space<vmem>>
      tpu.enqueue_dma source(%dma_start3A_334 : memref<8x128xf32, #tpu.memory_space<vmem>>) target(%dma_start3A_331 : memref<8x128xf32, #tpu.memory_space<hbm>>) target_semaphore(%arg12 : memref<!tpu.dma_semaphore, #tpu.memory_space<semaphore_mem>>)
      %dma_start3A_335 = arith.constant 2 : i32
      %dma_start3A_336 = arith.constant 16 : i32
      %dma_start3A_337 = arith.constant 0 : i32
      %dma_start3A_338 = tpu.memref_slice %arg8[%dma_start3A_336, %dma_start3A_337] : memref<64x133xf32, #tpu.memory_space<vmem>> -> memref<8x128xf32, #tpu.memory_space<vmem>>
      %dma_start3A_339 = arith.constant 0 : i32
      %dma_start3A_340 = arith.constant 0 : i32
      %dma_start3A_341 = tpu.memref_slice %arg4[%add3A_285, %dma_start3A_335, %add3A, %dma_start3A_339, %dma_start3A_340] : memref<200x8x32x8x128xf32, #tpu.memory_space<hbm>> -> memref<1x1x1x8x128xf32, #tpu.memory_space<hbm>>
      %dma_start3A_342 = tpu.memref_squeeze %dma_start3A_341 : memref<1x1x1x8x128xf32, #tpu.memory_space<hbm>> -> memref<8x128xf32, #tpu.memory_space<hbm>>
      %dma_start3A_343 = arith.constant 0 : i32
      %dma_start3A_344 = arith.constant 0 : i32
      %dma_start3A_345 = tpu.memref_slice %arg4[%add3A_285, %dma_start3A_335, %add3A, %dma_start3A_343, %dma_start3A_344] : memref<200x8x32x8x128xf32, #tpu.memory_space<hbm>> -> memref<1x1x1x8x128xf32, #tpu.memory_space<hbm>>
      %dma_start3A_346 = tpu.memref_squeeze %dma_start3A_345 : memref<1x1x1x8x128xf32, #tpu.memory_space<hbm>> -> memref<8x128xf32, #tpu.memory_space<hbm>>
      %dma_start3A_347 = arith.constant 16 : i32
      %dma_start3A_348 = arith.constant 0 : i32
      %dma_start3A_349 = tpu.memref_slice %arg8[%dma_start3A_347, %dma_start3A_348] : memref<64x133xf32, #tpu.memory_space<vmem>> -> memref<8x128xf32, #tpu.memory_space<vmem>>
      tpu.enqueue_dma source(%dma_start3A_349 : memref<8x128xf32, #tpu.memory_space<vmem>>) target(%dma_start3A_346 : memref<8x128xf32, #tpu.memory_space<hbm>>) target_semaphore(%arg12 : memref<!tpu.dma_semaphore, #tpu.memory_space<semaphore_mem>>)
      %dma_start3A_350 = arith.constant 3 : i32
      %dma_start3A_351 = arith.constant 24 : i32
      %dma_start3A_352 = arith.constant 0 : i32
      %dma_start3A_353 = tpu.memref_slice %arg8[%dma_start3A_351, %dma_start3A_352] : memref<64x133xf32, #tpu.memory_space<vmem>> -> memref<8x128xf32, #tpu.memory_space<vmem>>
      %dma_start3A_354 = arith.constant 0 : i32
      %dma_start3A_355 = arith.constant 0 : i32
      %dma_start3A_356 = tpu.memref_slice %arg4[%add3A_285, %dma_start3A_350, %add3A, %dma_start3A_354, %dma_start3A_355] : memref<200x8x32x8x128xf32, #tpu.memory_space<hbm>> -> memref<1x1x1x8x128xf32, #tpu.memory_space<hbm>>
      %dma_start3A_357 = tpu.memref_squeeze %dma_start3A_356 : memref<1x1x1x8x128xf32, #tpu.memory_space<hbm>> -> memref<8x128xf32, #tpu.memory_space<hbm>>
      %dma_start3A_358 = arith.constant 0 : i32
      %dma_start3A_359 = arith.constant 0 : i32
      %dma_start3A_360 = tpu.memref_slice %arg4[%add3A_285, %dma_start3A_350, %add3A, %dma_start3A_358, %dma_start3A_359] : memref<200x8x32x8x128xf32, #tpu.memory_space<hbm>> -> memref<1x1x1x8x128xf32, #tpu.memory_space<hbm>>
      %dma_start3A_361 = tpu.memref_squeeze %dma_start3A_360 : memref<1x1x1x8x128xf32, #tpu.memory_space<hbm>> -> memref<8x128xf32, #tpu.memory_space<hbm>>
      %dma_start3A_362 = arith.constant 24 : i32
      %dma_start3A_363 = arith.constant 0 : i32
      %dma_start3A_364 = tpu.memref_slice %arg8[%dma_start3A_362, %dma_start3A_363] : memref<64x133xf32, #tpu.memory_space<vmem>> -> memref<8x128xf32, #tpu.memory_space<vmem>>
      tpu.enqueue_dma source(%dma_start3A_364 : memref<8x128xf32, #tpu.memory_space<vmem>>) target(%dma_start3A_361 : memref<8x128xf32, #tpu.memory_space<hbm>>) target_semaphore(%arg12 : memref<!tpu.dma_semaphore, #tpu.memory_space<semaphore_mem>>)
      %dma_start3A_365 = arith.constant 4 : i32
      %dma_start3A_366 = arith.constant 32 : i32
      %dma_start3A_367 = arith.constant 0 : i32
      %dma_start3A_368 = tpu.memref_slice %arg8[%dma_start3A_366, %dma_start3A_367] : memref<64x133xf32, #tpu.memory_space<vmem>> -> memref<8x128xf32, #tpu.memory_space<vmem>>
      %dma_start3A_369 = arith.constant 0 : i32
      %dma_start3A_370 = arith.constant 0 : i32
      %dma_start3A_371 = tpu.memref_slice %arg4[%add3A_285, %dma_start3A_365, %add3A, %dma_start3A_369, %dma_start3A_370] : memref<200x8x32x8x128xf32, #tpu.memory_space<hbm>> -> memref<1x1x1x8x128xf32, #tpu.memory_space<hbm>>
      %dma_start3A_372 = tpu.memref_squeeze %dma_start3A_371 : memref<1x1x1x8x128xf32, #tpu.memory_space<hbm>> -> memref<8x128xf32, #tpu.memory_space<hbm>>
      %dma_start3A_373 = arith.constant 0 : i32
      %dma_start3A_374 = arith.constant 0 : i32
      %dma_start3A_375 = tpu.memref_slice %arg4[%add3A_285, %dma_start3A_365, %add3A, %dma_start3A_373, %dma_start3A_374] : memref<200x8x32x8x128xf32, #tpu.memory_space<hbm>> -> memref<1x1x1x8x128xf32, #tpu.memory_space<hbm>>
      %dma_start3A_376 = tpu.memref_squeeze %dma_start3A_375 : memref<1x1x1x8x128xf32, #tpu.memory_space<hbm>> -> memref<8x128xf32, #tpu.memory_space<hbm>>
      %dma_start3A_377 = arith.constant 32 : i32
      %dma_start3A_378 = arith.constant 0 : i32
      %dma_start3A_379 = tpu.memref_slice %arg8[%dma_start3A_377, %dma_start3A_378] : memref<64x133xf32, #tpu.memory_space<vmem>> -> memref<8x128xf32, #tpu.memory_space<vmem>>
      tpu.enqueue_dma source(%dma_start3A_379 : memref<8x128xf32, #tpu.memory_space<vmem>>) target(%dma_start3A_376 : memref<8x128xf32, #tpu.memory_space<hbm>>) target_semaphore(%arg12 : memref<!tpu.dma_semaphore, #tpu.memory_space<semaphore_mem>>)
      %dma_start3A_380 = arith.constant 5 : i32
      %dma_start3A_381 = arith.constant 40 : i32
      %dma_start3A_382 = arith.constant 0 : i32
      %dma_start3A_383 = tpu.memref_slice %arg8[%dma_start3A_381, %dma_start3A_382] : memref<64x133xf32, #tpu.memory_space<vmem>> -> memref<8x128xf32, #tpu.memory_space<vmem>>
      %dma_start3A_384 = arith.constant 0 : i32
      %dma_start3A_385 = arith.constant 0 : i32
      %dma_start3A_386 = tpu.memref_slice %arg4[%add3A_285, %dma_start3A_380, %add3A, %dma_start3A_384, %dma_start3A_385] : memref<200x8x32x8x128xf32, #tpu.memory_space<hbm>> -> memref<1x1x1x8x128xf32, #tpu.memory_space<hbm>>
      %dma_start3A_387 = tpu.memref_squeeze %dma_start3A_386 : memref<1x1x1x8x128xf32, #tpu.memory_space<hbm>> -> memref<8x128xf32, #tpu.memory_space<hbm>>
      %dma_start3A_388 = arith.constant 0 : i32
      %dma_start3A_389 = arith.constant 0 : i32
      %dma_start3A_390 = tpu.memref_slice %arg4[%add3A_285, %dma_start3A_380, %add3A, %dma_start3A_388, %dma_start3A_389] : memref<200x8x32x8x128xf32, #tpu.memory_space<hbm>> -> memref<1x1x1x8x128xf32, #tpu.memory_space<hbm>>
      %dma_start3A_391 = tpu.memref_squeeze %dma_start3A_390 : memref<1x1x1x8x128xf32, #tpu.memory_space<hbm>> -> memref<8x128xf32, #tpu.memory_space<hbm>>
      %dma_start3A_392 = arith.constant 40 : i32
      %dma_start3A_393 = arith.constant 0 : i32
      %dma_start3A_394 = tpu.memref_slice %arg8[%dma_start3A_392, %dma_start3A_393] : memref<64x133xf32, #tpu.memory_space<vmem>> -> memref<8x128xf32, #tpu.memory_space<vmem>>
      tpu.enqueue_dma source(%dma_start3A_394 : memref<8x128xf32, #tpu.memory_space<vmem>>) target(%dma_start3A_391 : memref<8x128xf32, #tpu.memory_space<hbm>>) target_semaphore(%arg12 : memref<!tpu.dma_semaphore, #tpu.memory_space<semaphore_mem>>)
      %dma_start3A_395 = arith.constant 6 : i32
      %dma_start3A_396 = arith.constant 48 : i32
      %dma_start3A_397 = arith.constant 0 : i32
      %dma_start3A_398 = tpu.memref_slice %arg8[%dma_start3A_396, %dma_start3A_397] : memref<64x133xf32, #tpu.memory_space<vmem>> -> memref<8x128xf32, #tpu.memory_space<vmem>>
      %dma_start3A_399 = arith.constant 0 : i32
      %dma_start3A_400 = arith.constant 0 : i32
      %dma_start3A_401 = tpu.memref_slice %arg4[%add3A_285, %dma_start3A_395, %add3A, %dma_start3A_399, %dma_start3A_400] : memref<200x8x32x8x128xf32, #tpu.memory_space<hbm>> -> memref<1x1x1x8x128xf32, #tpu.memory_space<hbm>>
      %dma_start3A_402 = tpu.memref_squeeze %dma_start3A_401 : memref<1x1x1x8x128xf32, #tpu.memory_space<hbm>> -> memref<8x128xf32, #tpu.memory_space<hbm>>
      %dma_start3A_403 = arith.constant 0 : i32
      %dma_start3A_404 = arith.constant 0 : i32
      %dma_start3A_405 = tpu.memref_slice %arg4[%add3A_285, %dma_start3A_395, %add3A, %dma_start3A_403, %dma_start3A_404] : memref<200x8x32x8x128xf32, #tpu.memory_space<hbm>> -> memref<1x1x1x8x128xf32, #tpu.memory_space<hbm>>
      %dma_start3A_406 = tpu.memref_squeeze %dma_start3A_405 : memref<1x1x1x8x128xf32, #tpu.memory_space<hbm>> -> memref<8x128xf32, #tpu.memory_space<hbm>>
      %dma_start3A_407 = arith.constant 48 : i32
      %dma_start3A_408 = arith.constant 0 : i32
      %dma_start3A_409 = tpu.memref_slice %arg8[%dma_start3A_407, %dma_start3A_408] : memref<64x133xf32, #tpu.memory_space<vmem>> -> memref<8x128xf32, #tpu.memory_space<vmem>>
      tpu.enqueue_dma source(%dma_start3A_409 : memref<8x128xf32, #tpu.memory_space<vmem>>) target(%dma_start3A_406 : memref<8x128xf32, #tpu.memory_space<hbm>>) target_semaphore(%arg12 : memref<!tpu.dma_semaphore, #tpu.memory_space<semaphore_mem>>)
      %dma_start3A_410 = arith.constant 7 : i32
      %dma_start3A_411 = arith.constant 56 : i32
      %dma_start3A_412 = arith.constant 0 : i32
      %dma_start3A_413 = tpu.memref_slice %arg8[%dma_start3A_411, %dma_start3A_412] : memref<64x133xf32, #tpu.memory_space<vmem>> -> memref<8x128xf32, #tpu.memory_space<vmem>>
      %dma_start3A_414 = arith.constant 0 : i32
      %dma_start3A_415 = arith.constant 0 : i32
      %dma_start3A_416 = tpu.memref_slice %arg4[%add3A_285, %dma_start3A_410, %add3A, %dma_start3A_414, %dma_start3A_415] : memref<200x8x32x8x128xf32, #tpu.memory_space<hbm>> -> memref<1x1x1x8x128xf32, #tpu.memory_space<hbm>>
      %dma_start3A_417 = tpu.memref_squeeze %dma_start3A_416 : memref<1x1x1x8x128xf32, #tpu.memory_space<hbm>> -> memref<8x128xf32, #tpu.memory_space<hbm>>
      %dma_start3A_418 = arith.constant 0 : i32
      %dma_start3A_419 = arith.constant 0 : i32
      %dma_start3A_420 = tpu.memref_slice %arg4[%add3A_285, %dma_start3A_410, %add3A, %dma_start3A_418, %dma_start3A_419] : memref<200x8x32x8x128xf32, #tpu.memory_space<hbm>> -> memref<1x1x1x8x128xf32, #tpu.memory_space<hbm>>
      %dma_start3A_421 = tpu.memref_squeeze %dma_start3A_420 : memref<1x1x1x8x128xf32, #tpu.memory_space<hbm>> -> memref<8x128xf32, #tpu.memory_space<hbm>>
      %dma_start3A_422 = arith.constant 56 : i32
      %dma_start3A_423 = arith.constant 0 : i32
      %dma_start3A_424 = tpu.memref_slice %arg8[%dma_start3A_422, %dma_start3A_423] : memref<64x133xf32, #tpu.memory_space<vmem>> -> memref<8x128xf32, #tpu.memory_space<vmem>>
      tpu.enqueue_dma source(%dma_start3A_424 : memref<8x128xf32, #tpu.memory_space<vmem>>) target(%dma_start3A_421 : memref<8x128xf32, #tpu.memory_space<hbm>>) target_semaphore(%arg12 : memref<!tpu.dma_semaphore, #tpu.memory_space<semaphore_mem>>)
      %add3A_425 = arith.constant 1 : i32
      %add3A_426 = arith.addi %add3A_283, %add3A_425 : i32
      %add3A_427 = arith.constant 1 : i32
      %add3A_428 = arith.addi %add3A_426, %add3A_427 : i32
      %lt3A_429 = arith.constant 200 : i32
      %lt3A_430 = arith.cmpi slt, %add3A_428, %lt3A_429 : i32
      %convert_element_type3A_431 = arith.extui %lt3A_430 : i1 to i32
      %cond3A_432 = arith.constant 0 : i32
      %cond3A_433 = arith.cmpi ne, %convert_element_type3A_431, %cond3A_432 : i32
      scf.if %cond3A_433 {
        %add3A_570 = arith.constant 1 : i32
        %add3A_571 = arith.addi %add3A_426, %add3A_570 : i32
        %jit3A = arith.constant 8 : i32
        %div3A = arith.divsi %add3A_571, %jit3A : i32
        %sign3A = arith.constant 0 : i32
        %sign3A_572 = arith.cmpi sgt, %add3A_571, %sign3A : i32
        %sign3A_573 = arith.extui %sign3A_572 : i1 to i32
        %sign3A_574 = arith.constant 0 : i32
        %sign3A_575 = arith.cmpi slt, %add3A_571, %sign3A_574 : i32
        %sign3A_576 = arith.extui %sign3A_575 : i1 to i32
        %sign3A_577 = arith.subi %sign3A_573, %sign3A_576 : i32
        %sign3A_578 = arith.constant 0 : i32
        %sign3A_579 = arith.cmpi sgt, %jit3A, %sign3A_578 : i32
        %sign3A_580 = arith.extui %sign3A_579 : i1 to i32
        %sign3A_581 = arith.constant 0 : i32
        %sign3A_582 = arith.cmpi slt, %jit3A, %sign3A_581 : i32
        %sign3A_583 = arith.extui %sign3A_582 : i1 to i32
        %sign3A_584 = arith.subi %sign3A_580, %sign3A_583 : i32
        %ne3A = arith.cmpi ne, %sign3A_577, %sign3A_584 : i32
        %rem3A = arith.remsi %add3A_571, %jit3A : i32
        %ne3A_585 = arith.constant 0 : i32
        %ne3A_586 = arith.cmpi ne, %rem3A, %ne3A_585 : i32
        %and3A = arith.andi %ne3A, %ne3A_586 : i1
        %sub3A = arith.constant 1 : i32
        %sub3A_587 = arith.subi %div3A, %sub3A : i32
        %select_n3A = arith.select %and3A, %sub3A_587, %div3A : i32
        %jit3A_588 = arith.constant 8 : i32
        %eq3A = arith.constant 0 : i32
        %eq3A_589 = arith.cmpi eq, %jit3A_588, %eq3A : i32
        %jit3A_590 = arith.constant 1 : i32
        %select_n3A_591 = arith.select %eq3A_589, %jit3A_590, %jit3A_588 : i32
        %rem3A_592 = arith.remsi %add3A_571, %select_n3A_591 : i32
        %ne3A_593 = arith.constant 0 : i32
        %ne3A_594 = arith.cmpi ne, %rem3A_592, %ne3A_593 : i32
        %lt3A_595 = arith.constant 0 : i32
        %lt3A_596 = arith.cmpi slt, %rem3A_592, %lt3A_595 : i32
        %lt3A_597 = arith.constant 0 : i32
        %lt3A_598 = arith.cmpi slt, %select_n3A_591, %lt3A_597 : i32
        %ne3A_599 = arith.xori %lt3A_596, %lt3A_598 : i1
        %and3A_600 = arith.andi %ne3A_599, %ne3A_594 : i1
        %add3A_601 = arith.addi %rem3A_592, %select_n3A_591 : i32
        %select_n3A_602 = arith.select %and3A_600, %add3A_601, %rem3A_592 : i32
        %dma_start3A_603 = arith.constant 0 : i32
        %dma_start3A_604 = tpu.memref_slice %arg5[%select_n3A, %select_n3A_602, %dma_start3A_603] : memref<25x8x128xi32, #tpu.memory_space<vmem>> -> memref<1x1x128xi32, #tpu.memory_space<vmem>>
        %dma_start3A_605 = tpu.memref_squeeze %dma_start3A_604 : memref<1x1x128xi32, #tpu.memory_space<vmem>> -> memref<128xi32, #tpu.memory_space<vmem>>
        %dma_start3A_606 = arith.constant 0 : i32
        %dma_start3A_607 = arith.constant 0 : i32
        %dma_start3A_608 = tpu.memref_slice %arg3[%dma_start3A_606, %dma_start3A_607] : memref<2000000x64xf32, #tpu.memory_space<hbm>> -> memref<2000000x64xf32, #tpu.memory_space<hbm>>
        tpu.enqueue_indirect_dma source(%dma_start3A_608 : memref<2000000x64xf32, #tpu.memory_space<hbm>>) target(%arg6 : memref<128x64xf32, #tpu.memory_space<vmem>>) offsets(%dma_start3A_605 : memref<128xi32, #tpu.memory_space<vmem>>) semaphore(%arg10 : memref<!tpu.dma_semaphore, #tpu.memory_space<semaphore_mem>>)
      } else {
      }
      %dma_wait3A_434 = arith.constant 0 : i32
      %dma_wait3A_435 = arith.constant 0 : i32
      %dma_wait3A_436 = tpu.memref_slice %arg3[%dma_wait3A_434, %dma_wait3A_435] : memref<2000000x64xf32, #tpu.memory_space<hbm>> -> memref<128x64xf32, #tpu.memory_space<hbm>>
      %dma_wait3A_437 = arith.constant 0 : i32
      %dma_wait3A_438 = arith.constant 0 : i32
      %dma_wait3A_439 = tpu.memref_slice %arg3[%dma_wait3A_437, %dma_wait3A_438] : memref<2000000x64xf32, #tpu.memory_space<hbm>> -> memref<128x64xf32, #tpu.memory_space<hbm>>
      tpu.wait_dma2 semaphore(%arg11 : memref<!tpu.dma_semaphore, #tpu.memory_space<semaphore_mem>>) src(%dma_wait3A_439 : memref<128x64xf32, #tpu.memory_space<hbm>>) dst(%arg7 : memref<128x64xf32, #tpu.memory_space<vmem>>)
      %ge3A_440 = arith.constant 2 : i32
      %ge3A_441 = arith.cmpi sge, %add3A_426, %ge3A_440 : i32
      %convert_element_type3A_442 = arith.extui %ge3A_441 : i1 to i32
      %cond3A_443 = arith.constant 0 : i32
      %cond3A_444 = arith.cmpi ne, %convert_element_type3A_442, %cond3A_443 : i32
      scf.if %cond3A_444 {
        %dma_wait3A_570 = arith.constant 0 : i32
        %dma_wait3A_571 = arith.constant 0 : i32
        %dma_wait3A_572 = arith.constant 0 : i32
        %dma_wait3A_573 = arith.constant 0 : i32
        %dma_wait3A_574 = tpu.memref_slice %arg9[%dma_wait3A_572, %dma_wait3A_573] : memref<64x133xf32, #tpu.memory_space<vmem>> -> memref<8x128xf32, #tpu.memory_space<vmem>>
        %dma_wait3A_575 = arith.constant 0 : i32
        %dma_wait3A_576 = arith.constant 0 : i32
        %dma_wait3A_577 = tpu.memref_slice %arg4[%dma_wait3A_570, %dma_wait3A_571, %add3A, %dma_wait3A_575, %dma_wait3A_576] : memref<200x8x32x8x128xf32, #tpu.memory_space<hbm>> -> memref<1x1x1x8x128xf32, #tpu.memory_space<hbm>>
        %dma_wait3A_578 = tpu.memref_squeeze %dma_wait3A_577 : memref<1x1x1x8x128xf32, #tpu.memory_space<hbm>> -> memref<8x128xf32, #tpu.memory_space<hbm>>
        %dma_wait3A_579 = arith.constant 0 : i32
        %dma_wait3A_580 = arith.constant 0 : i32
        %dma_wait3A_581 = tpu.memref_slice %arg4[%dma_wait3A_570, %dma_wait3A_571, %add3A, %dma_wait3A_579, %dma_wait3A_580] : memref<200x8x32x8x128xf32, #tpu.memory_space<hbm>> -> memref<1x1x1x8x128xf32, #tpu.memory_space<hbm>>
        %dma_wait3A_582 = tpu.memref_squeeze %dma_wait3A_581 : memref<1x1x1x8x128xf32, #tpu.memory_space<hbm>> -> memref<8x128xf32, #tpu.memory_space<hbm>>
        %dma_wait3A_583 = arith.constant 0 : i32
        %dma_wait3A_584 = arith.constant 0 : i32
        %dma_wait3A_585 = tpu.memref_slice %arg9[%dma_wait3A_583, %dma_wait3A_584] : memref<64x133xf32, #tpu.memory_space<vmem>> -> memref<8x128xf32, #tpu.memory_space<vmem>>
        tpu.wait_dma2 semaphore(%arg13 : memref<!tpu.dma_semaphore, #tpu.memory_space<semaphore_mem>>) src(%dma_wait3A_585 : memref<8x128xf32, #tpu.memory_space<vmem>>) dst(%dma_wait3A_582 : memref<8x128xf32, #tpu.memory_space<hbm>>)
        %dma_wait3A_586 = arith.constant 0 : i32
        %dma_wait3A_587 = arith.constant 1 : i32
        %dma_wait3A_588 = arith.constant 8 : i32
        %dma_wait3A_589 = arith.constant 0 : i32
        %dma_wait3A_590 = tpu.memref_slice %arg9[%dma_wait3A_588, %dma_wait3A_589] : memref<64x133xf32, #tpu.memory_space<vmem>> -> memref<8x128xf32, #tpu.memory_space<vmem>>
        %dma_wait3A_591 = arith.constant 0 : i32
        %dma_wait3A_592 = arith.constant 0 : i32
        %dma_wait3A_593 = tpu.memref_slice %arg4[%dma_wait3A_586, %dma_wait3A_587, %add3A, %dma_wait3A_591, %dma_wait3A_592] : memref<200x8x32x8x128xf32, #tpu.memory_space<hbm>> -> memref<1x1x1x8x128xf32, #tpu.memory_space<hbm>>
        %dma_wait3A_594 = tpu.memref_squeeze %dma_wait3A_593 : memref<1x1x1x8x128xf32, #tpu.memory_space<hbm>> -> memref<8x128xf32, #tpu.memory_space<hbm>>
        %dma_wait3A_595 = arith.constant 0 : i32
        %dma_wait3A_596 = arith.constant 0 : i32
        %dma_wait3A_597 = tpu.memref_slice %arg4[%dma_wait3A_586, %dma_wait3A_587, %add3A, %dma_wait3A_595, %dma_wait3A_596] : memref<200x8x32x8x128xf32, #tpu.memory_space<hbm>> -> memref<1x1x1x8x128xf32, #tpu.memory_space<hbm>>
        %dma_wait3A_598 = tpu.memref_squeeze %dma_wait3A_597 : memref<1x1x1x8x128xf32, #tpu.memory_space<hbm>> -> memref<8x128xf32, #tpu.memory_space<hbm>>
        %dma_wait3A_599 = arith.constant 8 : i32
        %dma_wait3A_600 = arith.constant 0 : i32
        %dma_wait3A_601 = tpu.memref_slice %arg9[%dma_wait3A_599, %dma_wait3A_600] : memref<64x133xf32, #tpu.memory_space<vmem>> -> memref<8x128xf32, #tpu.memory_space<vmem>>
        tpu.wait_dma2 semaphore(%arg13 : memref<!tpu.dma_semaphore, #tpu.memory_space<semaphore_mem>>) src(%dma_wait3A_601 : memref<8x128xf32, #tpu.memory_space<vmem>>) dst(%dma_wait3A_598 : memref<8x128xf32, #tpu.memory_space<hbm>>)
        %dma_wait3A_602 = arith.constant 0 : i32
        %dma_wait3A_603 = arith.constant 2 : i32
        %dma_wait3A_604 = arith.constant 16 : i32
        %dma_wait3A_605 = arith.constant 0 : i32
        %dma_wait3A_606 = tpu.memref_slice %arg9[%dma_wait3A_604, %dma_wait3A_605] : memref<64x133xf32, #tpu.memory_space<vmem>> -> memref<8x128xf32, #tpu.memory_space<vmem>>
        %dma_wait3A_607 = arith.constant 0 : i32
        %dma_wait3A_608 = arith.constant 0 : i32
        %dma_wait3A_609 = tpu.memref_slice %arg4[%dma_wait3A_602, %dma_wait3A_603, %add3A, %dma_wait3A_607, %dma_wait3A_608] : memref<200x8x32x8x128xf32, #tpu.memory_space<hbm>> -> memref<1x1x1x8x128xf32, #tpu.memory_space<hbm>>
        %dma_wait3A_610 = tpu.memref_squeeze %dma_wait3A_609 : memref<1x1x1x8x128xf32, #tpu.memory_space<hbm>> -> memref<8x128xf32, #tpu.memory_space<hbm>>
        %dma_wait3A_611 = arith.constant 0 : i32
        %dma_wait3A_612 = arith.constant 0 : i32
        %dma_wait3A_613 = tpu.memref_slice %arg4[%dma_wait3A_602, %dma_wait3A_603, %add3A, %dma_wait3A_611, %dma_wait3A_612] : memref<200x8x32x8x128xf32, #tpu.memory_space<hbm>> -> memref<1x1x1x8x128xf32, #tpu.memory_space<hbm>>
        %dma_wait3A_614 = tpu.memref_squeeze %dma_wait3A_613 : memref<1x1x1x8x128xf32, #tpu.memory_space<hbm>> -> memref<8x128xf32, #tpu.memory_space<hbm>>
        %dma_wait3A_615 = arith.constant 16 : i32
        %dma_wait3A_616 = arith.constant 0 : i32
        %dma_wait3A_617 = tpu.memref_slice %arg9[%dma_wait3A_615, %dma_wait3A_616] : memref<64x133xf32, #tpu.memory_space<vmem>> -> memref<8x128xf32, #tpu.memory_space<vmem>>
        tpu.wait_dma2 semaphore(%arg13 : memref<!tpu.dma_semaphore, #tpu.memory_space<semaphore_mem>>) src(%dma_wait3A_617 : memref<8x128xf32, #tpu.memory_space<vmem>>) dst(%dma_wait3A_614 : memref<8x128xf32, #tpu.memory_space<hbm>>)
        %dma_wait3A_618 = arith.constant 0 : i32
        %dma_wait3A_619 = arith.constant 3 : i32
        %dma_wait3A_620 = arith.constant 24 : i32
        %dma_wait3A_621 = arith.constant 0 : i32
        %dma_wait3A_622 = tpu.memref_slice %arg9[%dma_wait3A_620, %dma_wait3A_621] : memref<64x133xf32, #tpu.memory_space<vmem>> -> memref<8x128xf32, #tpu.memory_space<vmem>>
        %dma_wait3A_623 = arith.constant 0 : i32
        %dma_wait3A_624 = arith.constant 0 : i32
        %dma_wait3A_625 = tpu.memref_slice %arg4[%dma_wait3A_618, %dma_wait3A_619, %add3A, %dma_wait3A_623, %dma_wait3A_624] : memref<200x8x32x8x128xf32, #tpu.memory_space<hbm>> -> memref<1x1x1x8x128xf32, #tpu.memory_space<hbm>>
        %dma_wait3A_626 = tpu.memref_squeeze %dma_wait3A_625 : memref<1x1x1x8x128xf32, #tpu.memory_space<hbm>> -> memref<8x128xf32, #tpu.memory_space<hbm>>
        %dma_wait3A_627 = arith.constant 0 : i32
        %dma_wait3A_628 = arith.constant 0 : i32
        %dma_wait3A_629 = tpu.memref_slice %arg4[%dma_wait3A_618, %dma_wait3A_619, %add3A, %dma_wait3A_627, %dma_wait3A_628] : memref<200x8x32x8x128xf32, #tpu.memory_space<hbm>> -> memref<1x1x1x8x128xf32, #tpu.memory_space<hbm>>
        %dma_wait3A_630 = tpu.memref_squeeze %dma_wait3A_629 : memref<1x1x1x8x128xf32, #tpu.memory_space<hbm>> -> memref<8x128xf32, #tpu.memory_space<hbm>>
        %dma_wait3A_631 = arith.constant 24 : i32
        %dma_wait3A_632 = arith.constant 0 : i32
        %dma_wait3A_633 = tpu.memref_slice %arg9[%dma_wait3A_631, %dma_wait3A_632] : memref<64x133xf32, #tpu.memory_space<vmem>> -> memref<8x128xf32, #tpu.memory_space<vmem>>
        tpu.wait_dma2 semaphore(%arg13 : memref<!tpu.dma_semaphore, #tpu.memory_space<semaphore_mem>>) src(%dma_wait3A_633 : memref<8x128xf32, #tpu.memory_space<vmem>>) dst(%dma_wait3A_630 : memref<8x128xf32, #tpu.memory_space<hbm>>)
        %dma_wait3A_634 = arith.constant 0 : i32
        %dma_wait3A_635 = arith.constant 4 : i32
        %dma_wait3A_636 = arith.constant 32 : i32
        %dma_wait3A_637 = arith.constant 0 : i32
        %dma_wait3A_638 = tpu.memref_slice %arg9[%dma_wait3A_636, %dma_wait3A_637] : memref<64x133xf32, #tpu.memory_space<vmem>> -> memref<8x128xf32, #tpu.memory_space<vmem>>
        %dma_wait3A_639 = arith.constant 0 : i32
        %dma_wait3A_640 = arith.constant 0 : i32
        %dma_wait3A_641 = tpu.memref_slice %arg4[%dma_wait3A_634, %dma_wait3A_635, %add3A, %dma_wait3A_639, %dma_wait3A_640] : memref<200x8x32x8x128xf32, #tpu.memory_space<hbm>> -> memref<1x1x1x8x128xf32, #tpu.memory_space<hbm>>
        %dma_wait3A_642 = tpu.memref_squeeze %dma_wait3A_641 : memref<1x1x1x8x128xf32, #tpu.memory_space<hbm>> -> memref<8x128xf32, #tpu.memory_space<hbm>>
        %dma_wait3A_643 = arith.constant 0 : i32
        %dma_wait3A_644 = arith.constant 0 : i32
        %dma_wait3A_645 = tpu.memref_slice %arg4[%dma_wait3A_634, %dma_wait3A_635, %add3A, %dma_wait3A_643, %dma_wait3A_644] : memref<200x8x32x8x128xf32, #tpu.memory_space<hbm>> -> memref<1x1x1x8x128xf32, #tpu.memory_space<hbm>>
        %dma_wait3A_646 = tpu.memref_squeeze %dma_wait3A_645 : memref<1x1x1x8x128xf32, #tpu.memory_space<hbm>> -> memref<8x128xf32, #tpu.memory_space<hbm>>
        %dma_wait3A_647 = arith.constant 32 : i32
        %dma_wait3A_648 = arith.constant 0 : i32
        %dma_wait3A_649 = tpu.memref_slice %arg9[%dma_wait3A_647, %dma_wait3A_648] : memref<64x133xf32, #tpu.memory_space<vmem>> -> memref<8x128xf32, #tpu.memory_space<vmem>>
        tpu.wait_dma2 semaphore(%arg13 : memref<!tpu.dma_semaphore, #tpu.memory_space<semaphore_mem>>) src(%dma_wait3A_649 : memref<8x128xf32, #tpu.memory_space<vmem>>) dst(%dma_wait3A_646 : memref<8x128xf32, #tpu.memory_space<hbm>>)
        %dma_wait3A_650 = arith.constant 0 : i32
        %dma_wait3A_651 = arith.constant 5 : i32
        %dma_wait3A_652 = arith.constant 40 : i32
        %dma_wait3A_653 = arith.constant 0 : i32
        %dma_wait3A_654 = tpu.memref_slice %arg9[%dma_wait3A_652, %dma_wait3A_653] : memref<64x133xf32, #tpu.memory_space<vmem>> -> memref<8x128xf32, #tpu.memory_space<vmem>>
        %dma_wait3A_655 = arith.constant 0 : i32
        %dma_wait3A_656 = arith.constant 0 : i32
        %dma_wait3A_657 = tpu.memref_slice %arg4[%dma_wait3A_650, %dma_wait3A_651, %add3A, %dma_wait3A_655, %dma_wait3A_656] : memref<200x8x32x8x128xf32, #tpu.memory_space<hbm>> -> memref<1x1x1x8x128xf32, #tpu.memory_space<hbm>>
        %dma_wait3A_658 = tpu.memref_squeeze %dma_wait3A_657 : memref<1x1x1x8x128xf32, #tpu.memory_space<hbm>> -> memref<8x128xf32, #tpu.memory_space<hbm>>
        %dma_wait3A_659 = arith.constant 0 : i32
        %dma_wait3A_660 = arith.constant 0 : i32
        %dma_wait3A_661 = tpu.memref_slice %arg4[%dma_wait3A_650, %dma_wait3A_651, %add3A, %dma_wait3A_659, %dma_wait3A_660] : memref<200x8x32x8x128xf32, #tpu.memory_space<hbm>> -> memref<1x1x1x8x128xf32, #tpu.memory_space<hbm>>
        %dma_wait3A_662 = tpu.memref_squeeze %dma_wait3A_661 : memref<1x1x1x8x128xf32, #tpu.memory_space<hbm>> -> memref<8x128xf32, #tpu.memory_space<hbm>>
        %dma_wait3A_663 = arith.constant 40 : i32
        %dma_wait3A_664 = arith.constant 0 : i32
        %dma_wait3A_665 = tpu.memref_slice %arg9[%dma_wait3A_663, %dma_wait3A_664] : memref<64x133xf32, #tpu.memory_space<vmem>> -> memref<8x128xf32, #tpu.memory_space<vmem>>
        tpu.wait_dma2 semaphore(%arg13 : memref<!tpu.dma_semaphore, #tpu.memory_space<semaphore_mem>>) src(%dma_wait3A_665 : memref<8x128xf32, #tpu.memory_space<vmem>>) dst(%dma_wait3A_662 : memref<8x128xf32, #tpu.memory_space<hbm>>)
        %dma_wait3A_666 = arith.constant 0 : i32
        %dma_wait3A_667 = arith.constant 6 : i32
        %dma_wait3A_668 = arith.constant 48 : i32
        %dma_wait3A_669 = arith.constant 0 : i32
        %dma_wait3A_670 = tpu.memref_slice %arg9[%dma_wait3A_668, %dma_wait3A_669] : memref<64x133xf32, #tpu.memory_space<vmem>> -> memref<8x128xf32, #tpu.memory_space<vmem>>
        %dma_wait3A_671 = arith.constant 0 : i32
        %dma_wait3A_672 = arith.constant 0 : i32
        %dma_wait3A_673 = tpu.memref_slice %arg4[%dma_wait3A_666, %dma_wait3A_667, %add3A, %dma_wait3A_671, %dma_wait3A_672] : memref<200x8x32x8x128xf32, #tpu.memory_space<hbm>> -> memref<1x1x1x8x128xf32, #tpu.memory_space<hbm>>
        %dma_wait3A_674 = tpu.memref_squeeze %dma_wait3A_673 : memref<1x1x1x8x128xf32, #tpu.memory_space<hbm>> -> memref<8x128xf32, #tpu.memory_space<hbm>>
        %dma_wait3A_675 = arith.constant 0 : i32
        %dma_wait3A_676 = arith.constant 0 : i32
        %dma_wait3A_677 = tpu.memref_slice %arg4[%dma_wait3A_666, %dma_wait3A_667, %add3A, %dma_wait3A_675, %dma_wait3A_676] : memref<200x8x32x8x128xf32, #tpu.memory_space<hbm>> -> memref<1x1x1x8x128xf32, #tpu.memory_space<hbm>>
        %dma_wait3A_678 = tpu.memref_squeeze %dma_wait3A_677 : memref<1x1x1x8x128xf32, #tpu.memory_space<hbm>> -> memref<8x128xf32, #tpu.memory_space<hbm>>
        %dma_wait3A_679 = arith.constant 48 : i32
        %dma_wait3A_680 = arith.constant 0 : i32
        %dma_wait3A_681 = tpu.memref_slice %arg9[%dma_wait3A_679, %dma_wait3A_680] : memref<64x133xf32, #tpu.memory_space<vmem>> -> memref<8x128xf32, #tpu.memory_space<vmem>>
        tpu.wait_dma2 semaphore(%arg13 : memref<!tpu.dma_semaphore, #tpu.memory_space<semaphore_mem>>) src(%dma_wait3A_681 : memref<8x128xf32, #tpu.memory_space<vmem>>) dst(%dma_wait3A_678 : memref<8x128xf32, #tpu.memory_space<hbm>>)
        %dma_wait3A_682 = arith.constant 0 : i32
        %dma_wait3A_683 = arith.constant 7 : i32
        %dma_wait3A_684 = arith.constant 56 : i32
        %dma_wait3A_685 = arith.constant 0 : i32
        %dma_wait3A_686 = tpu.memref_slice %arg9[%dma_wait3A_684, %dma_wait3A_685] : memref<64x133xf32, #tpu.memory_space<vmem>> -> memref<8x128xf32, #tpu.memory_space<vmem>>
        %dma_wait3A_687 = arith.constant 0 : i32
        %dma_wait3A_688 = arith.constant 0 : i32
        %dma_wait3A_689 = tpu.memref_slice %arg4[%dma_wait3A_682, %dma_wait3A_683, %add3A, %dma_wait3A_687, %dma_wait3A_688] : memref<200x8x32x8x128xf32, #tpu.memory_space<hbm>> -> memref<1x1x1x8x128xf32, #tpu.memory_space<hbm>>
        %dma_wait3A_690 = tpu.memref_squeeze %dma_wait3A_689 : memref<1x1x1x8x128xf32, #tpu.memory_space<hbm>> -> memref<8x128xf32, #tpu.memory_space<hbm>>
        %dma_wait3A_691 = arith.constant 0 : i32
        %dma_wait3A_692 = arith.constant 0 : i32
        %dma_wait3A_693 = tpu.memref_slice %arg4[%dma_wait3A_682, %dma_wait3A_683, %add3A, %dma_wait3A_691, %dma_wait3A_692] : memref<200x8x32x8x128xf32, #tpu.memory_space<hbm>> -> memref<1x1x1x8x128xf32, #tpu.memory_space<hbm>>
        %dma_wait3A_694 = tpu.memref_squeeze %dma_wait3A_693 : memref<1x1x1x8x128xf32, #tpu.memory_space<hbm>> -> memref<8x128xf32, #tpu.memory_space<hbm>>
        %dma_wait3A_695 = arith.constant 56 : i32
        %dma_wait3A_696 = arith.constant 0 : i32
        %dma_wait3A_697 = tpu.memref_slice %arg9[%dma_wait3A_695, %dma_wait3A_696] : memref<64x133xf32, #tpu.memory_space<vmem>> -> memref<8x128xf32, #tpu.memory_space<vmem>>
        tpu.wait_dma2 semaphore(%arg13 : memref<!tpu.dma_semaphore, #tpu.memory_space<semaphore_mem>>) src(%dma_wait3A_697 : memref<8x128xf32, #tpu.memory_space<vmem>>) dst(%dma_wait3A_694 : memref<8x128xf32, #tpu.memory_space<hbm>>)
      } else {
      }
      %scan3A_445 = arith.constant 0 : i32
      %scan3A_446 = arith.constant 16 : i32
      %scan3A_447 = arith.addi %scan3A_445, %scan3A_446 : i32
      %scan3A_448 = arith.constant 1 : i32
      scf.for %scan3A_570 = %scan3A_445 to %scan3A_447 step %scan3A_448  : i32 {
        %mul3A_571 = arith.constant 8 : i32
        %mul3A_572 = arith.muli %scan3A_570, %mul3A_571 : i32
        %add3A_573 = arith.constant 0 : i32
        %add3A_574 = arith.addi %add3A_573, %mul3A_572 : i32
        %broadcast_in_dim3A = arith.constant 0 : i32
        %broadcast_in_dim3A_575 = vector.broadcast %broadcast_in_dim3A : i32 to vector<16xi32>
        %add3A_576 = arith.constant 0 : i32
        %add3A_577 = arith.addi %add3A_574, %add3A_576 : i32
        %add3A_578 = vector.broadcast %add3A_577 : i32 to vector<16xi32>
        %add3A_579 = arith.addi %broadcast_in_dim3A_575, %add3A_578 : vector<16xi32>
        %add3A_580 = arith.constant 0 : i32
        %add3A_581 = arith.addi %add3A_574, %add3A_580 : i32
        %get3A = arith.index_cast %add3A_581 : i32 to index
        %get3A_582 = arith.constant 0 : index
        %get3A_583 = tpu.vector_load %arg7[%get3A, %get3A_582] {strides = array<i32>} : memref<128x64xf32, #tpu.memory_space<vmem>>, vector<16xf32>,
        tpu.vector_store_idx %arg9[%add3A_3, %add3A_579], %get3A_583 : memref<64x133xf32, #tpu.memory_space<vmem>>[vector<16xi32>, vector<16xi32>], vector<16xf32>,
        %add3A_584 = arith.constant 0 : i32
        %add3A_585 = arith.addi %add3A_574, %add3A_584 : i32
        %get3A_586 = arith.index_cast %add3A_585 : i32 to index
        %get3A_587 = arith.constant 16 : index
        %get3A_588 = tpu.vector_load %arg7[%get3A_586, %get3A_587] {strides = array<i32>} : memref<128x64xf32, #tpu.memory_space<vmem>>, vector<16xf32>,
        tpu.vector_store_idx %arg9[%add3A_6, %add3A_579], %get3A_588 : memref<64x133xf32, #tpu.memory_space<vmem>>[vector<16xi32>, vector<16xi32>], vector<16xf32>,
        %add3A_589 = arith.constant 0 : i32
        %add3A_590 = arith.addi %add3A_574, %add3A_589 : i32
        %get3A_591 = arith.index_cast %add3A_590 : i32 to index
        %get3A_592 = arith.constant 32 : index
        %get3A_593 = tpu.vector_load %arg7[%get3A_591, %get3A_592] {strides = array<i32>} : memref<128x64xf32, #tpu.memory_space<vmem>>, vector<16xf32>,
        tpu.vector_store_idx %arg9[%add3A_9, %add3A_579], %get3A_593 : memref<64x133xf32, #tpu.memory_space<vmem>>[vector<16xi32>, vector<16xi32>], vector<16xf32>,
        %add3A_594 = arith.constant 0 : i32
        %add3A_595 = arith.addi %add3A_574, %add3A_594 : i32
        %get3A_596 = arith.index_cast %add3A_595 : i32 to index
        %get3A_597 = arith.constant 48 : index
        %get3A_598 = tpu.vector_load %arg7[%get3A_596, %get3A_597] {strides = array<i32>} : memref<128x64xf32, #tpu.memory_space<vmem>>, vector<16xf32>,
        tpu.vector_store_idx %arg9[%add3A_12, %add3A_579], %get3A_598 : memref<64x133xf32, #tpu.memory_space<vmem>>[vector<16xi32>, vector<16xi32>], vector<16xf32>,
        %broadcast_in_dim3A_599 = arith.constant 0 : i32
        %broadcast_in_dim3A_600 = vector.broadcast %broadcast_in_dim3A_599 : i32 to vector<16xi32>
        %add3A_601 = arith.constant 1 : i32
        %add3A_602 = arith.addi %add3A_574, %add3A_601 : i32
        %add3A_603 = vector.broadcast %add3A_602 : i32 to vector<16xi32>
        %add3A_604 = arith.addi %broadcast_in_dim3A_600, %add3A_603 : vector<16xi32>
        %add3A_605 = arith.constant 1 : i32
        %add3A_606 = arith.addi %add3A_574, %add3A_605 : i32
        %get3A_607 = arith.index_cast %add3A_606 : i32 to index
        %get3A_608 = arith.constant 0 : index
        %get3A_609 = tpu.vector_load %arg7[%get3A_607, %get3A_608] {strides = array<i32>} : memref<128x64xf32, #tpu.memory_space<vmem>>, vector<16xf32>,
        tpu.vector_store_idx %arg9[%add3A_3, %add3A_604], %get3A_609 : memref<64x133xf32, #tpu.memory_space<vmem>>[vector<16xi32>, vector<16xi32>], vector<16xf32>,
        %add3A_610 = arith.constant 1 : i32
        %add3A_611 = arith.addi %add3A_574, %add3A_610 : i32
        %get3A_612 = arith.index_cast %add3A_611 : i32 to index
        %get3A_613 = arith.constant 16 : index
        %get3A_614 = tpu.vector_load %arg7[%get3A_612, %get3A_613] {strides = array<i32>} : memref<128x64xf32, #tpu.memory_space<vmem>>, vector<16xf32>,
        tpu.vector_store_idx %arg9[%add3A_6, %add3A_604], %get3A_614 : memref<64x133xf32, #tpu.memory_space<vmem>>[vector<16xi32>, vector<16xi32>], vector<16xf32>,
        %add3A_615 = arith.constant 1 : i32
        %add3A_616 = arith.addi %add3A_574, %add3A_615 : i32
        %get3A_617 = arith.index_cast %add3A_616 : i32 to index
        %get3A_618 = arith.constant 32 : index
        %get3A_619 = tpu.vector_load %arg7[%get3A_617, %get3A_618] {strides = array<i32>} : memref<128x64xf32, #tpu.memory_space<vmem>>, vector<16xf32>,
        tpu.vector_store_idx %arg9[%add3A_9, %add3A_604], %get3A_619 : memref<64x133xf32, #tpu.memory_space<vmem>>[vector<16xi32>, vector<16xi32>], vector<16xf32>,
        %add3A_620 = arith.constant 1 : i32
        %add3A_621 = arith.addi %add3A_574, %add3A_620 : i32
        %get3A_622 = arith.index_cast %add3A_621 : i32 to index
        %get3A_623 = arith.constant 48 : index
        %get3A_624 = tpu.vector_load %arg7[%get3A_622, %get3A_623] {strides = array<i32>} : memref<128x64xf32, #tpu.memory_space<vmem>>, vector<16xf32>,
        tpu.vector_store_idx %arg9[%add3A_12, %add3A_604], %get3A_624 : memref<64x133xf32, #tpu.memory_space<vmem>>[vector<16xi32>, vector<16xi32>], vector<16xf32>,
        %broadcast_in_dim3A_625 = arith.constant 0 : i32
        %broadcast_in_dim3A_626 = vector.broadcast %broadcast_in_dim3A_625 : i32 to vector<16xi32>
        %add3A_627 = arith.constant 2 : i32
        %add3A_628 = arith.addi %add3A_574, %add3A_627 : i32
        %add3A_629 = vector.broadcast %add3A_628 : i32 to vector<16xi32>
        %add3A_630 = arith.addi %broadcast_in_dim3A_626, %add3A_629 : vector<16xi32>
        %add3A_631 = arith.constant 2 : i32
        %add3A_632 = arith.addi %add3A_574, %add3A_631 : i32
        %get3A_633 = arith.index_cast %add3A_632 : i32 to index
        %get3A_634 = arith.constant 0 : index
        %get3A_635 = tpu.vector_load %arg7[%get3A_633, %get3A_634] {strides = array<i32>} : memref<128x64xf32, #tpu.memory_space<vmem>>, vector<16xf32>,
        tpu.vector_store_idx %arg9[%add3A_3, %add3A_630], %get3A_635 : memref<64x133xf32, #tpu.memory_space<vmem>>[vector<16xi32>, vector<16xi32>], vector<16xf32>,
        %add3A_636 = arith.constant 2 : i32
        %add3A_637 = arith.addi %add3A_574, %add3A_636 : i32
        %get3A_638 = arith.index_cast %add3A_637 : i32 to index
        %get3A_639 = arith.constant 16 : index
        %get3A_640 = tpu.vector_load %arg7[%get3A_638, %get3A_639] {strides = array<i32>} : memref<128x64xf32, #tpu.memory_space<vmem>>, vector<16xf32>,
        tpu.vector_store_idx %arg9[%add3A_6, %add3A_630], %get3A_640 : memref<64x133xf32, #tpu.memory_space<vmem>>[vector<16xi32>, vector<16xi32>], vector<16xf32>,
        %add3A_641 = arith.constant 2 : i32
        %add3A_642 = arith.addi %add3A_574, %add3A_641 : i32
        %get3A_643 = arith.index_cast %add3A_642 : i32 to index
        %get3A_644 = arith.constant 32 : index
        %get3A_645 = tpu.vector_load %arg7[%get3A_643, %get3A_644] {strides = array<i32>} : memref<128x64xf32, #tpu.memory_space<vmem>>, vector<16xf32>,
        tpu.vector_store_idx %arg9[%add3A_9, %add3A_630], %get3A_645 : memref<64x133xf32, #tpu.memory_space<vmem>>[vector<16xi32>, vector<16xi32>], vector<16xf32>,
        %add3A_646 = arith.constant 2 : i32
        %add3A_647 = arith.addi %add3A_574, %add3A_646 : i32
        %get3A_648 = arith.index_cast %add3A_647 : i32 to index
        %get3A_649 = arith.constant 48 : index
        %get3A_650 = tpu.vector_load %arg7[%get3A_648, %get3A_649] {strides = array<i32>} : memref<128x64xf32, #tpu.memory_space<vmem>>, vector<16xf32>,
        tpu.vector_store_idx %arg9[%add3A_12, %add3A_630], %get3A_650 : memref<64x133xf32, #tpu.memory_space<vmem>>[vector<16xi32>, vector<16xi32>], vector<16xf32>,
        %broadcast_in_dim3A_651 = arith.constant 0 : i32
        %broadcast_in_dim3A_652 = vector.broadcast %broadcast_in_dim3A_651 : i32 to vector<16xi32>
        %add3A_653 = arith.constant 3 : i32
        %add3A_654 = arith.addi %add3A_574, %add3A_653 : i32
        %add3A_655 = vector.broadcast %add3A_654 : i32 to vector<16xi32>
        %add3A_656 = arith.addi %broadcast_in_dim3A_652, %add3A_655 : vector<16xi32>
        %add3A_657 = arith.constant 3 : i32
        %add3A_658 = arith.addi %add3A_574, %add3A_657 : i32
        %get3A_659 = arith.index_cast %add3A_658 : i32 to index
        %get3A_660 = arith.constant 0 : index
        %get3A_661 = tpu.vector_load %arg7[%get3A_659, %get3A_660] {strides = array<i32>} : memref<128x64xf32, #tpu.memory_space<vmem>>, vector<16xf32>,
        tpu.vector_store_idx %arg9[%add3A_3, %add3A_656], %get3A_661 : memref<64x133xf32, #tpu.memory_space<vmem>>[vector<16xi32>, vector<16xi32>], vector<16xf32>,
        %add3A_662 = arith.constant 3 : i32
        %add3A_663 = arith.addi %add3A_574, %add3A_662 : i32
        %get3A_664 = arith.index_cast %add3A_663 : i32 to index
        %get3A_665 = arith.constant 16 : index
        %get3A_666 = tpu.vector_load %arg7[%get3A_664, %get3A_665] {strides = array<i32>} : memref<128x64xf32, #tpu.memory_space<vmem>>, vector<16xf32>,
        tpu.vector_store_idx %arg9[%add3A_6, %add3A_656], %get3A_666 : memref<64x133xf32, #tpu.memory_space<vmem>>[vector<16xi32>, vector<16xi32>], vector<16xf32>,
        %add3A_667 = arith.constant 3 : i32
        %add3A_668 = arith.addi %add3A_574, %add3A_667 : i32
        %get3A_669 = arith.index_cast %add3A_668 : i32 to index
        %get3A_670 = arith.constant 32 : index
        %get3A_671 = tpu.vector_load %arg7[%get3A_669, %get3A_670] {strides = array<i32>} : memref<128x64xf32, #tpu.memory_space<vmem>>, vector<16xf32>,
        tpu.vector_store_idx %arg9[%add3A_9, %add3A_656], %get3A_671 : memref<64x133xf32, #tpu.memory_space<vmem>>[vector<16xi32>, vector<16xi32>], vector<16xf32>,
        %add3A_672 = arith.constant 3 : i32
        %add3A_673 = arith.addi %add3A_574, %add3A_672 : i32
        %get3A_674 = arith.index_cast %add3A_673 : i32 to index
        %get3A_675 = arith.constant 48 : index
        %get3A_676 = tpu.vector_load %arg7[%get3A_674, %get3A_675] {strides = array<i32>} : memref<128x64xf32, #tpu.memory_space<vmem>>, vector<16xf32>,
        tpu.vector_store_idx %arg9[%add3A_12, %add3A_656], %get3A_676 : memref<64x133xf32, #tpu.memory_space<vmem>>[vector<16xi32>, vector<16xi32>], vector<16xf32>,
        %broadcast_in_dim3A_677 = arith.constant 0 : i32
        %broadcast_in_dim3A_678 = vector.broadcast %broadcast_in_dim3A_677 : i32 to vector<16xi32>
        %add3A_679 = arith.constant 4 : i32
        %add3A_680 = arith.addi %add3A_574, %add3A_679 : i32
        %add3A_681 = vector.broadcast %add3A_680 : i32 to vector<16xi32>
        %add3A_682 = arith.addi %broadcast_in_dim3A_678, %add3A_681 : vector<16xi32>
        %add3A_683 = arith.constant 4 : i32
        %add3A_684 = arith.addi %add3A_574, %add3A_683 : i32
        %get3A_685 = arith.index_cast %add3A_684 : i32 to index
        %get3A_686 = arith.constant 0 : index
        %get3A_687 = tpu.vector_load %arg7[%get3A_685, %get3A_686] {strides = array<i32>} : memref<128x64xf32, #tpu.memory_space<vmem>>, vector<16xf32>,
        tpu.vector_store_idx %arg9[%add3A_3, %add3A_682], %get3A_687 : memref<64x133xf32, #tpu.memory_space<vmem>>[vector<16xi32>, vector<16xi32>], vector<16xf32>,
        %add3A_688 = arith.constant 4 : i32
        %add3A_689 = arith.addi %add3A_574, %add3A_688 : i32
        %get3A_690 = arith.index_cast %add3A_689 : i32 to index
        %get3A_691 = arith.constant 16 : index
        %get3A_692 = tpu.vector_load %arg7[%get3A_690, %get3A_691] {strides = array<i32>} : memref<128x64xf32, #tpu.memory_space<vmem>>, vector<16xf32>,
        tpu.vector_store_idx %arg9[%add3A_6, %add3A_682], %get3A_692 : memref<64x133xf32, #tpu.memory_space<vmem>>[vector<16xi32>, vector<16xi32>], vector<16xf32>,
        %add3A_693 = arith.constant 4 : i32
        %add3A_694 = arith.addi %add3A_574, %add3A_693 : i32
        %get3A_695 = arith.index_cast %add3A_694 : i32 to index
        %get3A_696 = arith.constant 32 : index
        %get3A_697 = tpu.vector_load %arg7[%get3A_695, %get3A_696] {strides = array<i32>} : memref<128x64xf32, #tpu.memory_space<vmem>>, vector<16xf32>,
        tpu.vector_store_idx %arg9[%add3A_9, %add3A_682], %get3A_697 : memref<64x133xf32, #tpu.memory_space<vmem>>[vector<16xi32>, vector<16xi32>], vector<16xf32>,
        %add3A_698 = arith.constant 4 : i32
        %add3A_699 = arith.addi %add3A_574, %add3A_698 : i32
        %get3A_700 = arith.index_cast %add3A_699 : i32 to index
        %get3A_701 = arith.constant 48 : index
        %get3A_702 = tpu.vector_load %arg7[%get3A_700, %get3A_701] {strides = array<i32>} : memref<128x64xf32, #tpu.memory_space<vmem>>, vector<16xf32>,
        tpu.vector_store_idx %arg9[%add3A_12, %add3A_682], %get3A_702 : memref<64x133xf32, #tpu.memory_space<vmem>>[vector<16xi32>, vector<16xi32>], vector<16xf32>,
        %broadcast_in_dim3A_703 = arith.constant 0 : i32
        %broadcast_in_dim3A_704 = vector.broadcast %broadcast_in_dim3A_703 : i32 to vector<16xi32>
        %add3A_705 = arith.constant 5 : i32
        %add3A_706 = arith.addi %add3A_574, %add3A_705 : i32
        %add3A_707 = vector.broadcast %add3A_706 : i32 to vector<16xi32>
        %add3A_708 = arith.addi %broadcast_in_dim3A_704, %add3A_707 : vector<16xi32>
        %add3A_709 = arith.constant 5 : i32
        %add3A_710 = arith.addi %add3A_574, %add3A_709 : i32
        %get3A_711 = arith.index_cast %add3A_710 : i32 to index
        %get3A_712 = arith.constant 0 : index
        %get3A_713 = tpu.vector_load %arg7[%get3A_711, %get3A_712] {strides = array<i32>} : memref<128x64xf32, #tpu.memory_space<vmem>>, vector<16xf32>,
        tpu.vector_store_idx %arg9[%add3A_3, %add3A_708], %get3A_713 : memref<64x133xf32, #tpu.memory_space<vmem>>[vector<16xi32>, vector<16xi32>], vector<16xf32>,
        %add3A_714 = arith.constant 5 : i32
        %add3A_715 = arith.addi %add3A_574, %add3A_714 : i32
        %get3A_716 = arith.index_cast %add3A_715 : i32 to index
        %get3A_717 = arith.constant 16 : index
        %get3A_718 = tpu.vector_load %arg7[%get3A_716, %get3A_717] {strides = array<i32>} : memref<128x64xf32, #tpu.memory_space<vmem>>, vector<16xf32>,
        tpu.vector_store_idx %arg9[%add3A_6, %add3A_708], %get3A_718 : memref<64x133xf32, #tpu.memory_space<vmem>>[vector<16xi32>, vector<16xi32>], vector<16xf32>,
        %add3A_719 = arith.constant 5 : i32
        %add3A_720 = arith.addi %add3A_574, %add3A_719 : i32
        %get3A_721 = arith.index_cast %add3A_720 : i32 to index
        %get3A_722 = arith.constant 32 : index
        %get3A_723 = tpu.vector_load %arg7[%get3A_721, %get3A_722] {strides = array<i32>} : memref<128x64xf32, #tpu.memory_space<vmem>>, vector<16xf32>,
        tpu.vector_store_idx %arg9[%add3A_9, %add3A_708], %get3A_723 : memref<64x133xf32, #tpu.memory_space<vmem>>[vector<16xi32>, vector<16xi32>], vector<16xf32>,
        %add3A_724 = arith.constant 5 : i32
        %add3A_725 = arith.addi %add3A_574, %add3A_724 : i32
        %get3A_726 = arith.index_cast %add3A_725 : i32 to index
        %get3A_727 = arith.constant 48 : index
        %get3A_728 = tpu.vector_load %arg7[%get3A_726, %get3A_727] {strides = array<i32>} : memref<128x64xf32, #tpu.memory_space<vmem>>, vector<16xf32>,
        tpu.vector_store_idx %arg9[%add3A_12, %add3A_708], %get3A_728 : memref<64x133xf32, #tpu.memory_space<vmem>>[vector<16xi32>, vector<16xi32>], vector<16xf32>,
        %broadcast_in_dim3A_729 = arith.constant 0 : i32
        %broadcast_in_dim3A_730 = vector.broadcast %broadcast_in_dim3A_729 : i32 to vector<16xi32>
        %add3A_731 = arith.constant 6 : i32
        %add3A_732 = arith.addi %add3A_574, %add3A_731 : i32
        %add3A_733 = vector.broadcast %add3A_732 : i32 to vector<16xi32>
        %add3A_734 = arith.addi %broadcast_in_dim3A_730, %add3A_733 : vector<16xi32>
        %add3A_735 = arith.constant 6 : i32
        %add3A_736 = arith.addi %add3A_574, %add3A_735 : i32
        %get3A_737 = arith.index_cast %add3A_736 : i32 to index
        %get3A_738 = arith.constant 0 : index
        %get3A_739 = tpu.vector_load %arg7[%get3A_737, %get3A_738] {strides = array<i32>} : memref<128x64xf32, #tpu.memory_space<vmem>>, vector<16xf32>,
        tpu.vector_store_idx %arg9[%add3A_3, %add3A_734], %get3A_739 : memref<64x133xf32, #tpu.memory_space<vmem>>[vector<16xi32>, vector<16xi32>], vector<16xf32>,
        %add3A_740 = arith.constant 6 : i32
        %add3A_741 = arith.addi %add3A_574, %add3A_740 : i32
        %get3A_742 = arith.index_cast %add3A_741 : i32 to index
        %get3A_743 = arith.constant 16 : index
        %get3A_744 = tpu.vector_load %arg7[%get3A_742, %get3A_743] {strides = array<i32>} : memref<128x64xf32, #tpu.memory_space<vmem>>, vector<16xf32>,
        tpu.vector_store_idx %arg9[%add3A_6, %add3A_734], %get3A_744 : memref<64x133xf32, #tpu.memory_space<vmem>>[vector<16xi32>, vector<16xi32>], vector<16xf32>,
        %add3A_745 = arith.constant 6 : i32
        %add3A_746 = arith.addi %add3A_574, %add3A_745 : i32
        %get3A_747 = arith.index_cast %add3A_746 : i32 to index
        %get3A_748 = arith.constant 32 : index
        %get3A_749 = tpu.vector_load %arg7[%get3A_747, %get3A_748] {strides = array<i32>} : memref<128x64xf32, #tpu.memory_space<vmem>>, vector<16xf32>,
        tpu.vector_store_idx %arg9[%add3A_9, %add3A_734], %get3A_749 : memref<64x133xf32, #tpu.memory_space<vmem>>[vector<16xi32>, vector<16xi32>], vector<16xf32>,
        %add3A_750 = arith.constant 6 : i32
        %add3A_751 = arith.addi %add3A_574, %add3A_750 : i32
        %get3A_752 = arith.index_cast %add3A_751 : i32 to index
        %get3A_753 = arith.constant 48 : index
        %get3A_754 = tpu.vector_load %arg7[%get3A_752, %get3A_753] {strides = array<i32>} : memref<128x64xf32, #tpu.memory_space<vmem>>, vector<16xf32>,
        tpu.vector_store_idx %arg9[%add3A_12, %add3A_734], %get3A_754 : memref<64x133xf32, #tpu.memory_space<vmem>>[vector<16xi32>, vector<16xi32>], vector<16xf32>,
        %broadcast_in_dim3A_755 = arith.constant 0 : i32
        %broadcast_in_dim3A_756 = vector.broadcast %broadcast_in_dim3A_755 : i32 to vector<16xi32>
        %add3A_757 = arith.constant 7 : i32
        %add3A_758 = arith.addi %add3A_574, %add3A_757 : i32
        %add3A_759 = vector.broadcast %add3A_758 : i32 to vector<16xi32>
        %add3A_760 = arith.addi %broadcast_in_dim3A_756, %add3A_759 : vector<16xi32>
        %add3A_761 = arith.constant 7 : i32
        %add3A_762 = arith.addi %add3A_574, %add3A_761 : i32
        %get3A_763 = arith.index_cast %add3A_762 : i32 to index
        %get3A_764 = arith.constant 0 : index
        %get3A_765 = tpu.vector_load %arg7[%get3A_763, %get3A_764] {strides = array<i32>} : memref<128x64xf32, #tpu.memory_space<vmem>>, vector<16xf32>,
        tpu.vector_store_idx %arg9[%add3A_3, %add3A_760], %get3A_765 : memref<64x133xf32, #tpu.memory_space<vmem>>[vector<16xi32>, vector<16xi32>], vector<16xf32>,
        %add3A_766 = arith.constant 7 : i32
        %add3A_767 = arith.addi %add3A_574, %add3A_766 : i32
        %get3A_768 = arith.index_cast %add3A_767 : i32 to index
        %get3A_769 = arith.constant 16 : index
        %get3A_770 = tpu.vector_load %arg7[%get3A_768, %get3A_769] {strides = array<i32>} : memref<128x64xf32, #tpu.memory_space<vmem>>, vector<16xf32>,
        tpu.vector_store_idx %arg9[%add3A_6, %add3A_760], %get3A_770 : memref<64x133xf32, #tpu.memory_space<vmem>>[vector<16xi32>, vector<16xi32>], vector<16xf32>,
        %add3A_771 = arith.constant 7 : i32
        %add3A_772 = arith.addi %add3A_574, %add3A_771 : i32
        %get3A_773 = arith.index_cast %add3A_772 : i32 to index
        %get3A_774 = arith.constant 32 : index
        %get3A_775 = tpu.vector_load %arg7[%get3A_773, %get3A_774] {strides = array<i32>} : memref<128x64xf32, #tpu.memory_space<vmem>>, vector<16xf32>,
        tpu.vector_store_idx %arg9[%add3A_9, %add3A_760], %get3A_775 : memref<64x133xf32, #tpu.memory_space<vmem>>[vector<16xi32>, vector<16xi32>], vector<16xf32>,
        %add3A_776 = arith.constant 7 : i32
        %add3A_777 = arith.addi %add3A_574, %add3A_776 : i32
        %get3A_778 = arith.index_cast %add3A_777 : i32 to index
        %get3A_779 = arith.constant 48 : index
        %get3A_780 = tpu.vector_load %arg7[%get3A_778, %get3A_779] {strides = array<i32>} : memref<128x64xf32, #tpu.memory_space<vmem>>, vector<16xf32>,
        tpu.vector_store_idx %arg9[%add3A_12, %add3A_760], %get3A_780 : memref<64x133xf32, #tpu.memory_space<vmem>>[vector<16xi32>, vector<16xi32>], vector<16xf32>,
      }
      %scan3A_449 = arith.constant 16 : i32
      %dma_start3A_450 = arith.constant 0 : i32
      %dma_start3A_451 = arith.constant 0 : i32
      %dma_start3A_452 = arith.constant 0 : i32
      %dma_start3A_453 = tpu.memref_slice %arg9[%dma_start3A_451, %dma_start3A_452] : memref<64x133xf32, #tpu.memory_space<vmem>> -> memref<8x128xf32, #tpu.memory_space<vmem>>
      %dma_start3A_454 = arith.constant 0 : i32
      %dma_start3A_455 = arith.constant 0 : i32
      %dma_start3A_456 = tpu.memref_slice %arg4[%add3A_426, %dma_start3A_450, %add3A, %dma_start3A_454, %dma_start3A_455] : memref<200x8x32x8x128xf32, #tpu.memory_space<hbm>> -> memref<1x1x1x8x128xf32, #tpu.memory_space<hbm>>
      %dma_start3A_457 = tpu.memref_squeeze %dma_start3A_456 : memref<1x1x1x8x128xf32, #tpu.memory_space<hbm>> -> memref<8x128xf32, #tpu.memory_space<hbm>>
      %dma_start3A_458 = arith.constant 0 : i32
      %dma_start3A_459 = arith.constant 0 : i32
      %dma_start3A_460 = tpu.memref_slice %arg4[%add3A_426, %dma_start3A_450, %add3A, %dma_start3A_458, %dma_start3A_459] : memref<200x8x32x8x128xf32, #tpu.memory_space<hbm>> -> memref<1x1x1x8x128xf32, #tpu.memory_space<hbm>>
      %dma_start3A_461 = tpu.memref_squeeze %dma_start3A_460 : memref<1x1x1x8x128xf32, #tpu.memory_space<hbm>> -> memref<8x128xf32, #tpu.memory_space<hbm>>
      %dma_start3A_462 = arith.constant 0 : i32
      %dma_start3A_463 = arith.constant 0 : i32
      %dma_start3A_464 = tpu.memref_slice %arg9[%dma_start3A_462, %dma_start3A_463] : memref<64x133xf32, #tpu.memory_space<vmem>> -> memref<8x128xf32, #tpu.memory_space<vmem>>
      tpu.enqueue_dma source(%dma_start3A_464 : memref<8x128xf32, #tpu.memory_space<vmem>>) target(%dma_start3A_461 : memref<8x128xf32, #tpu.memory_space<hbm>>) target_semaphore(%arg13 : memref<!tpu.dma_semaphore, #tpu.memory_space<semaphore_mem>>)
      %dma_start3A_465 = arith.constant 1 : i32
      %dma_start3A_466 = arith.constant 8 : i32
      %dma_start3A_467 = arith.constant 0 : i32
      %dma_start3A_468 = tpu.memref_slice %arg9[%dma_start3A_466, %dma_start3A_467] : memref<64x133xf32, #tpu.memory_space<vmem>> -> memref<8x128xf32, #tpu.memory_space<vmem>>
      %dma_start3A_469 = arith.constant 0 : i32
      %dma_start3A_470 = arith.constant 0 : i32
      %dma_start3A_471 = tpu.memref_slice %arg4[%add3A_426, %dma_start3A_465, %add3A, %dma_start3A_469, %dma_start3A_470] : memref<200x8x32x8x128xf32, #tpu.memory_space<hbm>> -> memref<1x1x1x8x128xf32, #tpu.memory_space<hbm>>
      %dma_start3A_472 = tpu.memref_squeeze %dma_start3A_471 : memref<1x1x1x8x128xf32, #tpu.memory_space<hbm>> -> memref<8x128xf32, #tpu.memory_space<hbm>>
      %dma_start3A_473 = arith.constant 0 : i32
      %dma_start3A_474 = arith.constant 0 : i32
      %dma_start3A_475 = tpu.memref_slice %arg4[%add3A_426, %dma_start3A_465, %add3A, %dma_start3A_473, %dma_start3A_474] : memref<200x8x32x8x128xf32, #tpu.memory_space<hbm>> -> memref<1x1x1x8x128xf32, #tpu.memory_space<hbm>>
      %dma_start3A_476 = tpu.memref_squeeze %dma_start3A_475 : memref<1x1x1x8x128xf32, #tpu.memory_space<hbm>> -> memref<8x128xf32, #tpu.memory_space<hbm>>
      %dma_start3A_477 = arith.constant 8 : i32
      %dma_start3A_478 = arith.constant 0 : i32
      %dma_start3A_479 = tpu.memref_slice %arg9[%dma_start3A_477, %dma_start3A_478] : memref<64x133xf32, #tpu.memory_space<vmem>> -> memref<8x128xf32, #tpu.memory_space<vmem>>
      tpu.enqueue_dma source(%dma_start3A_479 : memref<8x128xf32, #tpu.memory_space<vmem>>) target(%dma_start3A_476 : memref<8x128xf32, #tpu.memory_space<hbm>>) target_semaphore(%arg13 : memref<!tpu.dma_semaphore, #tpu.memory_space<semaphore_mem>>)
      %dma_start3A_480 = arith.constant 2 : i32
      %dma_start3A_481 = arith.constant 16 : i32
      %dma_start3A_482 = arith.constant 0 : i32
      %dma_start3A_483 = tpu.memref_slice %arg9[%dma_start3A_481, %dma_start3A_482] : memref<64x133xf32, #tpu.memory_space<vmem>> -> memref<8x128xf32, #tpu.memory_space<vmem>>
      %dma_start3A_484 = arith.constant 0 : i32
      %dma_start3A_485 = arith.constant 0 : i32
      %dma_start3A_486 = tpu.memref_slice %arg4[%add3A_426, %dma_start3A_480, %add3A, %dma_start3A_484, %dma_start3A_485] : memref<200x8x32x8x128xf32, #tpu.memory_space<hbm>> -> memref<1x1x1x8x128xf32, #tpu.memory_space<hbm>>
      %dma_start3A_487 = tpu.memref_squeeze %dma_start3A_486 : memref<1x1x1x8x128xf32, #tpu.memory_space<hbm>> -> memref<8x128xf32, #tpu.memory_space<hbm>>
      %dma_start3A_488 = arith.constant 0 : i32
      %dma_start3A_489 = arith.constant 0 : i32
      %dma_start3A_490 = tpu.memref_slice %arg4[%add3A_426, %dma_start3A_480, %add3A, %dma_start3A_488, %dma_start3A_489] : memref<200x8x32x8x128xf32, #tpu.memory_space<hbm>> -> memref<1x1x1x8x128xf32, #tpu.memory_space<hbm>>
      %dma_start3A_491 = tpu.memref_squeeze %dma_start3A_490 : memref<1x1x1x8x128xf32, #tpu.memory_space<hbm>> -> memref<8x128xf32, #tpu.memory_space<hbm>>
      %dma_start3A_492 = arith.constant 16 : i32
      %dma_start3A_493 = arith.constant 0 : i32
      %dma_start3A_494 = tpu.memref_slice %arg9[%dma_start3A_492, %dma_start3A_493] : memref<64x133xf32, #tpu.memory_space<vmem>> -> memref<8x128xf32, #tpu.memory_space<vmem>>
      tpu.enqueue_dma source(%dma_start3A_494 : memref<8x128xf32, #tpu.memory_space<vmem>>) target(%dma_start3A_491 : memref<8x128xf32, #tpu.memory_space<hbm>>) target_semaphore(%arg13 : memref<!tpu.dma_semaphore, #tpu.memory_space<semaphore_mem>>)
      %dma_start3A_495 = arith.constant 3 : i32
      %dma_start3A_496 = arith.constant 24 : i32
      %dma_start3A_497 = arith.constant 0 : i32
      %dma_start3A_498 = tpu.memref_slice %arg9[%dma_start3A_496, %dma_start3A_497] : memref<64x133xf32, #tpu.memory_space<vmem>> -> memref<8x128xf32, #tpu.memory_space<vmem>>
      %dma_start3A_499 = arith.constant 0 : i32
      %dma_start3A_500 = arith.constant 0 : i32
      %dma_start3A_501 = tpu.memref_slice %arg4[%add3A_426, %dma_start3A_495, %add3A, %dma_start3A_499, %dma_start3A_500] : memref<200x8x32x8x128xf32, #tpu.memory_space<hbm>> -> memref<1x1x1x8x128xf32, #tpu.memory_space<hbm>>
      %dma_start3A_502 = tpu.memref_squeeze %dma_start3A_501 : memref<1x1x1x8x128xf32, #tpu.memory_space<hbm>> -> memref<8x128xf32, #tpu.memory_space<hbm>>
      %dma_start3A_503 = arith.constant 0 : i32
      %dma_start3A_504 = arith.constant 0 : i32
      %dma_start3A_505 = tpu.memref_slice %arg4[%add3A_426, %dma_start3A_495, %add3A, %dma_start3A_503, %dma_start3A_504] : memref<200x8x32x8x128xf32, #tpu.memory_space<hbm>> -> memref<1x1x1x8x128xf32, #tpu.memory_space<hbm>>
      %dma_start3A_506 = tpu.memref_squeeze %dma_start3A_505 : memref<1x1x1x8x128xf32, #tpu.memory_space<hbm>> -> memref<8x128xf32, #tpu.memory_space<hbm>>
      %dma_start3A_507 = arith.constant 24 : i32
      %dma_start3A_508 = arith.constant 0 : i32
      %dma_start3A_509 = tpu.memref_slice %arg9[%dma_start3A_507, %dma_start3A_508] : memref<64x133xf32, #tpu.memory_space<vmem>> -> memref<8x128xf32, #tpu.memory_space<vmem>>
      tpu.enqueue_dma source(%dma_start3A_509 : memref<8x128xf32, #tpu.memory_space<vmem>>) target(%dma_start3A_506 : memref<8x128xf32, #tpu.memory_space<hbm>>) target_semaphore(%arg13 : memref<!tpu.dma_semaphore, #tpu.memory_space<semaphore_mem>>)
      %dma_start3A_510 = arith.constant 4 : i32
      %dma_start3A_511 = arith.constant 32 : i32
      %dma_start3A_512 = arith.constant 0 : i32
      %dma_start3A_513 = tpu.memref_slice %arg9[%dma_start3A_511, %dma_start3A_512] : memref<64x133xf32, #tpu.memory_space<vmem>> -> memref<8x128xf32, #tpu.memory_space<vmem>>
      %dma_start3A_514 = arith.constant 0 : i32
      %dma_start3A_515 = arith.constant 0 : i32
      %dma_start3A_516 = tpu.memref_slice %arg4[%add3A_426, %dma_start3A_510, %add3A, %dma_start3A_514, %dma_start3A_515] : memref<200x8x32x8x128xf32, #tpu.memory_space<hbm>> -> memref<1x1x1x8x128xf32, #tpu.memory_space<hbm>>
      %dma_start3A_517 = tpu.memref_squeeze %dma_start3A_516 : memref<1x1x1x8x128xf32, #tpu.memory_space<hbm>> -> memref<8x128xf32, #tpu.memory_space<hbm>>
      %dma_start3A_518 = arith.constant 0 : i32
      %dma_start3A_519 = arith.constant 0 : i32
      %dma_start3A_520 = tpu.memref_slice %arg4[%add3A_426, %dma_start3A_510, %add3A, %dma_start3A_518, %dma_start3A_519] : memref<200x8x32x8x128xf32, #tpu.memory_space<hbm>> -> memref<1x1x1x8x128xf32, #tpu.memory_space<hbm>>
      %dma_start3A_521 = tpu.memref_squeeze %dma_start3A_520 : memref<1x1x1x8x128xf32, #tpu.memory_space<hbm>> -> memref<8x128xf32, #tpu.memory_space<hbm>>
      %dma_start3A_522 = arith.constant 32 : i32
      %dma_start3A_523 = arith.constant 0 : i32
      %dma_start3A_524 = tpu.memref_slice %arg9[%dma_start3A_522, %dma_start3A_523] : memref<64x133xf32, #tpu.memory_space<vmem>> -> memref<8x128xf32, #tpu.memory_space<vmem>>
      tpu.enqueue_dma source(%dma_start3A_524 : memref<8x128xf32, #tpu.memory_space<vmem>>) target(%dma_start3A_521 : memref<8x128xf32, #tpu.memory_space<hbm>>) target_semaphore(%arg13 : memref<!tpu.dma_semaphore, #tpu.memory_space<semaphore_mem>>)
      %dma_start3A_525 = arith.constant 5 : i32
      %dma_start3A_526 = arith.constant 40 : i32
      %dma_start3A_527 = arith.constant 0 : i32
      %dma_start3A_528 = tpu.memref_slice %arg9[%dma_start3A_526, %dma_start3A_527] : memref<64x133xf32, #tpu.memory_space<vmem>> -> memref<8x128xf32, #tpu.memory_space<vmem>>
      %dma_start3A_529 = arith.constant 0 : i32
      %dma_start3A_530 = arith.constant 0 : i32
      %dma_start3A_531 = tpu.memref_slice %arg4[%add3A_426, %dma_start3A_525, %add3A, %dma_start3A_529, %dma_start3A_530] : memref<200x8x32x8x128xf32, #tpu.memory_space<hbm>> -> memref<1x1x1x8x128xf32, #tpu.memory_space<hbm>>
      %dma_start3A_532 = tpu.memref_squeeze %dma_start3A_531 : memref<1x1x1x8x128xf32, #tpu.memory_space<hbm>> -> memref<8x128xf32, #tpu.memory_space<hbm>>
      %dma_start3A_533 = arith.constant 0 : i32
      %dma_start3A_534 = arith.constant 0 : i32
      %dma_start3A_535 = tpu.memref_slice %arg4[%add3A_426, %dma_start3A_525, %add3A, %dma_start3A_533, %dma_start3A_534] : memref<200x8x32x8x128xf32, #tpu.memory_space<hbm>> -> memref<1x1x1x8x128xf32, #tpu.memory_space<hbm>>
      %dma_start3A_536 = tpu.memref_squeeze %dma_start3A_535 : memref<1x1x1x8x128xf32, #tpu.memory_space<hbm>> -> memref<8x128xf32, #tpu.memory_space<hbm>>
      %dma_start3A_537 = arith.constant 40 : i32
      %dma_start3A_538 = arith.constant 0 : i32
      %dma_start3A_539 = tpu.memref_slice %arg9[%dma_start3A_537, %dma_start3A_538] : memref<64x133xf32, #tpu.memory_space<vmem>> -> memref<8x128xf32, #tpu.memory_space<vmem>>
      tpu.enqueue_dma source(%dma_start3A_539 : memref<8x128xf32, #tpu.memory_space<vmem>>) target(%dma_start3A_536 : memref<8x128xf32, #tpu.memory_space<hbm>>) target_semaphore(%arg13 : memref<!tpu.dma_semaphore, #tpu.memory_space<semaphore_mem>>)
      %dma_start3A_540 = arith.constant 6 : i32
      %dma_start3A_541 = arith.constant 48 : i32
      %dma_start3A_542 = arith.constant 0 : i32
      %dma_start3A_543 = tpu.memref_slice %arg9[%dma_start3A_541, %dma_start3A_542] : memref<64x133xf32, #tpu.memory_space<vmem>> -> memref<8x128xf32, #tpu.memory_space<vmem>>
      %dma_start3A_544 = arith.constant 0 : i32
      %dma_start3A_545 = arith.constant 0 : i32
      %dma_start3A_546 = tpu.memref_slice %arg4[%add3A_426, %dma_start3A_540, %add3A, %dma_start3A_544, %dma_start3A_545] : memref<200x8x32x8x128xf32, #tpu.memory_space<hbm>> -> memref<1x1x1x8x128xf32, #tpu.memory_space<hbm>>
      %dma_start3A_547 = tpu.memref_squeeze %dma_start3A_546 : memref<1x1x1x8x128xf32, #tpu.memory_space<hbm>> -> memref<8x128xf32, #tpu.memory_space<hbm>>
      %dma_start3A_548 = arith.constant 0 : i32
      %dma_start3A_549 = arith.constant 0 : i32
      %dma_start3A_550 = tpu.memref_slice %arg4[%add3A_426, %dma_start3A_540, %add3A, %dma_start3A_548, %dma_start3A_549] : memref<200x8x32x8x128xf32, #tpu.memory_space<hbm>> -> memref<1x1x1x8x128xf32, #tpu.memory_space<hbm>>
      %dma_start3A_551 = tpu.memref_squeeze %dma_start3A_550 : memref<1x1x1x8x128xf32, #tpu.memory_space<hbm>> -> memref<8x128xf32, #tpu.memory_space<hbm>>
      %dma_start3A_552 = arith.constant 48 : i32
      %dma_start3A_553 = arith.constant 0 : i32
      %dma_start3A_554 = tpu.memref_slice %arg9[%dma_start3A_552, %dma_start3A_553] : memref<64x133xf32, #tpu.memory_space<vmem>> -> memref<8x128xf32, #tpu.memory_space<vmem>>
      tpu.enqueue_dma source(%dma_start3A_554 : memref<8x128xf32, #tpu.memory_space<vmem>>) target(%dma_start3A_551 : memref<8x128xf32, #tpu.memory_space<hbm>>) target_semaphore(%arg13 : memref<!tpu.dma_semaphore, #tpu.memory_space<semaphore_mem>>)
      %dma_start3A_555 = arith.constant 7 : i32
      %dma_start3A_556 = arith.constant 56 : i32
      %dma_start3A_557 = arith.constant 0 : i32
      %dma_start3A_558 = tpu.memref_slice %arg9[%dma_start3A_556, %dma_start3A_557] : memref<64x133xf32, #tpu.memory_space<vmem>> -> memref<8x128xf32, #tpu.memory_space<vmem>>
      %dma_start3A_559 = arith.constant 0 : i32
      %dma_start3A_560 = arith.constant 0 : i32
      %dma_start3A_561 = tpu.memref_slice %arg4[%add3A_426, %dma_start3A_555, %add3A, %dma_start3A_559, %dma_start3A_560] : memref<200x8x32x8x128xf32, #tpu.memory_space<hbm>> -> memref<1x1x1x8x128xf32, #tpu.memory_space<hbm>>
      %dma_start3A_562 = tpu.memref_squeeze %dma_start3A_561 : memref<1x1x1x8x128xf32, #tpu.memory_space<hbm>> -> memref<8x128xf32, #tpu.memory_space<hbm>>
      %dma_start3A_563 = arith.constant 0 : i32
      %dma_start3A_564 = arith.constant 0 : i32
      %dma_start3A_565 = tpu.memref_slice %arg4[%add3A_426, %dma_start3A_555, %add3A, %dma_start3A_563, %dma_start3A_564] : memref<200x8x32x8x128xf32, #tpu.memory_space<hbm>> -> memref<1x1x1x8x128xf32, #tpu.memory_space<hbm>>
      %dma_start3A_566 = tpu.memref_squeeze %dma_start3A_565 : memref<1x1x1x8x128xf32, #tpu.memory_space<hbm>> -> memref<8x128xf32, #tpu.memory_space<hbm>>
      %dma_start3A_567 = arith.constant 56 : i32
      %dma_start3A_568 = arith.constant 0 : i32
      %dma_start3A_569 = tpu.memref_slice %arg9[%dma_start3A_567, %dma_start3A_568] : memref<64x133xf32, #tpu.memory_space<vmem>> -> memref<8x128xf32, #tpu.memory_space<vmem>>
      tpu.enqueue_dma source(%dma_start3A_569 : memref<8x128xf32, #tpu.memory_space<vmem>>) target(%dma_start3A_566 : memref<8x128xf32, #tpu.memory_space<hbm>>) target_semaphore(%arg13 : memref<!tpu.dma_semaphore, #tpu.memory_space<semaphore_mem>>)
    }
    %scan3A_23 = arith.constant 100 : i32
    %dma_wait3A = arith.constant 0 : i32
    %dma_wait3A_24 = arith.constant 0 : i32
    %dma_wait3A_25 = arith.constant 0 : i32
    %dma_wait3A_26 = arith.constant 0 : i32
    %dma_wait3A_27 = tpu.memref_slice %arg8[%dma_wait3A_25, %dma_wait3A_26] : memref<64x133xf32, #tpu.memory_space<vmem>> -> memref<8x128xf32, #tpu.memory_space<vmem>>
    %dma_wait3A_28 = arith.constant 0 : i32
    %dma_wait3A_29 = arith.constant 0 : i32
    %dma_wait3A_30 = tpu.memref_slice %arg4[%dma_wait3A, %dma_wait3A_24, %add3A, %dma_wait3A_28, %dma_wait3A_29] : memref<200x8x32x8x128xf32, #tpu.memory_space<hbm>> -> memref<1x1x1x8x128xf32, #tpu.memory_space<hbm>>
    %dma_wait3A_31 = tpu.memref_squeeze %dma_wait3A_30 : memref<1x1x1x8x128xf32, #tpu.memory_space<hbm>> -> memref<8x128xf32, #tpu.memory_space<hbm>>
    %dma_wait3A_32 = arith.constant 0 : i32
    %dma_wait3A_33 = arith.constant 0 : i32
    %dma_wait3A_34 = tpu.memref_slice %arg4[%dma_wait3A, %dma_wait3A_24, %add3A, %dma_wait3A_32, %dma_wait3A_33] : memref<200x8x32x8x128xf32, #tpu.memory_space<hbm>> -> memref<1x1x1x8x128xf32, #tpu.memory_space<hbm>>
    %dma_wait3A_35 = tpu.memref_squeeze %dma_wait3A_34 : memref<1x1x1x8x128xf32, #tpu.memory_space<hbm>> -> memref<8x128xf32, #tpu.memory_space<hbm>>
    %dma_wait3A_36 = arith.constant 0 : i32
    %dma_wait3A_37 = arith.constant 0 : i32
    %dma_wait3A_38 = tpu.memref_slice %arg8[%dma_wait3A_36, %dma_wait3A_37] : memref<64x133xf32, #tpu.memory_space<vmem>> -> memref<8x128xf32, #tpu.memory_space<vmem>>
    tpu.wait_dma2 semaphore(%arg12 : memref<!tpu.dma_semaphore, #tpu.memory_space<semaphore_mem>>) src(%dma_wait3A_38 : memref<8x128xf32, #tpu.memory_space<vmem>>) dst(%dma_wait3A_35 : memref<8x128xf32, #tpu.memory_space<hbm>>)
    %dma_wait3A_39 = arith.constant 0 : i32
    %dma_wait3A_40 = arith.constant 1 : i32
    %dma_wait3A_41 = arith.constant 8 : i32
    %dma_wait3A_42 = arith.constant 0 : i32
    %dma_wait3A_43 = tpu.memref_slice %arg8[%dma_wait3A_41, %dma_wait3A_42] : memref<64x133xf32, #tpu.memory_space<vmem>> -> memref<8x128xf32, #tpu.memory_space<vmem>>
    %dma_wait3A_44 = arith.constant 0 : i32
    %dma_wait3A_45 = arith.constant 0 : i32
    %dma_wait3A_46 = tpu.memref_slice %arg4[%dma_wait3A_39, %dma_wait3A_40, %add3A, %dma_wait3A_44, %dma_wait3A_45] : memref<200x8x32x8x128xf32, #tpu.memory_space<hbm>> -> memref<1x1x1x8x128xf32, #tpu.memory_space<hbm>>
    %dma_wait3A_47 = tpu.memref_squeeze %dma_wait3A_46 : memref<1x1x1x8x128xf32, #tpu.memory_space<hbm>> -> memref<8x128xf32, #tpu.memory_space<hbm>>
    %dma_wait3A_48 = arith.constant 0 : i32
    %dma_wait3A_49 = arith.constant 0 : i32
    %dma_wait3A_50 = tpu.memref_slice %arg4[%dma_wait3A_39, %dma_wait3A_40, %add3A, %dma_wait3A_48, %dma_wait3A_49] : memref<200x8x32x8x128xf32, #tpu.memory_space<hbm>> -> memref<1x1x1x8x128xf32, #tpu.memory_space<hbm>>
    %dma_wait3A_51 = tpu.memref_squeeze %dma_wait3A_50 : memref<1x1x1x8x128xf32, #tpu.memory_space<hbm>> -> memref<8x128xf32, #tpu.memory_space<hbm>>
    %dma_wait3A_52 = arith.constant 8 : i32
    %dma_wait3A_53 = arith.constant 0 : i32
    %dma_wait3A_54 = tpu.memref_slice %arg8[%dma_wait3A_52, %dma_wait3A_53] : memref<64x133xf32, #tpu.memory_space<vmem>> -> memref<8x128xf32, #tpu.memory_space<vmem>>
    tpu.wait_dma2 semaphore(%arg12 : memref<!tpu.dma_semaphore, #tpu.memory_space<semaphore_mem>>) src(%dma_wait3A_54 : memref<8x128xf32, #tpu.memory_space<vmem>>) dst(%dma_wait3A_51 : memref<8x128xf32, #tpu.memory_space<hbm>>)
    %dma_wait3A_55 = arith.constant 0 : i32
    %dma_wait3A_56 = arith.constant 2 : i32
    %dma_wait3A_57 = arith.constant 16 : i32
    %dma_wait3A_58 = arith.constant 0 : i32
    %dma_wait3A_59 = tpu.memref_slice %arg8[%dma_wait3A_57, %dma_wait3A_58] : memref<64x133xf32, #tpu.memory_space<vmem>> -> memref<8x128xf32, #tpu.memory_space<vmem>>
    %dma_wait3A_60 = arith.constant 0 : i32
    %dma_wait3A_61 = arith.constant 0 : i32
    %dma_wait3A_62 = tpu.memref_slice %arg4[%dma_wait3A_55, %dma_wait3A_56, %add3A, %dma_wait3A_60, %dma_wait3A_61] : memref<200x8x32x8x128xf32, #tpu.memory_space<hbm>> -> memref<1x1x1x8x128xf32, #tpu.memory_space<hbm>>
    %dma_wait3A_63 = tpu.memref_squeeze %dma_wait3A_62 : memref<1x1x1x8x128xf32, #tpu.memory_space<hbm>> -> memref<8x128xf32, #tpu.memory_space<hbm>>
    %dma_wait3A_64 = arith.constant 0 : i32
    %dma_wait3A_65 = arith.constant 0 : i32
    %dma_wait3A_66 = tpu.memref_slice %arg4[%dma_wait3A_55, %dma_wait3A_56, %add3A, %dma_wait3A_64, %dma_wait3A_65] : memref<200x8x32x8x128xf32, #tpu.memory_space<hbm>> -> memref<1x1x1x8x128xf32, #tpu.memory_space<hbm>>
    %dma_wait3A_67 = tpu.memref_squeeze %dma_wait3A_66 : memref<1x1x1x8x128xf32, #tpu.memory_space<hbm>> -> memref<8x128xf32, #tpu.memory_space<hbm>>
    %dma_wait3A_68 = arith.constant 16 : i32
    %dma_wait3A_69 = arith.constant 0 : i32
    %dma_wait3A_70 = tpu.memref_slice %arg8[%dma_wait3A_68, %dma_wait3A_69] : memref<64x133xf32, #tpu.memory_space<vmem>> -> memref<8x128xf32, #tpu.memory_space<vmem>>
    tpu.wait_dma2 semaphore(%arg12 : memref<!tpu.dma_semaphore, #tpu.memory_space<semaphore_mem>>) src(%dma_wait3A_70 : memref<8x128xf32, #tpu.memory_space<vmem>>) dst(%dma_wait3A_67 : memref<8x128xf32, #tpu.memory_space<hbm>>)
    %dma_wait3A_71 = arith.constant 0 : i32
    %dma_wait3A_72 = arith.constant 3 : i32
    %dma_wait3A_73 = arith.constant 24 : i32
    %dma_wait3A_74 = arith.constant 0 : i32
    %dma_wait3A_75 = tpu.memref_slice %arg8[%dma_wait3A_73, %dma_wait3A_74] : memref<64x133xf32, #tpu.memory_space<vmem>> -> memref<8x128xf32, #tpu.memory_space<vmem>>
    %dma_wait3A_76 = arith.constant 0 : i32
    %dma_wait3A_77 = arith.constant 0 : i32
    %dma_wait3A_78 = tpu.memref_slice %arg4[%dma_wait3A_71, %dma_wait3A_72, %add3A, %dma_wait3A_76, %dma_wait3A_77] : memref<200x8x32x8x128xf32, #tpu.memory_space<hbm>> -> memref<1x1x1x8x128xf32, #tpu.memory_space<hbm>>
    %dma_wait3A_79 = tpu.memref_squeeze %dma_wait3A_78 : memref<1x1x1x8x128xf32, #tpu.memory_space<hbm>> -> memref<8x128xf32, #tpu.memory_space<hbm>>
    %dma_wait3A_80 = arith.constant 0 : i32
    %dma_wait3A_81 = arith.constant 0 : i32
    %dma_wait3A_82 = tpu.memref_slice %arg4[%dma_wait3A_71, %dma_wait3A_72, %add3A, %dma_wait3A_80, %dma_wait3A_81] : memref<200x8x32x8x128xf32, #tpu.memory_space<hbm>> -> memref<1x1x1x8x128xf32, #tpu.memory_space<hbm>>
    %dma_wait3A_83 = tpu.memref_squeeze %dma_wait3A_82 : memref<1x1x1x8x128xf32, #tpu.memory_space<hbm>> -> memref<8x128xf32, #tpu.memory_space<hbm>>
    %dma_wait3A_84 = arith.constant 24 : i32
    %dma_wait3A_85 = arith.constant 0 : i32
    %dma_wait3A_86 = tpu.memref_slice %arg8[%dma_wait3A_84, %dma_wait3A_85] : memref<64x133xf32, #tpu.memory_space<vmem>> -> memref<8x128xf32, #tpu.memory_space<vmem>>
    tpu.wait_dma2 semaphore(%arg12 : memref<!tpu.dma_semaphore, #tpu.memory_space<semaphore_mem>>) src(%dma_wait3A_86 : memref<8x128xf32, #tpu.memory_space<vmem>>) dst(%dma_wait3A_83 : memref<8x128xf32, #tpu.memory_space<hbm>>)
    %dma_wait3A_87 = arith.constant 0 : i32
    %dma_wait3A_88 = arith.constant 4 : i32
    %dma_wait3A_89 = arith.constant 32 : i32
    %dma_wait3A_90 = arith.constant 0 : i32
    %dma_wait3A_91 = tpu.memref_slice %arg8[%dma_wait3A_89, %dma_wait3A_90] : memref<64x133xf32, #tpu.memory_space<vmem>> -> memref<8x128xf32, #tpu.memory_space<vmem>>
    %dma_wait3A_92 = arith.constant 0 : i32
    %dma_wait3A_93 = arith.constant 0 : i32
    %dma_wait3A_94 = tpu.memref_slice %arg4[%dma_wait3A_87, %dma_wait3A_88, %add3A, %dma_wait3A_92, %dma_wait3A_93] : memref<200x8x32x8x128xf32, #tpu.memory_space<hbm>> -> memref<1x1x1x8x128xf32, #tpu.memory_space<hbm>>
    %dma_wait3A_95 = tpu.memref_squeeze %dma_wait3A_94 : memref<1x1x1x8x128xf32, #tpu.memory_space<hbm>> -> memref<8x128xf32, #tpu.memory_space<hbm>>
    %dma_wait3A_96 = arith.constant 0 : i32
    %dma_wait3A_97 = arith.constant 0 : i32
    %dma_wait3A_98 = tpu.memref_slice %arg4[%dma_wait3A_87, %dma_wait3A_88, %add3A, %dma_wait3A_96, %dma_wait3A_97] : memref<200x8x32x8x128xf32, #tpu.memory_space<hbm>> -> memref<1x1x1x8x128xf32, #tpu.memory_space<hbm>>
    %dma_wait3A_99 = tpu.memref_squeeze %dma_wait3A_98 : memref<1x1x1x8x128xf32, #tpu.memory_space<hbm>> -> memref<8x128xf32, #tpu.memory_space<hbm>>
    %dma_wait3A_100 = arith.constant 32 : i32
    %dma_wait3A_101 = arith.constant 0 : i32
    %dma_wait3A_102 = tpu.memref_slice %arg8[%dma_wait3A_100, %dma_wait3A_101] : memref<64x133xf32, #tpu.memory_space<vmem>> -> memref<8x128xf32, #tpu.memory_space<vmem>>
    tpu.wait_dma2 semaphore(%arg12 : memref<!tpu.dma_semaphore, #tpu.memory_space<semaphore_mem>>) src(%dma_wait3A_102 : memref<8x128xf32, #tpu.memory_space<vmem>>) dst(%dma_wait3A_99 : memref<8x128xf32, #tpu.memory_space<hbm>>)
    %dma_wait3A_103 = arith.constant 0 : i32
    %dma_wait3A_104 = arith.constant 5 : i32
    %dma_wait3A_105 = arith.constant 40 : i32
    %dma_wait3A_106 = arith.constant 0 : i32
    %dma_wait3A_107 = tpu.memref_slice %arg8[%dma_wait3A_105, %dma_wait3A_106] : memref<64x133xf32, #tpu.memory_space<vmem>> -> memref<8x128xf32, #tpu.memory_space<vmem>>
    %dma_wait3A_108 = arith.constant 0 : i32
    %dma_wait3A_109 = arith.constant 0 : i32
    %dma_wait3A_110 = tpu.memref_slice %arg4[%dma_wait3A_103, %dma_wait3A_104, %add3A, %dma_wait3A_108, %dma_wait3A_109] : memref<200x8x32x8x128xf32, #tpu.memory_space<hbm>> -> memref<1x1x1x8x128xf32, #tpu.memory_space<hbm>>
    %dma_wait3A_111 = tpu.memref_squeeze %dma_wait3A_110 : memref<1x1x1x8x128xf32, #tpu.memory_space<hbm>> -> memref<8x128xf32, #tpu.memory_space<hbm>>
    %dma_wait3A_112 = arith.constant 0 : i32
    %dma_wait3A_113 = arith.constant 0 : i32
    %dma_wait3A_114 = tpu.memref_slice %arg4[%dma_wait3A_103, %dma_wait3A_104, %add3A, %dma_wait3A_112, %dma_wait3A_113] : memref<200x8x32x8x128xf32, #tpu.memory_space<hbm>> -> memref<1x1x1x8x128xf32, #tpu.memory_space<hbm>>
    %dma_wait3A_115 = tpu.memref_squeeze %dma_wait3A_114 : memref<1x1x1x8x128xf32, #tpu.memory_space<hbm>> -> memref<8x128xf32, #tpu.memory_space<hbm>>
    %dma_wait3A_116 = arith.constant 40 : i32
    %dma_wait3A_117 = arith.constant 0 : i32
    %dma_wait3A_118 = tpu.memref_slice %arg8[%dma_wait3A_116, %dma_wait3A_117] : memref<64x133xf32, #tpu.memory_space<vmem>> -> memref<8x128xf32, #tpu.memory_space<vmem>>
    tpu.wait_dma2 semaphore(%arg12 : memref<!tpu.dma_semaphore, #tpu.memory_space<semaphore_mem>>) src(%dma_wait3A_118 : memref<8x128xf32, #tpu.memory_space<vmem>>) dst(%dma_wait3A_115 : memref<8x128xf32, #tpu.memory_space<hbm>>)
    %dma_wait3A_119 = arith.constant 0 : i32
    %dma_wait3A_120 = arith.constant 6 : i32
    %dma_wait3A_121 = arith.constant 48 : i32
    %dma_wait3A_122 = arith.constant 0 : i32
    %dma_wait3A_123 = tpu.memref_slice %arg8[%dma_wait3A_121, %dma_wait3A_122] : memref<64x133xf32, #tpu.memory_space<vmem>> -> memref<8x128xf32, #tpu.memory_space<vmem>>
    %dma_wait3A_124 = arith.constant 0 : i32
    %dma_wait3A_125 = arith.constant 0 : i32
    %dma_wait3A_126 = tpu.memref_slice %arg4[%dma_wait3A_119, %dma_wait3A_120, %add3A, %dma_wait3A_124, %dma_wait3A_125] : memref<200x8x32x8x128xf32, #tpu.memory_space<hbm>> -> memref<1x1x1x8x128xf32, #tpu.memory_space<hbm>>
    %dma_wait3A_127 = tpu.memref_squeeze %dma_wait3A_126 : memref<1x1x1x8x128xf32, #tpu.memory_space<hbm>> -> memref<8x128xf32, #tpu.memory_space<hbm>>
    %dma_wait3A_128 = arith.constant 0 : i32
    %dma_wait3A_129 = arith.constant 0 : i32
    %dma_wait3A_130 = tpu.memref_slice %arg4[%dma_wait3A_119, %dma_wait3A_120, %add3A, %dma_wait3A_128, %dma_wait3A_129] : memref<200x8x32x8x128xf32, #tpu.memory_space<hbm>> -> memref<1x1x1x8x128xf32, #tpu.memory_space<hbm>>
    %dma_wait3A_131 = tpu.memref_squeeze %dma_wait3A_130 : memref<1x1x1x8x128xf32, #tpu.memory_space<hbm>> -> memref<8x128xf32, #tpu.memory_space<hbm>>
    %dma_wait3A_132 = arith.constant 48 : i32
    %dma_wait3A_133 = arith.constant 0 : i32
    %dma_wait3A_134 = tpu.memref_slice %arg8[%dma_wait3A_132, %dma_wait3A_133] : memref<64x133xf32, #tpu.memory_space<vmem>> -> memref<8x128xf32, #tpu.memory_space<vmem>>
    tpu.wait_dma2 semaphore(%arg12 : memref<!tpu.dma_semaphore, #tpu.memory_space<semaphore_mem>>) src(%dma_wait3A_134 : memref<8x128xf32, #tpu.memory_space<vmem>>) dst(%dma_wait3A_131 : memref<8x128xf32, #tpu.memory_space<hbm>>)
    %dma_wait3A_135 = arith.constant 0 : i32
    %dma_wait3A_136 = arith.constant 7 : i32
    %dma_wait3A_137 = arith.constant 56 : i32
    %dma_wait3A_138 = arith.constant 0 : i32
    %dma_wait3A_139 = tpu.memref_slice %arg8[%dma_wait3A_137, %dma_wait3A_138] : memref<64x133xf32, #tpu.memory_space<vmem>> -> memref<8x128xf32, #tpu.memory_space<vmem>>
    %dma_wait3A_140 = arith.constant 0 : i32
    %dma_wait3A_141 = arith.constant 0 : i32
    %dma_wait3A_142 = tpu.memref_slice %arg4[%dma_wait3A_135, %dma_wait3A_136, %add3A, %dma_wait3A_140, %dma_wait3A_141] : memref<200x8x32x8x128xf32, #tpu.memory_space<hbm>> -> memref<1x1x1x8x128xf32, #tpu.memory_space<hbm>>
    %dma_wait3A_143 = tpu.memref_squeeze %dma_wait3A_142 : memref<1x1x1x8x128xf32, #tpu.memory_space<hbm>> -> memref<8x128xf32, #tpu.memory_space<hbm>>
    %dma_wait3A_144 = arith.constant 0 : i32
    %dma_wait3A_145 = arith.constant 0 : i32
    %dma_wait3A_146 = tpu.memref_slice %arg4[%dma_wait3A_135, %dma_wait3A_136, %add3A, %dma_wait3A_144, %dma_wait3A_145] : memref<200x8x32x8x128xf32, #tpu.memory_space<hbm>> -> memref<1x1x1x8x128xf32, #tpu.memory_space<hbm>>
    %dma_wait3A_147 = tpu.memref_squeeze %dma_wait3A_146 : memref<1x1x1x8x128xf32, #tpu.memory_space<hbm>> -> memref<8x128xf32, #tpu.memory_space<hbm>>
    %dma_wait3A_148 = arith.constant 56 : i32
    %dma_wait3A_149 = arith.constant 0 : i32
    %dma_wait3A_150 = tpu.memref_slice %arg8[%dma_wait3A_148, %dma_wait3A_149] : memref<64x133xf32, #tpu.memory_space<vmem>> -> memref<8x128xf32, #tpu.memory_space<vmem>>
    tpu.wait_dma2 semaphore(%arg12 : memref<!tpu.dma_semaphore, #tpu.memory_space<semaphore_mem>>) src(%dma_wait3A_150 : memref<8x128xf32, #tpu.memory_space<vmem>>) dst(%dma_wait3A_147 : memref<8x128xf32, #tpu.memory_space<hbm>>)
    %dma_wait3A_151 = arith.constant 0 : i32
    %dma_wait3A_152 = arith.constant 0 : i32
    %dma_wait3A_153 = arith.constant 0 : i32
    %dma_wait3A_154 = arith.constant 0 : i32
    %dma_wait3A_155 = tpu.memref_slice %arg9[%dma_wait3A_153, %dma_wait3A_154] : memref<64x133xf32, #tpu.memory_space<vmem>> -> memref<8x128xf32, #tpu.memory_space<vmem>>
    %dma_wait3A_156 = arith.constant 0 : i32
    %dma_wait3A_157 = arith.constant 0 : i32
    %dma_wait3A_158 = tpu.memref_slice %arg4[%dma_wait3A_151, %dma_wait3A_152, %add3A, %dma_wait3A_156, %dma_wait3A_157] : memref<200x8x32x8x128xf32, #tpu.memory_space<hbm>> -> memref<1x1x1x8x128xf32, #tpu.memory_space<hbm>>
    %dma_wait3A_159 = tpu.memref_squeeze %dma_wait3A_158 : memref<1x1x1x8x128xf32, #tpu.memory_space<hbm>> -> memref<8x128xf32, #tpu.memory_space<hbm>>
    %dma_wait3A_160 = arith.constant 0 : i32
    %dma_wait3A_161 = arith.constant 0 : i32
    %dma_wait3A_162 = tpu.memref_slice %arg4[%dma_wait3A_151, %dma_wait3A_152, %add3A, %dma_wait3A_160, %dma_wait3A_161] : memref<200x8x32x8x128xf32, #tpu.memory_space<hbm>> -> memref<1x1x1x8x128xf32, #tpu.memory_space<hbm>>
    %dma_wait3A_163 = tpu.memref_squeeze %dma_wait3A_162 : memref<1x1x1x8x128xf32, #tpu.memory_space<hbm>> -> memref<8x128xf32, #tpu.memory_space<hbm>>
    %dma_wait3A_164 = arith.constant 0 : i32
    %dma_wait3A_165 = arith.constant 0 : i32
    %dma_wait3A_166 = tpu.memref_slice %arg9[%dma_wait3A_164, %dma_wait3A_165] : memref<64x133xf32, #tpu.memory_space<vmem>> -> memref<8x128xf32, #tpu.memory_space<vmem>>
    tpu.wait_dma2 semaphore(%arg13 : memref<!tpu.dma_semaphore, #tpu.memory_space<semaphore_mem>>) src(%dma_wait3A_166 : memref<8x128xf32, #tpu.memory_space<vmem>>) dst(%dma_wait3A_163 : memref<8x128xf32, #tpu.memory_space<hbm>>)
    %dma_wait3A_167 = arith.constant 0 : i32
    %dma_wait3A_168 = arith.constant 1 : i32
    %dma_wait3A_169 = arith.constant 8 : i32
    %dma_wait3A_170 = arith.constant 0 : i32
    %dma_wait3A_171 = tpu.memref_slice %arg9[%dma_wait3A_169, %dma_wait3A_170] : memref<64x133xf32, #tpu.memory_space<vmem>> -> memref<8x128xf32, #tpu.memory_space<vmem>>
    %dma_wait3A_172 = arith.constant 0 : i32
    %dma_wait3A_173 = arith.constant 0 : i32
    %dma_wait3A_174 = tpu.memref_slice %arg4[%dma_wait3A_167, %dma_wait3A_168, %add3A, %dma_wait3A_172, %dma_wait3A_173] : memref<200x8x32x8x128xf32, #tpu.memory_space<hbm>> -> memref<1x1x1x8x128xf32, #tpu.memory_space<hbm>>
    %dma_wait3A_175 = tpu.memref_squeeze %dma_wait3A_174 : memref<1x1x1x8x128xf32, #tpu.memory_space<hbm>> -> memref<8x128xf32, #tpu.memory_space<hbm>>
    %dma_wait3A_176 = arith.constant 0 : i32
    %dma_wait3A_177 = arith.constant 0 : i32
    %dma_wait3A_178 = tpu.memref_slice %arg4[%dma_wait3A_167, %dma_wait3A_168, %add3A, %dma_wait3A_176, %dma_wait3A_177] : memref<200x8x32x8x128xf32, #tpu.memory_space<hbm>> -> memref<1x1x1x8x128xf32, #tpu.memory_space<hbm>>
    %dma_wait3A_179 = tpu.memref_squeeze %dma_wait3A_178 : memref<1x1x1x8x128xf32, #tpu.memory_space<hbm>> -> memref<8x128xf32, #tpu.memory_space<hbm>>
    %dma_wait3A_180 = arith.constant 8 : i32
    %dma_wait3A_181 = arith.constant 0 : i32
    %dma_wait3A_182 = tpu.memref_slice %arg9[%dma_wait3A_180, %dma_wait3A_181] : memref<64x133xf32, #tpu.memory_space<vmem>> -> memref<8x128xf32, #tpu.memory_space<vmem>>
    tpu.wait_dma2 semaphore(%arg13 : memref<!tpu.dma_semaphore, #tpu.memory_space<semaphore_mem>>) src(%dma_wait3A_182 : memref<8x128xf32, #tpu.memory_space<vmem>>) dst(%dma_wait3A_179 : memref<8x128xf32, #tpu.memory_space<hbm>>)
    %dma_wait3A_183 = arith.constant 0 : i32
    %dma_wait3A_184 = arith.constant 2 : i32
    %dma_wait3A_185 = arith.constant 16 : i32
    %dma_wait3A_186 = arith.constant 0 : i32
    %dma_wait3A_187 = tpu.memref_slice %arg9[%dma_wait3A_185, %dma_wait3A_186] : memref<64x133xf32, #tpu.memory_space<vmem>> -> memref<8x128xf32, #tpu.memory_space<vmem>>
    %dma_wait3A_188 = arith.constant 0 : i32
    %dma_wait3A_189 = arith.constant 0 : i32
    %dma_wait3A_190 = tpu.memref_slice %arg4[%dma_wait3A_183, %dma_wait3A_184, %add3A, %dma_wait3A_188, %dma_wait3A_189] : memref<200x8x32x8x128xf32, #tpu.memory_space<hbm>> -> memref<1x1x1x8x128xf32, #tpu.memory_space<hbm>>
    %dma_wait3A_191 = tpu.memref_squeeze %dma_wait3A_190 : memref<1x1x1x8x128xf32, #tpu.memory_space<hbm>> -> memref<8x128xf32, #tpu.memory_space<hbm>>
    %dma_wait3A_192 = arith.constant 0 : i32
    %dma_wait3A_193 = arith.constant 0 : i32
    %dma_wait3A_194 = tpu.memref_slice %arg4[%dma_wait3A_183, %dma_wait3A_184, %add3A, %dma_wait3A_192, %dma_wait3A_193] : memref<200x8x32x8x128xf32, #tpu.memory_space<hbm>> -> memref<1x1x1x8x128xf32, #tpu.memory_space<hbm>>
    %dma_wait3A_195 = tpu.memref_squeeze %dma_wait3A_194 : memref<1x1x1x8x128xf32, #tpu.memory_space<hbm>> -> memref<8x128xf32, #tpu.memory_space<hbm>>
    %dma_wait3A_196 = arith.constant 16 : i32
    %dma_wait3A_197 = arith.constant 0 : i32
    %dma_wait3A_198 = tpu.memref_slice %arg9[%dma_wait3A_196, %dma_wait3A_197] : memref<64x133xf32, #tpu.memory_space<vmem>> -> memref<8x128xf32, #tpu.memory_space<vmem>>
    tpu.wait_dma2 semaphore(%arg13 : memref<!tpu.dma_semaphore, #tpu.memory_space<semaphore_mem>>) src(%dma_wait3A_198 : memref<8x128xf32, #tpu.memory_space<vmem>>) dst(%dma_wait3A_195 : memref<8x128xf32, #tpu.memory_space<hbm>>)
    %dma_wait3A_199 = arith.constant 0 : i32
    %dma_wait3A_200 = arith.constant 3 : i32
    %dma_wait3A_201 = arith.constant 24 : i32
    %dma_wait3A_202 = arith.constant 0 : i32
    %dma_wait3A_203 = tpu.memref_slice %arg9[%dma_wait3A_201, %dma_wait3A_202] : memref<64x133xf32, #tpu.memory_space<vmem>> -> memref<8x128xf32, #tpu.memory_space<vmem>>
    %dma_wait3A_204 = arith.constant 0 : i32
    %dma_wait3A_205 = arith.constant 0 : i32
    %dma_wait3A_206 = tpu.memref_slice %arg4[%dma_wait3A_199, %dma_wait3A_200, %add3A, %dma_wait3A_204, %dma_wait3A_205] : memref<200x8x32x8x128xf32, #tpu.memory_space<hbm>> -> memref<1x1x1x8x128xf32, #tpu.memory_space<hbm>>
    %dma_wait3A_207 = tpu.memref_squeeze %dma_wait3A_206 : memref<1x1x1x8x128xf32, #tpu.memory_space<hbm>> -> memref<8x128xf32, #tpu.memory_space<hbm>>
    %dma_wait3A_208 = arith.constant 0 : i32
    %dma_wait3A_209 = arith.constant 0 : i32
    %dma_wait3A_210 = tpu.memref_slice %arg4[%dma_wait3A_199, %dma_wait3A_200, %add3A, %dma_wait3A_208, %dma_wait3A_209] : memref<200x8x32x8x128xf32, #tpu.memory_space<hbm>> -> memref<1x1x1x8x128xf32, #tpu.memory_space<hbm>>
    %dma_wait3A_211 = tpu.memref_squeeze %dma_wait3A_210 : memref<1x1x1x8x128xf32, #tpu.memory_space<hbm>> -> memref<8x128xf32, #tpu.memory_space<hbm>>
    %dma_wait3A_212 = arith.constant 24 : i32
    %dma_wait3A_213 = arith.constant 0 : i32
    %dma_wait3A_214 = tpu.memref_slice %arg9[%dma_wait3A_212, %dma_wait3A_213] : memref<64x133xf32, #tpu.memory_space<vmem>> -> memref<8x128xf32, #tpu.memory_space<vmem>>
    tpu.wait_dma2 semaphore(%arg13 : memref<!tpu.dma_semaphore, #tpu.memory_space<semaphore_mem>>) src(%dma_wait3A_214 : memref<8x128xf32, #tpu.memory_space<vmem>>) dst(%dma_wait3A_211 : memref<8x128xf32, #tpu.memory_space<hbm>>)
    %dma_wait3A_215 = arith.constant 0 : i32
    %dma_wait3A_216 = arith.constant 4 : i32
    %dma_wait3A_217 = arith.constant 32 : i32
    %dma_wait3A_218 = arith.constant 0 : i32
    %dma_wait3A_219 = tpu.memref_slice %arg9[%dma_wait3A_217, %dma_wait3A_218] : memref<64x133xf32, #tpu.memory_space<vmem>> -> memref<8x128xf32, #tpu.memory_space<vmem>>
    %dma_wait3A_220 = arith.constant 0 : i32
    %dma_wait3A_221 = arith.constant 0 : i32
    %dma_wait3A_222 = tpu.memref_slice %arg4[%dma_wait3A_215, %dma_wait3A_216, %add3A, %dma_wait3A_220, %dma_wait3A_221] : memref<200x8x32x8x128xf32, #tpu.memory_space<hbm>> -> memref<1x1x1x8x128xf32, #tpu.memory_space<hbm>>
    %dma_wait3A_223 = tpu.memref_squeeze %dma_wait3A_222 : memref<1x1x1x8x128xf32, #tpu.memory_space<hbm>> -> memref<8x128xf32, #tpu.memory_space<hbm>>
    %dma_wait3A_224 = arith.constant 0 : i32
    %dma_wait3A_225 = arith.constant 0 : i32
    %dma_wait3A_226 = tpu.memref_slice %arg4[%dma_wait3A_215, %dma_wait3A_216, %add3A, %dma_wait3A_224, %dma_wait3A_225] : memref<200x8x32x8x128xf32, #tpu.memory_space<hbm>> -> memref<1x1x1x8x128xf32, #tpu.memory_space<hbm>>
    %dma_wait3A_227 = tpu.memref_squeeze %dma_wait3A_226 : memref<1x1x1x8x128xf32, #tpu.memory_space<hbm>> -> memref<8x128xf32, #tpu.memory_space<hbm>>
    %dma_wait3A_228 = arith.constant 32 : i32
    %dma_wait3A_229 = arith.constant 0 : i32
    %dma_wait3A_230 = tpu.memref_slice %arg9[%dma_wait3A_228, %dma_wait3A_229] : memref<64x133xf32, #tpu.memory_space<vmem>> -> memref<8x128xf32, #tpu.memory_space<vmem>>
    tpu.wait_dma2 semaphore(%arg13 : memref<!tpu.dma_semaphore, #tpu.memory_space<semaphore_mem>>) src(%dma_wait3A_230 : memref<8x128xf32, #tpu.memory_space<vmem>>) dst(%dma_wait3A_227 : memref<8x128xf32, #tpu.memory_space<hbm>>)
    %dma_wait3A_231 = arith.constant 0 : i32
    %dma_wait3A_232 = arith.constant 5 : i32
    %dma_wait3A_233 = arith.constant 40 : i32
    %dma_wait3A_234 = arith.constant 0 : i32
    %dma_wait3A_235 = tpu.memref_slice %arg9[%dma_wait3A_233, %dma_wait3A_234] : memref<64x133xf32, #tpu.memory_space<vmem>> -> memref<8x128xf32, #tpu.memory_space<vmem>>
    %dma_wait3A_236 = arith.constant 0 : i32
    %dma_wait3A_237 = arith.constant 0 : i32
    %dma_wait3A_238 = tpu.memref_slice %arg4[%dma_wait3A_231, %dma_wait3A_232, %add3A, %dma_wait3A_236, %dma_wait3A_237] : memref<200x8x32x8x128xf32, #tpu.memory_space<hbm>> -> memref<1x1x1x8x128xf32, #tpu.memory_space<hbm>>
    %dma_wait3A_239 = tpu.memref_squeeze %dma_wait3A_238 : memref<1x1x1x8x128xf32, #tpu.memory_space<hbm>> -> memref<8x128xf32, #tpu.memory_space<hbm>>
    %dma_wait3A_240 = arith.constant 0 : i32
    %dma_wait3A_241 = arith.constant 0 : i32
    %dma_wait3A_242 = tpu.memref_slice %arg4[%dma_wait3A_231, %dma_wait3A_232, %add3A, %dma_wait3A_240, %dma_wait3A_241] : memref<200x8x32x8x128xf32, #tpu.memory_space<hbm>> -> memref<1x1x1x8x128xf32, #tpu.memory_space<hbm>>
    %dma_wait3A_243 = tpu.memref_squeeze %dma_wait3A_242 : memref<1x1x1x8x128xf32, #tpu.memory_space<hbm>> -> memref<8x128xf32, #tpu.memory_space<hbm>>
    %dma_wait3A_244 = arith.constant 40 : i32
    %dma_wait3A_245 = arith.constant 0 : i32
    %dma_wait3A_246 = tpu.memref_slice %arg9[%dma_wait3A_244, %dma_wait3A_245] : memref<64x133xf32, #tpu.memory_space<vmem>> -> memref<8x128xf32, #tpu.memory_space<vmem>>
    tpu.wait_dma2 semaphore(%arg13 : memref<!tpu.dma_semaphore, #tpu.memory_space<semaphore_mem>>) src(%dma_wait3A_246 : memref<8x128xf32, #tpu.memory_space<vmem>>) dst(%dma_wait3A_243 : memref<8x128xf32, #tpu.memory_space<hbm>>)
    %dma_wait3A_247 = arith.constant 0 : i32
    %dma_wait3A_248 = arith.constant 6 : i32
    %dma_wait3A_249 = arith.constant 48 : i32
    %dma_wait3A_250 = arith.constant 0 : i32
    %dma_wait3A_251 = tpu.memref_slice %arg9[%dma_wait3A_249, %dma_wait3A_250] : memref<64x133xf32, #tpu.memory_space<vmem>> -> memref<8x128xf32, #tpu.memory_space<vmem>>
    %dma_wait3A_252 = arith.constant 0 : i32
    %dma_wait3A_253 = arith.constant 0 : i32
    %dma_wait3A_254 = tpu.memref_slice %arg4[%dma_wait3A_247, %dma_wait3A_248, %add3A, %dma_wait3A_252, %dma_wait3A_253] : memref<200x8x32x8x128xf32, #tpu.memory_space<hbm>> -> memref<1x1x1x8x128xf32, #tpu.memory_space<hbm>>
    %dma_wait3A_255 = tpu.memref_squeeze %dma_wait3A_254 : memref<1x1x1x8x128xf32, #tpu.memory_space<hbm>> -> memref<8x128xf32, #tpu.memory_space<hbm>>
    %dma_wait3A_256 = arith.constant 0 : i32
    %dma_wait3A_257 = arith.constant 0 : i32
    %dma_wait3A_258 = tpu.memref_slice %arg4[%dma_wait3A_247, %dma_wait3A_248, %add3A, %dma_wait3A_256, %dma_wait3A_257] : memref<200x8x32x8x128xf32, #tpu.memory_space<hbm>> -> memref<1x1x1x8x128xf32, #tpu.memory_space<hbm>>
    %dma_wait3A_259 = tpu.memref_squeeze %dma_wait3A_258 : memref<1x1x1x8x128xf32, #tpu.memory_space<hbm>> -> memref<8x128xf32, #tpu.memory_space<hbm>>
    %dma_wait3A_260 = arith.constant 48 : i32
    %dma_wait3A_261 = arith.constant 0 : i32
    %dma_wait3A_262 = tpu.memref_slice %arg9[%dma_wait3A_260, %dma_wait3A_261] : memref<64x133xf32, #tpu.memory_space<vmem>> -> memref<8x128xf32, #tpu.memory_space<vmem>>
    tpu.wait_dma2 semaphore(%arg13 : memref<!tpu.dma_semaphore, #tpu.memory_space<semaphore_mem>>) src(%dma_wait3A_262 : memref<8x128xf32, #tpu.memory_space<vmem>>) dst(%dma_wait3A_259 : memref<8x128xf32, #tpu.memory_space<hbm>>)
    %dma_wait3A_263 = arith.constant 0 : i32
    %dma_wait3A_264 = arith.constant 7 : i32
    %dma_wait3A_265 = arith.constant 56 : i32
    %dma_wait3A_266 = arith.constant 0 : i32
    %dma_wait3A_267 = tpu.memref_slice %arg9[%dma_wait3A_265, %dma_wait3A_266] : memref<64x133xf32, #tpu.memory_space<vmem>> -> memref<8x128xf32, #tpu.memory_space<vmem>>
    %dma_wait3A_268 = arith.constant 0 : i32
    %dma_wait3A_269 = arith.constant 0 : i32
    %dma_wait3A_270 = tpu.memref_slice %arg4[%dma_wait3A_263, %dma_wait3A_264, %add3A, %dma_wait3A_268, %dma_wait3A_269] : memref<200x8x32x8x128xf32, #tpu.memory_space<hbm>> -> memref<1x1x1x8x128xf32, #tpu.memory_space<hbm>>
    %dma_wait3A_271 = tpu.memref_squeeze %dma_wait3A_270 : memref<1x1x1x8x128xf32, #tpu.memory_space<hbm>> -> memref<8x128xf32, #tpu.memory_space<hbm>>
    %dma_wait3A_272 = arith.constant 0 : i32
    %dma_wait3A_273 = arith.constant 0 : i32
    %dma_wait3A_274 = tpu.memref_slice %arg4[%dma_wait3A_263, %dma_wait3A_264, %add3A, %dma_wait3A_272, %dma_wait3A_273] : memref<200x8x32x8x128xf32, #tpu.memory_space<hbm>> -> memref<1x1x1x8x128xf32, #tpu.memory_space<hbm>>
    %dma_wait3A_275 = tpu.memref_squeeze %dma_wait3A_274 : memref<1x1x1x8x128xf32, #tpu.memory_space<hbm>> -> memref<8x128xf32, #tpu.memory_space<hbm>>
    %dma_wait3A_276 = arith.constant 56 : i32
    %dma_wait3A_277 = arith.constant 0 : i32
    %dma_wait3A_278 = tpu.memref_slice %arg9[%dma_wait3A_276, %dma_wait3A_277] : memref<64x133xf32, #tpu.memory_space<vmem>> -> memref<8x128xf32, #tpu.memory_space<vmem>>
    tpu.wait_dma2 semaphore(%arg13 : memref<!tpu.dma_semaphore, #tpu.memory_space<semaphore_mem>>) src(%dma_wait3A_278 : memref<8x128xf32, #tpu.memory_space<vmem>>) dst(%dma_wait3A_275 : memref<8x128xf32, #tpu.memory_space<hbm>>)
    return
  }
}

</mosaic_0001>

<sc_bundles>
// kernel: kernel.3.cloned.1.call-start
scs
__scs_entry_jumppad:
0x0: {  	(pc) =	sbr.rel $0x88, $3  }
0x1: {  	(tag) =	ssettag $0x0;
	lr =	simm.s32 $0x1  }
0x2: {  	[smem:$0x3F9F] =	sst lr;
	_ =	strace $0xD0000000  }
0x3: {  	_ = 	snop  }
0x4: {  	_ = 	snop  }
0x5: {  	_ = 	snop  }
0x6: {  	_ = 	snop  }
0x7: {  	_ = 	snop  }
__scs_overlays_trampoline_lowered:
0x8: {  	[smem:$0x3FAE] =	sst s0  }
0x9: {  	[smem:$0x3FAF] =	sst s1  }
0xa: {  	[smem:$0x3FB0] =	sst s2  }
0xb: {  	[smem:$0x3FB1] =	sst s3  }
0xc: {  	[smem:$0x3FB2] =	sst s4  }
0xd: {  	[smem:$0x3FB3] =	sst s5  }
0xe: {  	[smem:$0x3FB4] =	sst s6  }
0xf: {  	[smem:$0x3FB5] =	sst s7  }
0x10: {  	[smem:$0x3FB6] =	sst s8  }
0x11: {  	[smem:$0x3FB7] =	sst s9;
	s0 =	simm.s32 @!p0 $0x0  }
0x12: {  	s1 =	sld [smem:$0x3F9D];
	s0 =	simm.s32 @p0 $0x1  }
0x13: {  	[smem:$0x3FB8] =	sst s0;
	s0 =	simm.s32 @!p1 $0x0  }
0x14: {  	s2 =	sld [smem:$0x3F9C];
	s0 =	simm.s32 @p1 $0x1  }
0x15: {  	[smem:$0x3FB9] =	sst s0;
	s0 =	simm.s32 @!p2 $0x0  }
0x16: {  	s3 =	sld [smem:$0x3FDB];
	s0 =	simm.s32 @p2 $0x1  }
0x17: {  	s4 =	simm.s32 $0x1BF5;
	[smem:$0x3FBB] =	sst s0  }
0x18: {  	s0 =	sld [smem:$0x3F9E];
	_ =	swait.ge [sflag:s4], $0x0  }
0x19: {  	s7 =	sld [smem:$0x3F9F]  }
0x1a: {  	s8 =	sadd.s32 $0xFFFFE003, lr  }
0x1b: {  	s9 =	sadd.s32 $0xFFFFFEF7, lr;
	s5 =	simm.s32 $0xFFFFFFFF;
	p2 =	slt.u32 s8, $0xFFFFF086  }
0x1c: {  	p1 =	slt.u32 s9, $0xF7A;
	s5 =	simm.s32 @!p2 $0x0  }
0x1d: {  	s5 =	simm.s32 @p1 $0x1;
	p0 =	seq.s32 s7, s2  }
0x1e: {  	s7 =	smul.u32 @!p0 $0xF7A, s2;
	p2 =	seq.s32 @!p0 s5, $0x0  }
0x1f: {  	s9 =	smul.u32 $0xF7A, s1;
	s8 =	simm.s32 @!p0 $0x1BF5;
	p2 =	por !p2, p0  }
0x20: {  	[sflag:s8] =	ssyncset.s32 @!p0 $0xFFFFF086;
	s6 =	sadd.s32 @!p0 s3, s7;
	s7 =	simm.s32 @!p0 $0x108  }
0x21: {  	s3 =	sadd.s32 s3, s9;
	s6 =	sadd.s32 @!p0 $0x88, s6;
	s7 =	simm.s32 @p2 $0x1082  }
0x22: {  	[simem:s7], [sflag:s8] =	dma.local @!p0 [hbm:s6], $0xF7A  }
0x23: {  	s9 =	sor.u32 $0xD0000000, s2;
	s6 =	simm.s32 $0x108;
	_ =	swait.ge @!p0 [sflag:s8], $0x0  }
0x24: {  	s3 =	sadd.s32 $0x88, s3;
	s6 =	simm.s32 @!p1 $0x1082;
	[sflag:s4] =	ssyncset.s32 $0xFFFFF086  }
0x25: {  	[simem:s6], [sflag:s4] =	dma.local [hbm:s3], $0xF7A  }
0x26: {  	[smem:$0x3F9F] =	sst s1;
	(tag) =	ssettag s2;
	_ =	strace s9  }
0x27: {  	s1 =	sld [smem:$0x3FAF]  }
0x28: {  	s2 =	sld [smem:$0x3FB0]  }
0x29: {  	s4 =	sld [smem:$0x3FB2]  }
0x2a: {  	p0 =	seq.s32 s5, $0x0;
	s5 =	sld [smem:$0x3FB3]  }
0x2b: {  	s6 =	sld [smem:$0x3FB4]  }
0x2c: {  	s7 =	sld [smem:$0x3FB5]  }
0x2d: {  	s3 =	simm.s32 $0x108;
	s8 =	sld [smem:$0x3FB6]  }
0x2e: {  	s3 =	simm.s32 @!p0 $0x1082;
	s9 =	sld [smem:$0x3FB7]  }
0x2f: {  	lr =	sadd.s32 s0, s3;
	s0 =	sld [smem:$0x3FAE]  }
0x30: {  	s3 =	sld [smem:$0x3FB1]  }
0x31: {  	[smem:$0x3FBA] =	sst s10  }
0x32: {  	s10 =	sld [smem:$0x3FB8];
	_ =	sdelay $0x3  }
0x33: {  	p0 =	seq.s32 s10, $0x1;
	s10 =	sld [smem:$0x3FBA];
	_ =	sdelay $0x3  }
0x34: {  	[smem:$0x3FBA] =	sst s10  }
0x35: {  	s10 =	sld [smem:$0x3FB9];
	_ =	sdelay $0x3  }
0x36: {  	p1 =	seq.s32 s10, $0x1;
	s10 =	sld [smem:$0x3FBA];
	_ =	sdelay $0x3  }
0x37: {  	[smem:$0x3FBA] =	sst s10  }
0x38: {  	s10 =	sld [smem:$0x3FBB]  }
0x39: {  	_ = 	snop;
	(pc) =	sbr.ind lr, $3  }
0x3a: {  	_ = 	snop  }
0x3b: {  	_ = 	snop  }
0x3c: {  	p2 =	seq.s32 s10, $0x1;
	s10 =	sld [smem:$0x3FBA]  }
0x3d: {  	_ =	shalt  }
0x3e: {  	_ =	shalt  }
0x3f: {  	_ =	shalt  }
0x40: {  	_ =	shalt  }
0x41: {  	_ =	shalt  }
0x42: {  	_ =	shalt  }
0x43: {  	_ =	shalt  }
0x44: {  	_ =	shalt  }
0x45: {  	_ =	shalt  }
0x46: {  	_ =	shalt  }
0x47: {  	_ =	shalt  }
0x48: {  	_ =	shalt  }
0x49: {  	_ =	shalt  }
0x4a: {  	_ =	shalt  }
0x4b: {  	_ =	shalt  }
0x4c: {  	_ =	shalt  }
0x4d: {  	_ =	shalt  }
0x4e: {  	_ =	shalt  }
0x4f: {  	_ =	shalt  }
0x50: {  	_ =	shalt  }
0x51: {  	_ =	shalt  }
0x52: {  	_ =	shalt  }
0x53: {  	_ =	shalt  }
0x54: {  	_ =	shalt  }
0x55: {  	_ =	shalt  }
0x56: {  	_ =	shalt  }
0x57: {  	_ =	shalt  }
0x58: {  	_ =	shalt  }
0x59: {  	_ =	shalt  }
0x5a: {  	_ =	shalt  }
0x5b: {  	_ =	shalt  }
0x5c: {  	_ =	shalt  }
0x5d: {  	_ =	shalt  }
0x5e: {  	_ =	shalt  }
0x5f: {  	_ =	shalt  }
0x60: {  	_ =	shalt  }
0x61: {  	_ =	shalt  }
0x62: {  	_ =	shalt  }
0x63: {  	_ =	shalt  }
0x64: {  	_ =	shalt  }
0x65: {  	_ =	shalt  }
0x66: {  	_ =	shalt  }
0x67: {  	_ =	shalt  }
0x68: {  	_ =	shalt  }
0x69: {  	_ =	shalt  }
0x6a: {  	_ =	shalt  }
0x6b: {  	_ =	shalt  }
0x6c: {  	_ =	shalt  }
0x6d: {  	_ =	shalt  }
0x6e: {  	_ =	shalt  }
0x6f: {  	_ =	shalt  }
0x70: {  	_ =	shalt  }
0x71: {  	_ =	shalt  }
0x72: {  	_ =	shalt  }
0x73: {  	_ =	shalt  }
0x74: {  	_ =	shalt  }
0x75: {  	_ =	shalt  }
0x76: {  	_ =	shalt  }
0x77: {  	_ =	shalt  }
0x78: {  	_ =	shalt  }
0x79: {  	_ =	shalt  }
0x7a: {  	_ =	shalt  }
0x7b: {  	_ =	shalt  }
0x7c: {  	_ =	shalt  }
0x7d: {  	_ =	shalt  }
0x7e: {  	_ =	shalt  }
0x7f: {  	_ =	shalt  }
0x80: {  	_ =	shalt  }
0x81: {  	_ =	shalt  }
0x82: {  	_ =	shalt  }
0x83: {  	_ =	shalt  }
0x84: {  	_ =	shalt  }
0x85: {  	_ =	shalt  }
0x86: {  	_ =	shalt  }
0x87: {  	_ =	shalt  }
.Lfunc_end0:
.L_simem_size_0:
called_computation.1_lowered:
.L_overlay_start_0:
0x88: {  	s2 =	sld [smem:$0x3FD9]  }
0x89: {  	s3 =	sld [smem:$0x3FFE];
	_ =	sdelay $0x1  }
0x8a: {  	s1 =	srdreg.scid  }
0x8b: {  	s0 =	sand.u32 $0x1, s1  }
0x8c: {  	s17 =	sshll.u32 s0, $0xA;
	s2 =	sadd.s32 s3, s2  }
0x8d: {  	s2 =	sadd.s32 s2, s17  }
0x8e: {  	[smem:$0x3FC6] =	sst s2  }
0x8f: {  	_ = 	snop  }
0x90: {  	s2 =	sld [smem:$0x3FD0];
	(tm) =	ssettm $0x1  }
0x91: {  	s18 =	sld [smem:$0x3FFB];
	_ =	sdelay $0x3  }
0x92: {  	_ =	strace s18  }
0x93: {  	s3 =	sld [smem:$0x3FFC];
	_ =	sdelay $0x3  }
0x94: {  	_ =	strace s3  }
0x95: {  	s3 =	sld [smem:$0x3FFD];
	_ =	sdelay $0x3  }
0x96: {  	_ =	strace s3  }
0x97: {  	_ =	strace $0x8FFFFFFF  }
0x98: {  	s19 =	sld [smem:$0x3FDB];
	_ =	sdelay $0x1  }
0x99: {  	s4 =	simm.s32 $_scs_section_size  }
0x9a: {  	s5 =	simm.s32 $_size__tile_overlayer_lowered;
	s6 =	simm.s32 $_tile_overlayer_lowered  }
0x9b: {  	s22 =	simm.s32 $0x1BFF;
	s21 =	sshll.u32 s6, $0x1;
	s3 =	sadd.s32 s4, s19  }
0x9c: {  	s7 =	simm.s32 $0x0;
	s20 =	sshll.u32 s5, $0x1;
	s5 =	sadd.s32 s21, s3  }
0x9d: {  	[timem:s7], [sflag:s22] =	dma.local [hbm:s5], s20  }
0x9e: {  	_ =	swait.ge [sflag:s22], s20  }
0x9f: {  	s4 =	ssub.s32 $0x0, s20;
	[sflag:s22] =	ssyncset.done $0x0  }
0xa0: {  	[sflag:s22] =	ssyncadd.s32 s4;
	_ =	sdelay $0x1  }
0xa1: {  	s23 =	simm.s32 $0x1B8B  }
0xa2: {  	_ =	swait.ge [sflag:s23], $0x1  }
0xa3: {  	[sflag:s23] =	ssyncset.done $0x0  }
0xa4: {  	s25 =	simm.s32 $0x1B8E;
	s24 =	sld [smem:$0x3FFE];
	[sflag:s23] =	ssyncadd.s32 $0xFFFFFFFF  }
0xa5: {  	s26 =	simm.s32 $execute0_lowered;
	[smem:$0x3FD2] =	sst s25  }
0xa6: {  	s5 =	sshll.u32 s26, $0x1;
	_ =	strace $0x80000049;
	[dreg:$0x1] =	wrdreg $0xFFFFFFFF  }
0xa7: {  	s28 =	simm.s32 $_size_execute0_lowered;
	s3 =	sadd.s32 s3, s5;
	[dreg:$0x0] =	wrdreg $0x0  }
0xa8: {  	s5 =	sshll.u32 s28, $0x1;
	[dreg:$0x2] =	wrdreg s3  }
0xa9: {  	[dreg:$0x3] =	wrdreg s5  }
0xaa: {  	[dreg:$0x4] =	wrdreg $0xC0  }
0xab: {  	_ =	task [dreg:s7], $0x5FFFF  }
0xac: {  	[dreg:$0x1] =	wrdreg $0xFFFFFFFF  }
0xad: {  	[dreg:$0x0] =	wrdreg $0x60  }
0xae: {  	[dreg:$0x2] =	wrdreg s24  }
0xaf: {  	[dreg:$0x3] =	wrdreg s2  }
0xb0: {  	[dreg:$0x4] =	wrdreg $0x9  }
0xb1: {  	_ =	task.clear_ibuf [dreg:s7], $0x5FFFF;
	_ =	strace $0x90000049  }
0xb2: {  	s29 =	simm.s32 $0x9;
	_ =	strace $0x8000004B  }
0xb3: {  	_ =	swait.ge [sflag:s29], $0x1  }
0xb4: {  	[sflag:s29] =	ssyncadd.s32 $0xFFFFFFFF  }
0xb5: {  	_ =	strace $0x9000004B  }
0xb6: {  	_ =	sfence  }
0xb7: {  	s30 =	sld [smem:$0x0];
	_ =	sdelay $0x2  }
0xb8: {  	s31 =	sshll.u32 s1, $0xD;
	s1 =	sshrl.u32 s1, $0x2  }
0xb9: {  	s3 =	sand.u32 $0x4000, s31;
	s1 =	sadd.s32 s1, s30  }
0xba: {  	s0 =	sor.u32 s3, s0;
	s1 =	sshll.u32 s1, $0x11  }
0xbb: {  	s0 =	sor.u32 s1, s0  }
0xbc: {  	s0 =	sadd.s32 $0x8F2B, s0  }
0xbd: {  	[sflag:s0] =	ssyncadd.remote.s32 $0x1  }
0xbe: {  	_ =	sfence.sel $0xFFFF  }
0xbf: {  	[dreg:$0x0] =	wrdreg $0xFFFFFFFF;
	(pc) =	sbr.abs _section_cstart, $3  }
0xc0: {  	[dreg:$0x1] =	wrdreg $0xFFFFFFFF  }
0xc1: {  	_ =	task.clear_ibuf [dreg:s7], $0x2FFFF;
	_ =	strace $0x9FFFFFFF  }
0xc2: {  	(tm) =	ssettm $0x7FFFFFFF  }
0xc3: {  	_ =	shalt  }
tec
execute0_lowered:
.L_overlay_start_1:
0x0: {  	(tag) =	ssettag $0x1  }
0x1: {  	s0 =	srdreg.scid  }
0x2: {  	s1 =	rddreg [dreg:$0x0];
	s3 =	stileid.u32;
	v0 =	vlaneseq.u32  }
0x3: {  	s2 =	rddreg [dreg:$0x1];
	s18 =	simm.s32 $0x80;
	s21 =	simm.s32 $0x1;
	v0 =	vmul.u32 $0x88, v0  }
0x4: {  	s22 =	simm.s32 $0xA400;
	s14 =	simm.s32 $0x4;
	s17 =	simm.s32 $0xC600;
	v1 =	vimm.s32 $0x0;
	vm0 =	vcmask $0x300  }
0x5: {  	s19 =	simm.s32 $0xE448;
	s20 =	simm.s32 $0xE4D0;
	s23 =	simm.s32 $0xE558;
	v1 =	vsel vm0, $0x3, v1;
	v2 =	vadd.s32 $0x880, v0  }
0x6: {  	s24 =	simm.s32 $0xE5E0;
	s25 =	simm.s32 $0xE668;
	s26 =	simm.s32 $0xE6F0;
	v3 =	vadd.s32 $0x1100, v0;
	v4 =	vadd.s32 $0x1980, v0;
	v5 =	vor.u32 $0x1, v0  }
0x7: {  	s28 =	simm.s32 $0xE778;
	s0 =	sand.u32 $0x1, s0;
	s4 =	sshll.u32 s3, $0xB;
	v6 =	vadd.s32 $0x881, v0;
	v7 =	vadd.s32 $0x1101, v0;
	v8 =	vadd.s32 $0x1981, v0  }
0x8: {  	s3 =	simm.s32 $0x0;
	s8 =	sadd.s32 $0x2000, s2;
	s9 =	sadd.s32 $0x3000, s2;
	v9 =	vor.u32 $0x2, v0;
	v10 =	vadd.s32 $0x882, v0;
	v11 =	vadd.s32 $0x1102, v0  }
0x9: {  	s10 =	sadd.s32 $0x4000, s2;
	s11 =	sadd.s32 $0x5000, s2;
	s12 =	sadd.s32 $0x6000, s2;
	v12 =	vadd.s32 $0x1982, v0;
	v13 =	vor.u32 $0x3, v0;
	v14 =	vadd.s32 $0x883, v0  }
0xa: {  	s13 =	sadd.s32 $0x7000, s2;
	s5 =	sshll.u32 s0, $0xA;
	s0 =	ssub.s32 $0x2, s0;
	v15 =	vadd.s32 $0x1103, v0;
	v16 =	vadd.s32 $0x1983, v0;
	v17 =	vor.u32 $0x4, v0  }
0xb: {  	[smem:$0x7FF] =	sst s3;
	s4 =	sor.u32 s5, s4;
	s7 =	sshrl.u32 s0, $0x1;
	v18 =	vadd.s32 $0x884, v0;
	v19 =	vadd.s32 $0x1104, v0;
	v20 =	vadd.s32 $0x1984, v0  }
0xc: {  	_ =	strace $0x8000004A;
	v21 =	vor.u32 $0x5, v0;
	v22 =	vadd.s32 $0x885, v0;
	v23 =	vadd.s32 $0x1105, v0;
	s5 =	sshrl.u32 s4, $0x3;
	s0 =	ssub.s32 s0, s7  }
0xd: {  	v24 =	vadd.s32 $0x1985, v0;
	v25 =	vor.u32 $0x6, v0;
	v26 =	vadd.s32 $0x886, v0;
	s7 =	sadd.s32 $0x1000, s2;
	s6 =	sadd.s32 s5, s1;
	s0 =	smax.u32 s0, $0x1  }
0xe: {  	v27 =	vadd.s32 $0x1106, v0;
	v28 =	vadd.s32 $0x1986, v0;
	v29 =	vor.u32 $0x7, v0;
	s5 =	sadd.s32 $0xF5BE00, s1;
	s31 =	sadd.s32 $0xF42E00, s6;
	[dreg:$0x4] =	wrdreg s0  }
0xf: {  	v30 =	vadd.s32 $0x887, v0;
	v31 =	vadd.s32 $0x1107, v0;
	v32 =	vadd.s32 $0x1987, v0;
	s1 =	simm.s32 $0x0;
	s6 =	simm.s32 $0x2;
	[dreg:$0x3] =	wrdreg s31  }
.LBB2_1:
0x10: {  	[dreg:$0x5] =	wrdreg s1  }
0x11: {  	s0 =	rddreg [dreg:$0x3]  }
0x12: {  	s16 =	simm.s32 $0x400;
	s15 =	simm.s32 $0x8000;
	s30 =	simm.s32 $0x5  }
0x13: {  	[tilespmem:s3], [sflag:$0x5] =	stream.strided.gather [hbm4b:s0+s16], $0x6400, s15, s16, $0x38;
	[tilespmem:$0xE800] =	vst v63  }
0x14: {  	_ =	swait.ge [sflag:s30], $0x6400  }
0x15: {  	[sflag:s30] =	ssyncset.done $0x0  }
0x16: {  	s31 =	simm.s32 $0x6400;
	s29 =	simm.s32 $0x0;
	[sflag:s30] =	ssyncadd.s32 $0xFFFF9C00  }
0x17: {  	[tilespmem:s31], [sflag:$0x1] =	stream.indirect.gather [hbm4b:s5+s18], $0x40, s3, s18, $0xb8;
	[tilespmem:$0xE800] =	vst v63  }
.LBB2_2:
0x18: {  	s30 =	sshllo.u32 s29, $0x1  }
0x19: {  	s1 =	sshll.u32 s29, $0x8;
	s0 =	sshll.u32 s30, $0x7  }
0x1a: {  	s1 =	sand.u32 $0x7C00, s1;
	s0 =	sand.u32 $0x380, s0  }
0x1b: {  	s16 =	simm.s32 $0x8400;
	s0 =	sor.u32 s0, s1  }
0x1c: {  	[tilespmem:s16], [sflag:$0x2] =	stream.indirect.gather [hbm4b:s5+s18], $0x40, s0, s18, $0xb8;
	[tilespmem:$0xE800] =	vst v63  }
0x1d: {  	_ =	swait.ge [sflag:s21], $0x2000  }
0x1e: {  	p0 =	seq.s32 s29, $0x0;
	[sflag:s21] =	ssyncset.done $0x0  }
0x1f: {  	s0 =	simm.s32 @!p0 $0x3;
	[sflag:s21] =	ssyncadd.s32 $0xFFFFE000  }
0x20: {  	_ =	swait.ge @!p0 [sflag:s0], $0x400  }
0x21: {  	[sflag:s0] =	ssyncset.done @!p0 $0x0  }
0x22: {  	[sflag:s0] =	ssyncadd.s32 @!p0 $0xFFFFFC00  }
0x23: {  	_ =	swait.ge @!p0 [sflag:s0], $0x400  }
0x24: {  	[sflag:s0] =	ssyncset.done @!p0 $0x0  }
0x25: {  	[sflag:s0] =	ssyncadd.s32 @!p0 $0xFFFFFC00  }
0x26: {  	_ =	swait.ge @!p0 [sflag:s0], $0x400  }
0x27: {  	[sflag:s0] =	ssyncset.done @!p0 $0x0  }
0x28: {  	[sflag:s0] =	ssyncadd.s32 @!p0 $0xFFFFFC00  }
0x29: {  	_ =	swait.ge @!p0 [sflag:s0], $0x400  }
0x2a: {  	[sflag:s0] =	ssyncset.done @!p0 $0x0  }
0x2b: {  	[sflag:s0] =	ssyncadd.s32 @!p0 $0xFFFFFC00  }
0x2c: {  	_ =	swait.ge @!p0 [sflag:s0], $0x400  }
0x2d: {  	[sflag:s0] =	ssyncset.done @!p0 $0x0  }
0x2e: {  	[sflag:s0] =	ssyncadd.s32 @!p0 $0xFFFFFC00  }
0x2f: {  	_ =	swait.ge @!p0 [sflag:s0], $0x400  }
0x30: {  	[sflag:s0] =	ssyncset.done @!p0 $0x0  }
0x31: {  	[sflag:s0] =	ssyncadd.s32 @!p0 $0xFFFFFC00  }
0x32: {  	s15 =	simm.s32 $0x0;
	_ =	swait.ge @!p0 [sflag:s0], $0x400  }
0x33: {  	v33 =	vmov s15;
	[sflag:s0] =	ssyncset.done @!p0 $0x0  }
0x34: {  	v33 =	vshrl.u32 v33, $0x3;
	[sflag:s0] =	ssyncadd.s32 @!p0 $0xFFFFFC00  }
0x35: {  	v33 =	vshll.u32 v33, v1;
	_ =	swait.ge @!p0 [sflag:s0], $0x400  }
0x36: {  	v33 =	vbroadcast v33, $0x0;
	[sflag:s0] =	ssyncset.done @!p0 $0x0  }
0x37: {  	s1 =	simm.s32 $0x6500;
	[sflag:s0] =	ssyncadd.s32 @!p0 $0xFFFFFC00  }
0x38: {  	v35 =	vadd.s32 v0, v33;
	v34 =	vld [tilespmem:s1+$0xFFFFFF00];
	_ =	sdelay $0x4  }
0x39: {  	[tilespmem:v35+s22+$0x0] =	vst.idx.msk $0xffff, v34  }
0x3a: {  	v56 =	vadd.s32 v2, v33;
	v34 =	vld [tilespmem:s1+$0xFFFFFF10];
	_ =	sdelay $0x4  }
0x3b: {  	[tilespmem:v56+s22+$0x0] =	vst.idx.msk $0xffff, v34  }
0x3c: {  	v57 =	vadd.s32 v3, v33;
	v34 =	vld [tilespmem:s1+$0xFFFFFF20];
	_ =	sdelay $0x4  }
0x3d: {  	[tilespmem:v57+s22+$0x0] =	vst.idx.msk $0xffff, v34  }
0x3e: {  	s16 =	simm.s32 $0x1;
	v33 =	vadd.s32 v4, v33;
	v34 =	vld [tilespmem:s1+$0xFFFFFF30]  }
0x3f: {  	v58 =	vmov s16  }
0x40: {  	v35 =	vshrl.u32 v58, $0x3  }
0x41: {  	v35 =	vshll.u32 v35, v1  }
0x42: {  	v35 =	vbroadcast v35, $0x0  }
0x43: {  	[tilespmem:v33+s22+$0x0] =	vst.idx.msk $0xffff, v34  }
0x44: {  	v59 =	vadd.s32 v5, v35;
	v33 =	vld [tilespmem:s1+$0xFFFFFF40];
	_ =	sdelay $0x4  }
0x45: {  	[tilespmem:v59+s22+$0x0] =	vst.idx.msk $0xffff, v33  }
0x46: {  	v60 =	vadd.s32 v6, v35;
	v33 =	vld [tilespmem:s1+$0xFFFFFF50];
	_ =	sdelay $0x4  }
0x47: {  	[tilespmem:v60+s22+$0x0] =	vst.idx.msk $0xffff, v33  }
0x48: {  	v61 =	vadd.s32 v7, v35;
	v33 =	vld [tilespmem:s1+$0xFFFFFF60];
	_ =	sdelay $0x4  }
0x49: {  	[tilespmem:v61+s22+$0x0] =	vst.idx.msk $0xffff, v33  }
0x4a: {  	s15 =	simm.s32 $0x2;
	v62 =	vadd.s32 v8, v35;
	v33 =	vld [tilespmem:s1+$0xFFFFFF70]  }
0x4b: {  	v63 =	vmov s15  }
0x4c: {  	v35 =	vshrl.u32 v63, $0x3  }
0x4d: {  	v35 =	vshll.u32 v35, v1  }
0x4e: {  	v35 =	vbroadcast v35, $0x0  }
0x4f: {  	[tilespmem:v62+s22+$0x0] =	vst.idx.msk $0xffff, v33  }
0x50: {  	v36 =	vadd.s32 v9, v35;
	v33 =	vld [tilespmem:s1+$0xFFFFFF80];
	_ =	sdelay $0x4  }
0x51: {  	[tilespmem:v36+s22+$0x0] =	vst.idx.msk $0xffff, v33  }
0x52: {  	v37 =	vadd.s32 v10, v35;
	v33 =	vld [tilespmem:s1+$0xFFFFFF90];
	_ =	sdelay $0x4  }
0x53: {  	[tilespmem:v37+s22+$0x0] =	vst.idx.msk $0xffff, v33  }
0x54: {  	v38 =	vadd.s32 v11, v35;
	v33 =	vld [tilespmem:s1+$0xFFFFFFA0];
	_ =	sdelay $0x4  }
0x55: {  	[tilespmem:v38+s22+$0x0] =	vst.idx.msk $0xffff, v33  }
0x56: {  	s16 =	simm.s32 $0x3;
	v39 =	vadd.s32 v12, v35;
	v33 =	vld [tilespmem:s1+$0xFFFFFFB0]  }
0x57: {  	v40 =	vmov s16  }
0x58: {  	v35 =	vshrl.u32 v40, $0x3  }
0x59: {  	v35 =	vshll.u32 v35, v1  }
0x5a: {  	v35 =	vbroadcast v35, $0x0  }
0x5b: {  	[tilespmem:v39+s22+$0x0] =	vst.idx.msk $0xffff, v33  }
0x5c: {  	v41 =	vadd.s32 v13, v35;
	v33 =	vld [tilespmem:s1+$0xFFFFFFC0];
	_ =	sdelay $0x4  }
0x5d: {  	[tilespmem:v41+s22+$0x0] =	vst.idx.msk $0xffff, v33  }
0x5e: {  	v42 =	vadd.s32 v14, v35;
	v33 =	vld [tilespmem:s1+$0xFFFFFFD0];
	_ =	sdelay $0x4  }
0x5f: {  	[tilespmem:v42+s22+$0x0] =	vst.idx.msk $0xffff, v33  }
0x60: {  	v43 =	vadd.s32 v15, v35;
	v33 =	vld [tilespmem:s1+$0xFFFFFFE0];
	_ =	sdelay $0x4  }
0x61: {  	[tilespmem:v43+s22+$0x0] =	vst.idx.msk $0xffff, v33  }
0x62: {  	s15 =	simm.s32 $0x4;
	v44 =	vadd.s32 v16, v35;
	v33 =	vld [tilespmem:s1+$0xFFFFFFF0]  }
0x63: {  	v45 =	vmov s15  }
0x64: {  	v35 =	vshrl.u32 v45, $0x3  }
0x65: {  	v35 =	vshll.u32 v35, v1  }
0x66: {  	v35 =	vbroadcast v35, $0x0  }
0x67: {  	[tilespmem:v44+s22+$0x0] =	vst.idx.msk $0xffff, v33  }
0x68: {  	v46 =	vadd.s32 v17, v35;
	v33 =	vld [tilespmem:s1+$0x0];
	_ =	sdelay $0x4  }
0x69: {  	[tilespmem:v46+s22+$0x0] =	vst.idx.msk $0xffff, v33  }
0x6a: {  	v47 =	vadd.s32 v18, v35;
	v33 =	vld [tilespmem:s1+$0x10];
	_ =	sdelay $0x4  }
0x6b: {  	[tilespmem:v47+s22+$0x0] =	vst.idx.msk $0xffff, v33  }
0x6c: {  	v48 =	vadd.s32 v19, v35;
	v33 =	vld [tilespmem:s1+$0x20];
	_ =	sdelay $0x4  }
0x6d: {  	[tilespmem:v48+s22+$0x0] =	vst.idx.msk $0xffff, v33  }
0x6e: {  	s16 =	simm.s32 $0x5;
	v49 =	vadd.s32 v20, v35;
	v33 =	vld [tilespmem:s1+$0x30]  }
0x6f: {  	v50 =	vmov s16  }
0x70: {  	v35 =	vshrl.u32 v50, $0x3  }
0x71: {  	v35 =	vshll.u32 v35, v1  }
0x72: {  	v35 =	vbroadcast v35, $0x0  }
0x73: {  	[tilespmem:v49+s22+$0x0] =	vst.idx.msk $0xffff, v33  }
0x74: {  	v51 =	vadd.s32 v21, v35;
	v33 =	vld [tilespmem:s1+$0x40];
	_ =	sdelay $0x4  }
0x75: {  	[tilespmem:v51+s22+$0x0] =	vst.idx.msk $0xffff, v33  }
0x76: {  	v52 =	vadd.s32 v22, v35;
	v33 =	vld [tilespmem:s1+$0x50];
	_ =	sdelay $0x4  }
0x77: {  	[tilespmem:v52+s22+$0x0] =	vst.idx.msk $0xffff, v33  }
0x78: {  	v53 =	vadd.s32 v23, v35;
	v33 =	vld [tilespmem:s1+$0x60];
	_ =	sdelay $0x4  }
0x79: {  	[tilespmem:v53+s22+$0x0] =	vst.idx.msk $0xffff, v33  }
0x7a: {  	s15 =	simm.s32 $0x6;
	v54 =	vadd.s32 v24, v35;
	v33 =	vld [tilespmem:s1+$0x70]  }
0x7b: {  	v55 =	vmov s15  }
0x7c: {  	v35 =	vshrl.u32 v55, $0x3  }
0x7d: {  	v35 =	vshll.u32 v35, v1  }
0x7e: {  	v35 =	vbroadcast v35, $0x0  }
0x7f: {  	[tilespmem:v54+s22+$0x0] =	vst.idx.msk $0xffff, v33  }
0x80: {  	v56 =	vadd.s32 v25, v35;
	v33 =	vld [tilespmem:s1+$0x80];
	_ =	sdelay $0x4  }
0x81: {  	[tilespmem:v56+s22+$0x0] =	vst.idx.msk $0xffff, v33  }
0x82: {  	v57 =	vadd.s32 v26, v35;
	v33 =	vld [tilespmem:s1+$0x90];
	_ =	sdelay $0x4  }
0x83: {  	[tilespmem:v57+s22+$0x0] =	vst.idx.msk $0xffff, v33  }
0x84: {  	v58 =	vadd.s32 v27, v35;
	v33 =	vld [tilespmem:s1+$0xA0];
	_ =	sdelay $0x4  }
0x85: {  	[tilespmem:v58+s22+$0x0] =	vst.idx.msk $0xffff, v33  }
0x86: {  	s16 =	simm.s32 $0x7;
	v59 =	vadd.s32 v28, v35;
	v33 =	vld [tilespmem:s1+$0xB0]  }
0x87: {  	v60 =	vmov s16  }
0x88: {  	v35 =	vshrl.u32 v60, $0x3  }
0x89: {  	v35 =	vshll.u32 v35, v1  }
0x8a: {  	v35 =	vbroadcast v35, $0x0  }
0x8b: {  	[tilespmem:v59+s22+$0x0] =	vst.idx.msk $0xffff, v33  }
0x8c: {  	v61 =	vadd.s32 v29, v35;
	v33 =	vld [tilespmem:s1+$0xC0];
	_ =	sdelay $0x4  }
0x8d: {  	[tilespmem:v61+s22+$0x0] =	vst.idx.msk $0xffff, v33  }
0x8e: {  	v62 =	vadd.s32 v30, v35;
	v33 =	vld [tilespmem:s1+$0xD0];
	_ =	sdelay $0x4  }
0x8f: {  	[tilespmem:v62+s22+$0x0] =	vst.idx.msk $0xffff, v33  }
0x90: {  	v63 =	vadd.s32 v31, v35;
	v33 =	vld [tilespmem:s1+$0xE0];
	_ =	sdelay $0x4  }
0x91: {  	s31 =	sshll.u32 s29, $0x1;
	[tilespmem:v63+s22+$0x0] =	vst.idx.msk $0xffff, v33  }
0x92: {  	s15 =	simm.s32 $0x17;
	s0 =	simm.s32 $0xF;
	s16 =	simm.s32 $0x8;
	v34 =	vadd.s32 v32, v35;
	v33 =	vld [tilespmem:s1+$0xF0]  }
.LBB2_3:
0x93: {  	p1 =	sne.s32 s15, $0x7F;
	v35 =	vmov s16  }
0x94: {  	v35 =	vshrl.u32 v35, $0x3  }
0x95: {  	v35 =	vshll.u32 v35, v1  }
0x96: {  	v35 =	vbroadcast v35, $0x0  }
0x97: {  	s1 =	sadd.s32 $0x200, s1;
	[tilespmem:v34+s22+$0x0] =	vst.idx.msk $0xffff, v33  }
0x98: {  	v33 =	vld [tilespmem:s1+$0xFFFFFF00];
	v34 =	vadd.s32 v0, v35;
	_ =	sdelay $0x4  }
0x99: {  	[tilespmem:v34+s22+$0x0] =	vst.idx.msk $0xffff, v33  }
0x9a: {  	v34 =	vadd.s32 v2, v35;
	v33 =	vld [tilespmem:s1+$0xFFFFFF10];
	_ =	sdelay $0x4  }
0x9b: {  	[tilespmem:v34+s22+$0x0] =	vst.idx.msk $0xffff, v33  }
0x9c: {  	v34 =	vadd.s32 v3, v35;
	v33 =	vld [tilespmem:s1+$0xFFFFFF20];
	_ =	sdelay $0x4  }
0x9d: {  	[tilespmem:v34+s22+$0x0] =	vst.idx.msk $0xffff, v33  }
0x9e: {  	s16 =	sadd.s32 $0xFFFFFFFA, s0;
	v34 =	vadd.s32 v4, v35;
	v33 =	vld [tilespmem:s1+$0xFFFFFF30]  }
0x9f: {  	v35 =	vmov s16  }
0xa0: {  	v35 =	vshrl.u32 v35, $0x3  }
0xa1: {  	v35 =	vshll.u32 v35, v1  }
0xa2: {  	v35 =	vbroadcast v35, $0x0  }
0xa3: {  	[tilespmem:v34+s22+$0x0] =	vst.idx.msk $0xffff, v33  }
0xa4: {  	v34 =	vadd.s32 v5, v35;
	v33 =	vld [tilespmem:s1+$0xFFFFFF40];
	_ =	sdelay $0x4  }
0xa5: {  	[tilespmem:v34+s22+$0x0] =	vst.idx.msk $0xffff, v33  }
0xa6: {  	v34 =	vadd.s32 v6, v35;
	v33 =	vld [tilespmem:s1+$0xFFFFFF50];
	_ =	sdelay $0x4  }
0xa7: {  	[tilespmem:v34+s22+$0x0] =	vst.idx.msk $0xffff, v33  }
0xa8: {  	v34 =	vadd.s32 v7, v35;
	v33 =	vld [tilespmem:s1+$0xFFFFFF60];
	_ =	sdelay $0x4  }
0xa9: {  	[tilespmem:v34+s22+$0x0] =	vst.idx.msk $0xffff, v33  }
0xaa: {  	s16 =	sadd.s32 $0xFFFFFFFB, s0;
	v34 =	vadd.s32 v8, v35;
	v33 =	vld [tilespmem:s1+$0xFFFFFF70]  }
0xab: {  	v35 =	vmov s16  }
0xac: {  	v35 =	vshrl.u32 v35, $0x3  }
0xad: {  	v35 =	vshll.u32 v35, v1  }
0xae: {  	v35 =	vbroadcast v35, $0x0  }
0xaf: {  	[tilespmem:v34+s22+$0x0] =	vst.idx.msk $0xffff, v33  }
0xb0: {  	v34 =	vadd.s32 v9, v35;
	v33 =	vld [tilespmem:s1+$0xFFFFFF80];
	_ =	sdelay $0x4  }
0xb1: {  	[tilespmem:v34+s22+$0x0] =	vst.idx.msk $0xffff, v33  }
0xb2: {  	v34 =	vadd.s32 v10, v35;
	v33 =	vld [tilespmem:s1+$0xFFFFFF90];
	_ =	sdelay $0x4  }
0xb3: {  	[tilespmem:v34+s22+$0x0] =	vst.idx.msk $0xffff, v33  }
0xb4: {  	v34 =	vadd.s32 v11, v35;
	v33 =	vld [tilespmem:s1+$0xFFFFFFA0];
	_ =	sdelay $0x4  }
0xb5: {  	[tilespmem:v34+s22+$0x0] =	vst.idx.msk $0xffff, v33  }
0xb6: {  	s16 =	sadd.s32 $0xFFFFFFFC, s0;
	v34 =	vadd.s32 v12, v35;
	v33 =	vld [tilespmem:s1+$0xFFFFFFB0]  }
0xb7: {  	v35 =	vmov s16  }
0xb8: {  	v35 =	vshrl.u32 v35, $0x3  }
0xb9: {  	v35 =	vshll.u32 v35, v1  }
0xba: {  	v35 =	vbroadcast v35, $0x0  }
0xbb: {  	[tilespmem:v34+s22+$0x0] =	vst.idx.msk $0xffff, v33  }
0xbc: {  	v34 =	vadd.s32 v13, v35;
	v33 =	vld [tilespmem:s1+$0xFFFFFFC0];
	_ =	sdelay $0x4  }
0xbd: {  	[tilespmem:v34+s22+$0x0] =	vst.idx.msk $0xffff, v33  }
0xbe: {  	v34 =	vadd.s32 v14, v35;
	v33 =	vld [tilespmem:s1+$0xFFFFFFD0];
	_ =	sdelay $0x4  }
0xbf: {  	[tilespmem:v34+s22+$0x0] =	vst.idx.msk $0xffff, v33  }
0xc0: {  	v34 =	vadd.s32 v15, v35;
	v33 =	vld [tilespmem:s1+$0xFFFFFFE0];
	_ =	sdelay $0x4  }
0xc1: {  	[tilespmem:v34+s22+$0x0] =	vst.idx.msk $0xffff, v33  }
0xc2: {  	s16 =	sadd.s32 $0xFFFFFFFD, s0;
	v34 =	vadd.s32 v16, v35;
	v33 =	vld [tilespmem:s1+$0xFFFFFFF0]  }
0xc3: {  	v35 =	vmov s16  }
0xc4: {  	v35 =	vshrl.u32 v35, $0x3  }
0xc5: {  	v35 =	vshll.u32 v35, v1  }
0xc6: {  	v35 =	vbroadcast v35, $0x0  }
0xc7: {  	[tilespmem:v34+s22+$0x0] =	vst.idx.msk $0xffff, v33  }
0xc8: {  	v34 =	vadd.s32 v17, v35;
	v33 =	vld [tilespmem:s1+$0x0];
	_ =	sdelay $0x4  }
0xc9: {  	[tilespmem:v34+s22+$0x0] =	vst.idx.msk $0xffff, v33  }
0xca: {  	v34 =	vadd.s32 v18, v35;
	v33 =	vld [tilespmem:s1+$0x10];
	_ =	sdelay $0x4  }
0xcb: {  	[tilespmem:v34+s22+$0x0] =	vst.idx.msk $0xffff, v33  }
0xcc: {  	v34 =	vadd.s32 v19, v35;
	v33 =	vld [tilespmem:s1+$0x20];
	_ =	sdelay $0x4  }
0xcd: {  	[tilespmem:v34+s22+$0x0] =	vst.idx.msk $0xffff, v33  }
0xce: {  	s16 =	sadd.s32 $0xFFFFFFFE, s0;
	v34 =	vadd.s32 v20, v35;
	v33 =	vld [tilespmem:s1+$0x30]  }
0xcf: {  	v35 =	vmov s16  }
0xd0: {  	v35 =	vshrl.u32 v35, $0x3  }
0xd1: {  	v35 =	vshll.u32 v35, v1  }
0xd2: {  	v35 =	vbroadcast v35, $0x0  }
0xd3: {  	[tilespmem:v34+s22+$0x0] =	vst.idx.msk $0xffff, v33  }
0xd4: {  	v34 =	vadd.s32 v21, v35;
	v33 =	vld [tilespmem:s1+$0x40];
	_ =	sdelay $0x4  }
0xd5: {  	[tilespmem:v34+s22+$0x0] =	vst.idx.msk $0xffff, v33  }
0xd6: {  	v34 =	vadd.s32 v22, v35;
	v33 =	vld [tilespmem:s1+$0x50];
	_ =	sdelay $0x4  }
0xd7: {  	[tilespmem:v34+s22+$0x0] =	vst.idx.msk $0xffff, v33  }
0xd8: {  	v34 =	vadd.s32 v23, v35;
	v33 =	vld [tilespmem:s1+$0x60];
	_ =	sdelay $0x4  }
0xd9: {  	[tilespmem:v34+s22+$0x0] =	vst.idx.msk $0xffff, v33  }
0xda: {  	s16 =	sadd.s32 $0xFFFFFFFF, s0;
	v34 =	vadd.s32 v24, v35;
	v33 =	vld [tilespmem:s1+$0x70]  }
0xdb: {  	v35 =	vmov s16  }
0xdc: {  	v35 =	vshrl.u32 v35, $0x3  }
0xdd: {  	v35 =	vshll.u32 v35, v1  }
0xde: {  	v35 =	vbroadcast v35, $0x0  }
0xdf: {  	[tilespmem:v34+s22+$0x0] =	vst.idx.msk $0xffff, v33  }
0xe0: {  	v34 =	vadd.s32 v25, v35;
	v33 =	vld [tilespmem:s1+$0x80];
	_ =	sdelay $0x4  }
0xe1: {  	[tilespmem:v34+s22+$0x0] =	vst.idx.msk $0xffff, v33  }
0xe2: {  	v34 =	vadd.s32 v26, v35;
	v33 =	vld [tilespmem:s1+$0x90];
	_ =	sdelay $0x4  }
0xe3: {  	[tilespmem:v34+s22+$0x0] =	vst.idx.msk $0xffff, v33  }
0xe4: {  	v34 =	vadd.s32 v27, v35;
	v33 =	vld [tilespmem:s1+$0xA0];
	_ =	sdelay $0x4  }
0xe5: {  	[tilespmem:v34+s22+$0x0] =	vst.idx.msk $0xffff, v33  }
0xe6: {  	v34 =	vadd.s32 v28, v35;
	v33 =	vld [tilespmem:s1+$0xB0]  }
0xe7: {  	v35 =	vmov s0;
	s0 =	smov.u32 s15  }
0xe8: {  	v35 =	vshrl.u32 v35, $0x3  }
0xe9: {  	v35 =	vshll.u32 v35, v1  }
0xea: {  	v35 =	vbroadcast v35, $0x0  }
0xeb: {  	[tilespmem:v34+s22+$0x0] =	vst.idx.msk $0xffff, v33  }
0xec: {  	v34 =	vadd.s32 v29, v35;
	v33 =	vld [tilespmem:s1+$0xC0];
	_ =	sdelay $0x4  }
0xed: {  	[tilespmem:v34+s22+$0x0] =	vst.idx.msk $0xffff, v33  }
0xee: {  	v34 =	vadd.s32 v30, v35;
	v33 =	vld [tilespmem:s1+$0xD0];
	_ =	sdelay $0x4  }
0xef: {  	[tilespmem:v34+s22+$0x0] =	vst.idx.msk $0xffff, v33  }
0xf0: {  	v34 =	vadd.s32 v31, v35;
	v33 =	vld [tilespmem:s1+$0xE0];
	_ =	sdelay $0x1  }
.Ltmp0:
0xf1: {  	(pc) =	sbr.rel @p1 .LBB2_3-.Ltmp0, $3  }
0xf2: {  	_ =	sdelay $0x1  }
0xf3: {  	[tilespmem:v34+s22+$0x0] =	vst.idx.msk $0xffff, v33  }
0xf4: {  	s15 =	sadd.s32 $0x8, s15;
	s16 =	sadd.s32 $0xFFFFFFF9, s0;
	v34 =	vadd.s32 v32, v35;
	v33 =	vld [tilespmem:s1+$0xF0]  }
0xf5: {  	v35 =	vmov s16  }
0xf6: {  	v35 =	vshrl.u32 v35, $0x3  }
0xf7: {  	v35 =	vshll.u32 v35, v1  }
0xf8: {  	v35 =	vbroadcast v35, $0x0  }
0xf9: {  	s1 =	sadd.s32 $0x200, s1;
	[tilespmem:v34+s22+$0x0] =	vst.idx.msk $0xffff, v33  }
0xfa: {  	v33 =	vld [tilespmem:s1+$0xFFFFFF00];
	v53 =	vadd.s32 v0, v35;
	_ =	sdelay $0x4  }
0xfb: {  	[tilespmem:v53+s22+$0x0] =	vst.idx.msk $0xffff, v33  }
0xfc: {  	v54 =	vadd.s32 v2, v35;
	v33 =	vld [tilespmem:s1+$0xFFFFFF10];
	_ =	sdelay $0x4  }
0xfd: {  	[tilespmem:v54+s22+$0x0] =	vst.idx.msk $0xffff, v33  }
0xfe: {  	v55 =	vadd.s32 v3, v35;
	v33 =	vld [tilespmem:s1+$0xFFFFFF20];
	_ =	sdelay $0x4  }
0xff: {  	[tilespmem:v55+s22+$0x0] =	vst.idx.msk $0xffff, v33  }
0x100: {  	s15 =	sadd.s32 $0xFFFFFFFA, s0;
	v56 =	vadd.s32 v4, v35;
	v33 =	vld [tilespmem:s1+$0xFFFFFF30]  }
0x101: {  	v57 =	vmov s15  }
0x102: {  	v35 =	vshrl.u32 v57, $0x3  }
0x103: {  	v35 =	vshll.u32 v35, v1  }
0x104: {  	v35 =	vbroadcast v35, $0x0  }
0x105: {  	[tilespmem:v56+s22+$0x0] =	vst.idx.msk $0xffff, v33  }
0x106: {  	v58 =	vadd.s32 v5, v35;
	v33 =	vld [tilespmem:s1+$0xFFFFFF40];
	_ =	sdelay $0x4  }
0x107: {  	[tilespmem:v58+s22+$0x0] =	vst.idx.msk $0xffff, v33  }
0x108: {  	v59 =	vadd.s32 v6, v35;
	v33 =	vld [tilespmem:s1+$0xFFFFFF50];
	_ =	sdelay $0x4  }
0x109: {  	[tilespmem:v59+s22+$0x0] =	vst.idx.msk $0xffff, v33  }
0x10a: {  	v60 =	vadd.s32 v7, v35;
	v33 =	vld [tilespmem:s1+$0xFFFFFF60];
	_ =	sdelay $0x4  }
0x10b: {  	[tilespmem:v60+s22+$0x0] =	vst.idx.msk $0xffff, v33  }
0x10c: {  	s16 =	sadd.s32 $0xFFFFFFFB, s0;
	v61 =	vadd.s32 v8, v35;
	v33 =	vld [tilespmem:s1+$0xFFFFFF70]  }
0x10d: {  	v62 =	vmov s16  }
0x10e: {  	v35 =	vshrl.u32 v62, $0x3  }
0x10f: {  	v35 =	vshll.u32 v35, v1  }
0x110: {  	v35 =	vbroadcast v35, $0x0  }
0x111: {  	[tilespmem:v61+s22+$0x0] =	vst.idx.msk $0xffff, v33  }
0x112: {  	v63 =	vadd.s32 v9, v35;
	v33 =	vld [tilespmem:s1+$0xFFFFFF80];
	_ =	sdelay $0x4  }
0x113: {  	[tilespmem:v63+s22+$0x0] =	vst.idx.msk $0xffff, v33  }
0x114: {  	v36 =	vadd.s32 v10, v35;
	v33 =	vld [tilespmem:s1+$0xFFFFFF90];
	_ =	sdelay $0x4  }
0x115: {  	[tilespmem:v36+s22+$0x0] =	vst.idx.msk $0xffff, v33  }
0x116: {  	v37 =	vadd.s32 v11, v35;
	v33 =	vld [tilespmem:s1+$0xFFFFFFA0];
	_ =	sdelay $0x4  }
0x117: {  	[tilespmem:v37+s22+$0x0] =	vst.idx.msk $0xffff, v33  }
0x118: {  	s16 =	sadd.s32 $0xFFFFFFFC, s0;
	v38 =	vadd.s32 v12, v35;
	v33 =	vld [tilespmem:s1+$0xFFFFFFB0]  }
0x119: {  	v39 =	vmov s16  }
0x11a: {  	v35 =	vshrl.u32 v39, $0x3  }
0x11b: {  	v35 =	vshll.u32 v35, v1  }
0x11c: {  	v35 =	vbroadcast v35, $0x0  }
0x11d: {  	[tilespmem:v38+s22+$0x0] =	vst.idx.msk $0xffff, v33  }
0x11e: {  	v40 =	vadd.s32 v13, v35;
	v33 =	vld [tilespmem:s1+$0xFFFFFFC0];
	_ =	sdelay $0x4  }
0x11f: {  	[tilespmem:v40+s22+$0x0] =	vst.idx.msk $0xffff, v33  }
0x120: {  	v41 =	vadd.s32 v14, v35;
	v33 =	vld [tilespmem:s1+$0xFFFFFFD0];
	_ =	sdelay $0x4  }
0x121: {  	[tilespmem:v41+s22+$0x0] =	vst.idx.msk $0xffff, v33  }
0x122: {  	v42 =	vadd.s32 v15, v35;
	v33 =	vld [tilespmem:s1+$0xFFFFFFE0];
	_ =	sdelay $0x4  }
0x123: {  	[tilespmem:v42+s22+$0x0] =	vst.idx.msk $0xffff, v33  }
0x124: {  	s16 =	sadd.s32 $0xFFFFFFFD, s0;
	v43 =	vadd.s32 v16, v35;
	v33 =	vld [tilespmem:s1+$0xFFFFFFF0]  }
0x125: {  	v44 =	vmov s16  }
0x126: {  	v35 =	vshrl.u32 v44, $0x3  }
0x127: {  	v35 =	vshll.u32 v35, v1  }
0x128: {  	v35 =	vbroadcast v35, $0x0  }
0x129: {  	[tilespmem:v43+s22+$0x0] =	vst.idx.msk $0xffff, v33  }
0x12a: {  	v45 =	vadd.s32 v17, v35;
	v33 =	vld [tilespmem:s1+$0x0];
	_ =	sdelay $0x4  }
0x12b: {  	[tilespmem:v45+s22+$0x0] =	vst.idx.msk $0xffff, v33  }
0x12c: {  	v46 =	vadd.s32 v18, v35;
	v33 =	vld [tilespmem:s1+$0x10];
	_ =	sdelay $0x4  }
0x12d: {  	[tilespmem:v46+s22+$0x0] =	vst.idx.msk $0xffff, v33  }
0x12e: {  	v47 =	vadd.s32 v19, v35;
	v33 =	vld [tilespmem:s1+$0x20];
	_ =	sdelay $0x4  }
0x12f: {  	[tilespmem:v47+s22+$0x0] =	vst.idx.msk $0xffff, v33  }
0x130: {  	s16 =	sadd.s32 $0xFFFFFFFE, s0;
	v48 =	vadd.s32 v20, v35;
	v33 =	vld [tilespmem:s1+$0x30]  }
0x131: {  	v49 =	vmov s16  }
0x132: {  	v35 =	vshrl.u32 v49, $0x3  }
0x133: {  	v35 =	vshll.u32 v35, v1  }
0x134: {  	v35 =	vbroadcast v35, $0x0  }
0x135: {  	[tilespmem:v48+s22+$0x0] =	vst.idx.msk $0xffff, v33  }
0x136: {  	v50 =	vadd.s32 v21, v35;
	v33 =	vld [tilespmem:s1+$0x40];
	_ =	sdelay $0x4  }
0x137: {  	[tilespmem:v50+s22+$0x0] =	vst.idx.msk $0xffff, v33  }
0x138: {  	v51 =	vadd.s32 v22, v35;
	v33 =	vld [tilespmem:s1+$0x50];
	_ =	sdelay $0x4  }
0x139: {  	[tilespmem:v51+s22+$0x0] =	vst.idx.msk $0xffff, v33  }
0x13a: {  	v52 =	vadd.s32 v23, v35;
	v33 =	vld [tilespmem:s1+$0x60];
	_ =	sdelay $0x4  }
0x13b: {  	[tilespmem:v52+s22+$0x0] =	vst.idx.msk $0xffff, v33  }
0x13c: {  	s16 =	sadd.s32 $0xFFFFFFFF, s0;
	v53 =	vadd.s32 v24, v35;
	v33 =	vld [tilespmem:s1+$0x70]  }
0x13d: {  	v54 =	vmov s16  }
0x13e: {  	v35 =	vshrl.u32 v54, $0x3  }
0x13f: {  	v35 =	vshll.u32 v35, v1  }
0x140: {  	v35 =	vbroadcast v35, $0x0  }
0x141: {  	[tilespmem:v53+s22+$0x0] =	vst.idx.msk $0xffff, v33  }
0x142: {  	v55 =	vadd.s32 v25, v35;
	v33 =	vld [tilespmem:s1+$0x80];
	_ =	sdelay $0x4  }
0x143: {  	[tilespmem:v55+s22+$0x0] =	vst.idx.msk $0xffff, v33  }
0x144: {  	v56 =	vadd.s32 v26, v35;
	v33 =	vld [tilespmem:s1+$0x90];
	_ =	sdelay $0x4  }
0x145: {  	[tilespmem:v56+s22+$0x0] =	vst.idx.msk $0xffff, v33  }
0x146: {  	v57 =	vadd.s32 v27, v35;
	v33 =	vld [tilespmem:s1+$0xA0];
	_ =	sdelay $0x4  }
0x147: {  	[tilespmem:v57+s22+$0x0] =	vst.idx.msk $0xffff, v33  }
0x148: {  	v58 =	vadd.s32 v28, v35;
	v33 =	vld [tilespmem:s1+$0xB0]  }
0x149: {  	v59 =	vmov s0  }
0x14a: {  	v35 =	vshrl.u32 v59, $0x3  }
0x14b: {  	v35 =	vshll.u32 v35, v1  }
0x14c: {  	v35 =	vbroadcast v35, $0x0  }
0x14d: {  	[tilespmem:v58+s22+$0x0] =	vst.idx.msk $0xffff, v33  }
0x14e: {  	v60 =	vadd.s32 v29, v35;
	v33 =	vld [tilespmem:s1+$0xC0];
	_ =	sdelay $0x4  }
0x14f: {  	[tilespmem:v60+s22+$0x0] =	vst.idx.msk $0xffff, v33  }
0x150: {  	v61 =	vadd.s32 v30, v35;
	v33 =	vld [tilespmem:s1+$0xD0];
	_ =	sdelay $0x4  }
0x151: {  	[tilespmem:v61+s22+$0x0] =	vst.idx.msk $0xffff, v33  }
0x152: {  	v62 =	vadd.s32 v31, v35;
	v33 =	vld [tilespmem:s1+$0xE0];
	_ =	sdelay $0x4  }
0x153: {  	[tilespmem:v62+s22+$0x0] =	vst.idx.msk $0xffff, v33  }
0x154: {  	v63 =	vadd.s32 v32, v35;
	v33 =	vld [tilespmem:s1+$0xF0];
	_ =	sdelay $0x1  }
0x155: {  	s15 =	sshll.u32 s29, $0x13  }
0x156: {  	s0 =	sor.u32 s4, s15  }
0x157: {  	s0 =	sshrl.u32 s0, $0x3  }
0x158: {  	s1 =	sadd.s32 s2, s0;
	[tilespmem:v63+s22+$0x0] =	vst.idx.msk $0xffff, v33  }
0x159: {  	[hbm4b:s1+s3] =	stream.linear.scatter [tilespmem:s22], [sflag:$0x3], $0x80, $0x38;
	[tilespmem:$0xE800] =	vst v63  }
0x15a: {  	s16 =	simm.s32 $0xA488;
	s15 =	sadd.s32 $0x10, s1  }
0x15b: {  	[hbm4b:s15+s3] =	stream.linear.scatter [tilespmem:s16], [sflag:$0x3], $0x80, $0x38;
	[tilespmem:$0xE800] =	vst v63  }
0x15c: {  	s15 =	sadd.s32 $0x20, s1;
	s16 =	simm.s32 $0xA510  }
0x15d: {  	[hbm4b:s15+s3] =	stream.linear.scatter [tilespmem:s16], [sflag:$0x3], $0x80, $0x38;
	[tilespmem:$0xE800] =	vst v63  }
0x15e: {  	s15 =	sadd.s32 $0x30, s1;
	s16 =	simm.s32 $0xA598  }
0x15f: {  	[hbm4b:s15+s3] =	stream.linear.scatter [tilespmem:s16], [sflag:$0x3], $0x80, $0x38;
	[tilespmem:$0xE800] =	vst v63  }
0x160: {  	s15 =	sadd.s32 $0x40, s1;
	s16 =	simm.s32 $0xA620  }
0x161: {  	[hbm4b:s15+s3] =	stream.linear.scatter [tilespmem:s16], [sflag:$0x3], $0x80, $0x38;
	[tilespmem:$0xE800] =	vst v63  }
0x162: {  	s15 =	sadd.s32 $0x50, s1;
	s16 =	simm.s32 $0xA6A8  }
0x163: {  	[hbm4b:s15+s3] =	stream.linear.scatter [tilespmem:s16], [sflag:$0x3], $0x80, $0x38;
	[tilespmem:$0xE800] =	vst v63  }
0x164: {  	s15 =	sadd.s32 $0x60, s1;
	s16 =	simm.s32 $0xA730  }
0x165: {  	[hbm4b:s15+s3] =	stream.linear.scatter [tilespmem:s16], [sflag:$0x3], $0x80, $0x38;
	[tilespmem:$0xE800] =	vst v63  }
0x166: {  	s1 =	sadd.s32 $0x70, s1;
	s16 =	simm.s32 $0xA7B8  }
0x167: {  	[hbm4b:s1+s3] =	stream.linear.scatter [tilespmem:s16], [sflag:$0x3], $0x80, $0x38;
	[tilespmem:$0xE800] =	vst v63  }
0x168: {  	s1 =	sadd.s32 s0, s7;
	s16 =	simm.s32 $0xA840  }
0x169: {  	[hbm4b:s1+s3] =	stream.linear.scatter [tilespmem:s16], [sflag:$0x3], $0x80, $0x38;
	[tilespmem:$0xE800] =	vst v63  }
0x16a: {  	s15 =	sadd.s32 $0x10, s1;
	s16 =	simm.s32 $0xA8C8  }
0x16b: {  	[hbm4b:s15+s3] =	stream.linear.scatter [tilespmem:s16], [sflag:$0x3], $0x80, $0x38;
	[tilespmem:$0xE800] =	vst v63  }
0x16c: {  	s15 =	sadd.s32 $0x20, s1;
	s16 =	simm.s32 $0xA950  }
0x16d: {  	[hbm4b:s15+s3] =	stream.linear.scatter [tilespmem:s16], [sflag:$0x3], $0x80, $0x38;
	[tilespmem:$0xE800] =	vst v63  }
0x16e: {  	s15 =	sadd.s32 $0x30, s1;
	s16 =	simm.s32 $0xA9D8  }
0x16f: {  	[hbm4b:s15+s3] =	stream.linear.scatter [tilespmem:s16], [sflag:$0x3], $0x80, $0x38;
	[tilespmem:$0xE800] =	vst v63  }
0x170: {  	s15 =	sadd.s32 $0x40, s1;
	s16 =	simm.s32 $0xAA60  }
0x171: {  	[hbm4b:s15+s3] =	stream.linear.scatter [tilespmem:s16], [sflag:$0x3], $0x80, $0x38;
	[tilespmem:$0xE800] =	vst v63  }
0x172: {  	s15 =	sadd.s32 $0x50, s1;
	s16 =	simm.s32 $0xAAE8  }
0x173: {  	[hbm4b:s15+s3] =	stream.linear.scatter [tilespmem:s16], [sflag:$0x3], $0x80, $0x38;
	[tilespmem:$0xE800] =	vst v63  }
0x174: {  	s15 =	sadd.s32 $0x60, s1;
	s16 =	simm.s32 $0xAB70  }
0x175: {  	[hbm4b:s15+s3] =	stream.linear.scatter [tilespmem:s16], [sflag:$0x3], $0x80, $0x38;
	[tilespmem:$0xE800] =	vst v63  }
0x176: {  	s1 =	sadd.s32 $0x70, s1;
	s16 =	simm.s32 $0xABF8  }
0x177: {  	[hbm4b:s1+s3] =	stream.linear.scatter [tilespmem:s16], [sflag:$0x3], $0x80, $0x38;
	[tilespmem:$0xE800] =	vst v63  }
0x178: {  	s1 =	sadd.s32 s0, s8;
	s16 =	simm.s32 $0xAC80  }
0x179: {  	[hbm4b:s1+s3] =	stream.linear.scatter [tilespmem:s16], [sflag:$0x3], $0x80, $0x38;
	[tilespmem:$0xE800] =	vst v63  }
0x17a: {  	s15 =	sadd.s32 $0x10, s1;
	s16 =	simm.s32 $0xAD08  }
0x17b: {  	[hbm4b:s15+s3] =	stream.linear.scatter [tilespmem:s16], [sflag:$0x3], $0x80, $0x38;
	[tilespmem:$0xE800] =	vst v63  }
0x17c: {  	s15 =	sadd.s32 $0x20, s1;
	s16 =	simm.s32 $0xAD90  }
0x17d: {  	[hbm4b:s15+s3] =	stream.linear.scatter [tilespmem:s16], [sflag:$0x3], $0x80, $0x38;
	[tilespmem:$0xE800] =	vst v63  }
0x17e: {  	s15 =	sadd.s32 $0x30, s1;
	s16 =	simm.s32 $0xAE18  }
0x17f: {  	[hbm4b:s15+s3] =	stream.linear.scatter [tilespmem:s16], [sflag:$0x3], $0x80, $0x38;
	[tilespmem:$0xE800] =	vst v63  }
0x180: {  	s15 =	sadd.s32 $0x40, s1;
	s16 =	simm.s32 $0xAEA0  }
0x181: {  	[hbm4b:s15+s3] =	stream.linear.scatter [tilespmem:s16], [sflag:$0x3], $0x80, $0x38;
	[tilespmem:$0xE800] =	vst v63  }
0x182: {  	s15 =	sadd.s32 $0x50, s1;
	s16 =	simm.s32 $0xAF28  }
0x183: {  	[hbm4b:s15+s3] =	stream.linear.scatter [tilespmem:s16], [sflag:$0x3], $0x80, $0x38;
	[tilespmem:$0xE800] =	vst v63  }
0x184: {  	s15 =	sadd.s32 $0x60, s1;
	s16 =	simm.s32 $0xAFB0  }
0x185: {  	[hbm4b:s15+s3] =	stream.linear.scatter [tilespmem:s16], [sflag:$0x3], $0x80, $0x38;
	[tilespmem:$0xE800] =	vst v63  }
0x186: {  	s1 =	sadd.s32 $0x70, s1;
	s16 =	simm.s32 $0xB038  }
0x187: {  	[hbm4b:s1+s3] =	stream.linear.scatter [tilespmem:s16], [sflag:$0x3], $0x80, $0x38;
	[tilespmem:$0xE800] =	vst v63  }
0x188: {  	s1 =	sadd.s32 s0, s9;
	s16 =	simm.s32 $0xB0C0  }
0x189: {  	[hbm4b:s1+s3] =	stream.linear.scatter [tilespmem:s16], [sflag:$0x3], $0x80, $0x38;
	[tilespmem:$0xE800] =	vst v63  }
0x18a: {  	s15 =	sadd.s32 $0x10, s1;
	s16 =	simm.s32 $0xB148  }
0x18b: {  	[hbm4b:s15+s3] =	stream.linear.scatter [tilespmem:s16], [sflag:$0x3], $0x80, $0x38;
	[tilespmem:$0xE800] =	vst v63  }
0x18c: {  	s15 =	sadd.s32 $0x20, s1;
	s16 =	simm.s32 $0xB1D0  }
0x18d: {  	[hbm4b:s15+s3] =	stream.linear.scatter [tilespmem:s16], [sflag:$0x3], $0x80, $0x38;
	[tilespmem:$0xE800] =	vst v63  }
0x18e: {  	s15 =	sadd.s32 $0x30, s1;
	s16 =	simm.s32 $0xB258  }
0x18f: {  	[hbm4b:s15+s3] =	stream.linear.scatter [tilespmem:s16], [sflag:$0x3], $0x80, $0x38;
	[tilespmem:$0xE800] =	vst v63  }
0x190: {  	s15 =	sadd.s32 $0x40, s1;
	s16 =	simm.s32 $0xB2E0  }
0x191: {  	[hbm4b:s15+s3] =	stream.linear.scatter [tilespmem:s16], [sflag:$0x3], $0x80, $0x38;
	[tilespmem:$0xE800] =	vst v63  }
0x192: {  	s15 =	sadd.s32 $0x50, s1;
	s16 =	simm.s32 $0xB368  }
0x193: {  	[hbm4b:s15+s3] =	stream.linear.scatter [tilespmem:s16], [sflag:$0x3], $0x80, $0x38;
	[tilespmem:$0xE800] =	vst v63  }
0x194: {  	s15 =	sadd.s32 $0x60, s1;
	s16 =	simm.s32 $0xB3F0  }
0x195: {  	[hbm4b:s15+s3] =	stream.linear.scatter [tilespmem:s16], [sflag:$0x3], $0x80, $0x38;
	[tilespmem:$0xE800] =	vst v63  }
0x196: {  	s1 =	sadd.s32 $0x70, s1;
	s16 =	simm.s32 $0xB478  }
0x197: {  	[hbm4b:s1+s3] =	stream.linear.scatter [tilespmem:s16], [sflag:$0x3], $0x80, $0x38;
	[tilespmem:$0xE800] =	vst v63  }
0x198: {  	s1 =	sadd.s32 s0, s10;
	s16 =	simm.s32 $0xB500  }
0x199: {  	[hbm4b:s1+s3] =	stream.linear.scatter [tilespmem:s16], [sflag:$0x3], $0x80, $0x38;
	[tilespmem:$0xE800] =	vst v63  }
0x19a: {  	s15 =	sadd.s32 $0x10, s1;
	s16 =	simm.s32 $0xB588  }
0x19b: {  	[hbm4b:s15+s3] =	stream.linear.scatter [tilespmem:s16], [sflag:$0x3], $0x80, $0x38;
	[tilespmem:$0xE800] =	vst v63  }
0x19c: {  	s15 =	sadd.s32 $0x20, s1;
	s16 =	simm.s32 $0xB610  }
0x19d: {  	[hbm4b:s15+s3] =	stream.linear.scatter [tilespmem:s16], [sflag:$0x3], $0x80, $0x38;
	[tilespmem:$0xE800] =	vst v63  }
0x19e: {  	s15 =	sadd.s32 $0x30, s1;
	s16 =	simm.s32 $0xB698  }
0x19f: {  	[hbm4b:s15+s3] =	stream.linear.scatter [tilespmem:s16], [sflag:$0x3], $0x80, $0x38;
	[tilespmem:$0xE800] =	vst v63  }
0x1a0: {  	s15 =	sadd.s32 $0x40, s1;
	s16 =	simm.s32 $0xB720  }
0x1a1: {  	[hbm4b:s15+s3] =	stream.linear.scatter [tilespmem:s16], [sflag:$0x3], $0x80, $0x38;
	[tilespmem:$0xE800] =	vst v63  }
0x1a2: {  	s15 =	sadd.s32 $0x50, s1;
	s16 =	simm.s32 $0xB7A8  }
0x1a3: {  	[hbm4b:s15+s3] =	stream.linear.scatter [tilespmem:s16], [sflag:$0x3], $0x80, $0x38;
	[tilespmem:$0xE800] =	vst v63  }
0x1a4: {  	s15 =	sadd.s32 $0x60, s1;
	s16 =	simm.s32 $0xB830  }
0x1a5: {  	[hbm4b:s15+s3] =	stream.linear.scatter [tilespmem:s16], [sflag:$0x3], $0x80, $0x38;
	[tilespmem:$0xE800] =	vst v63  }
0x1a6: {  	s1 =	sadd.s32 $0x70, s1;
	s16 =	simm.s32 $0xB8B8  }
0x1a7: {  	[hbm4b:s1+s3] =	stream.linear.scatter [tilespmem:s16], [sflag:$0x3], $0x80, $0x38;
	[tilespmem:$0xE800] =	vst v63  }
0x1a8: {  	s1 =	sadd.s32 s0, s11;
	s16 =	simm.s32 $0xB940  }
0x1a9: {  	[hbm4b:s1+s3] =	stream.linear.scatter [tilespmem:s16], [sflag:$0x3], $0x80, $0x38;
	[tilespmem:$0xE800] =	vst v63  }
0x1aa: {  	s15 =	sadd.s32 $0x10, s1;
	s16 =	simm.s32 $0xB9C8  }
0x1ab: {  	[hbm4b:s15+s3] =	stream.linear.scatter [tilespmem:s16], [sflag:$0x3], $0x80, $0x38;
	[tilespmem:$0xE800] =	vst v63  }
0x1ac: {  	s15 =	sadd.s32 $0x20, s1;
	s16 =	simm.s32 $0xBA50  }
0x1ad: {  	[hbm4b:s15+s3] =	stream.linear.scatter [tilespmem:s16], [sflag:$0x3], $0x80, $0x38;
	[tilespmem:$0xE800] =	vst v63  }
0x1ae: {  	s15 =	sadd.s32 $0x30, s1;
	s16 =	simm.s32 $0xBAD8  }
0x1af: {  	[hbm4b:s15+s3] =	stream.linear.scatter [tilespmem:s16], [sflag:$0x3], $0x80, $0x38;
	[tilespmem:$0xE800] =	vst v63  }
0x1b0: {  	s15 =	sadd.s32 $0x40, s1;
	s16 =	simm.s32 $0xBB60  }
0x1b1: {  	[hbm4b:s15+s3] =	stream.linear.scatter [tilespmem:s16], [sflag:$0x3], $0x80, $0x38;
	[tilespmem:$0xE800] =	vst v63  }
0x1b2: {  	s15 =	sadd.s32 $0x50, s1;
	s16 =	simm.s32 $0xBBE8  }
0x1b3: {  	[hbm4b:s15+s3] =	stream.linear.scatter [tilespmem:s16], [sflag:$0x3], $0x80, $0x38;
	[tilespmem:$0xE800] =	vst v63  }
0x1b4: {  	s15 =	sadd.s32 $0x60, s1;
	s16 =	simm.s32 $0xBC70  }
0x1b5: {  	[hbm4b:s15+s3] =	stream.linear.scatter [tilespmem:s16], [sflag:$0x3], $0x80, $0x38;
	[tilespmem:$0xE800] =	vst v63  }
0x1b6: {  	s1 =	sadd.s32 $0x70, s1;
	s16 =	simm.s32 $0xBCF8  }
0x1b7: {  	[hbm4b:s1+s3] =	stream.linear.scatter [tilespmem:s16], [sflag:$0x3], $0x80, $0x38;
	[tilespmem:$0xE800] =	vst v63  }
0x1b8: {  	s1 =	sadd.s32 s0, s12;
	s16 =	simm.s32 $0xBD80  }
0x1b9: {  	[hbm4b:s1+s3] =	stream.linear.scatter [tilespmem:s16], [sflag:$0x3], $0x80, $0x38;
	[tilespmem:$0xE800] =	vst v63  }
0x1ba: {  	s15 =	sadd.s32 $0x10, s1;
	s16 =	simm.s32 $0xBE08  }
0x1bb: {  	[hbm4b:s15+s3] =	stream.linear.scatter [tilespmem:s16], [sflag:$0x3], $0x80, $0x38;
	[tilespmem:$0xE800] =	vst v63  }
0x1bc: {  	s15 =	sadd.s32 $0x20, s1;
	s16 =	simm.s32 $0xBE90  }
0x1bd: {  	[hbm4b:s15+s3] =	stream.linear.scatter [tilespmem:s16], [sflag:$0x3], $0x80, $0x38;
	[tilespmem:$0xE800] =	vst v63  }
0x1be: {  	s15 =	sadd.s32 $0x30, s1;
	s16 =	simm.s32 $0xBF18  }
0x1bf: {  	[hbm4b:s15+s3] =	stream.linear.scatter [tilespmem:s16], [sflag:$0x3], $0x80, $0x38;
	[tilespmem:$0xE800] =	vst v63  }
0x1c0: {  	s15 =	sadd.s32 $0x40, s1;
	s16 =	simm.s32 $0xBFA0  }
0x1c1: {  	[hbm4b:s15+s3] =	stream.linear.scatter [tilespmem:s16], [sflag:$0x3], $0x80, $0x38;
	[tilespmem:$0xE800] =	vst v63  }
0x1c2: {  	s15 =	sadd.s32 $0x50, s1;
	s16 =	simm.s32 $0xC028  }
0x1c3: {  	[hbm4b:s15+s3] =	stream.linear.scatter [tilespmem:s16], [sflag:$0x3], $0x80, $0x38;
	[tilespmem:$0xE800] =	vst v63  }
0x1c4: {  	s15 =	sadd.s32 $0x60, s1;
	s16 =	simm.s32 $0xC0B0  }
0x1c5: {  	[hbm4b:s15+s3] =	stream.linear.scatter [tilespmem:s16], [sflag:$0x3], $0x80, $0x38;
	[tilespmem:$0xE800] =	vst v63  }
0x1c6: {  	s1 =	sadd.s32 $0x70, s1;
	s16 =	simm.s32 $0xC138  }
0x1c7: {  	[hbm4b:s1+s3] =	stream.linear.scatter [tilespmem:s16], [sflag:$0x3], $0x80, $0x38;
	[tilespmem:$0xE800] =	vst v63  }
0x1c8: {  	s0 =	sadd.s32 s0, s13;
	s16 =	simm.s32 $0xC1C0  }
0x1c9: {  	[hbm4b:s0+s3] =	stream.linear.scatter [tilespmem:s16], [sflag:$0x3], $0x80, $0x38;
	[tilespmem:$0xE800] =	vst v63  }
0x1ca: {  	s15 =	sadd.s32 $0x10, s0;
	s16 =	simm.s32 $0xC248  }
0x1cb: {  	[hbm4b:s15+s3] =	stream.linear.scatter [tilespmem:s16], [sflag:$0x3], $0x80, $0x38;
	[tilespmem:$0xE800] =	vst v63  }
0x1cc: {  	s15 =	sadd.s32 $0x20, s0;
	s16 =	simm.s32 $0xC2D0  }
0x1cd: {  	[hbm4b:s15+s3] =	stream.linear.scatter [tilespmem:s16], [sflag:$0x3], $0x80, $0x38;
	[tilespmem:$0xE800] =	vst v63  }
0x1ce: {  	s15 =	sadd.s32 $0x30, s0;
	s16 =	simm.s32 $0xC358  }
0x1cf: {  	[hbm4b:s15+s3] =	stream.linear.scatter [tilespmem:s16], [sflag:$0x3], $0x80, $0x38;
	[tilespmem:$0xE800] =	vst v63  }
0x1d0: {  	s15 =	sadd.s32 $0x40, s0;
	s16 =	simm.s32 $0xC3E0  }
0x1d1: {  	[hbm4b:s15+s3] =	stream.linear.scatter [tilespmem:s16], [sflag:$0x3], $0x80, $0x38;
	[tilespmem:$0xE800] =	vst v63  }
0x1d2: {  	p1 =	sne.s32 s29, $0x63;
	s15 =	sadd.s32 $0x50, s0;
	s16 =	simm.s32 $0xC468  }
0x1d3: {  	[hbm4b:s15+s3] =	stream.linear.scatter [tilespmem:s16], [sflag:$0x3], $0x80, $0x38;
	[tilespmem:$0xE800] =	vst v63  }
.Ltmp1:
0x1d4: {  	_ = 	snop;
	(pc) =	sbr.rel @p1 .LBB2_6-.Ltmp1, $4  }
0x1d5: {  	s15 =	sadd.s32 $0x60, s0;
	s16 =	simm.s32 $0xC4F0  }
0x1d6: {  	[hbm4b:s15+s3] =	stream.linear.scatter [tilespmem:s16], [sflag:$0x3], $0x80, $0x38;
	[tilespmem:$0xE800] =	vst v63  }
0x1d7: {  	s0 =	sadd.s32 $0x70, s0;
	s16 =	simm.s32 $0xC578  }
0x1d8: {  	[hbm4b:s0+s3] =	stream.linear.scatter [tilespmem:s16], [sflag:$0x3], $0x80, $0x38;
	[tilespmem:$0xE800] =	vst v63  }
.Ltmp2:
0x1d9: {  	(pc) =	sbr.rel .LBB2_7-.Ltmp2, $4  }
0x1da: {  	_ = 	snop  }
0x1db: {  	_ =	swait.ge [sflag:s6], $0x2000  }
0x1dc: {  	[sflag:s6] =	ssyncset.done $0x0  }
0x1dd: {  	[sflag:s6] =	ssyncadd.s32 $0xFFFFE000  }
.LBB2_6:
0x1de: {  	s0 =	sshll.u32 s31, $0x7  }
0x1df: {  	s0 =	sadd.s32 $0x100, s0  }
.Ltmp3:
0x1e0: {  	s1 =	simm.s32 $0x6400;
	s0 =	sand.u32 $0xFF00, s0;
	(pc) =	sbr.rel @p0 .LBB2_8-.Ltmp3, $4  }
0x1e1: {  	[tilespmem:s1], [sflag:$0x1] =	stream.indirect.gather [hbm4b:s5+s18], $0x40, s0, s18, $0xb8;
	[tilespmem:$0xE800] =	vst v63  }
0x1e2: {  	_ =	swait.ge [sflag:s6], $0x2000  }
0x1e3: {  	[sflag:s6] =	ssyncset.done $0x0  }
0x1e4: {  	[sflag:s6] =	ssyncadd.s32 $0xFFFFE000  }
.LBB2_7:
0x1e5: {  	_ =	swait.ge [sflag:s14], $0x400  }
0x1e6: {  	[sflag:s14] =	ssyncset.done $0x0  }
0x1e7: {  	[sflag:s14] =	ssyncadd.s32 $0xFFFFFC00  }
0x1e8: {  	_ =	swait.ge [sflag:s14], $0x400  }
0x1e9: {  	[sflag:s14] =	ssyncset.done $0x0  }
0x1ea: {  	[sflag:s14] =	ssyncadd.s32 $0xFFFFFC00  }
0x1eb: {  	_ =	swait.ge [sflag:s14], $0x400  }
0x1ec: {  	[sflag:s14] =	ssyncset.done $0x0  }
0x1ed: {  	[sflag:s14] =	ssyncadd.s32 $0xFFFFFC00  }
0x1ee: {  	_ =	swait.ge [sflag:s14], $0x400  }
0x1ef: {  	[sflag:s14] =	ssyncset.done $0x0  }
0x1f0: {  	[sflag:s14] =	ssyncadd.s32 $0xFFFFFC00  }
0x1f1: {  	_ =	swait.ge [sflag:s14], $0x400  }
0x1f2: {  	[sflag:s14] =	ssyncset.done $0x0  }
0x1f3: {  	[sflag:s14] =	ssyncadd.s32 $0xFFFFFC00  }
0x1f4: {  	_ =	swait.ge [sflag:s14], $0x400  }
0x1f5: {  	[sflag:s14] =	ssyncset.done $0x0  }
0x1f6: {  	[sflag:s14] =	ssyncadd.s32 $0xFFFFFC00  }
0x1f7: {  	_ =	swait.ge [sflag:s14], $0x400  }
0x1f8: {  	[sflag:s14] =	ssyncset.done $0x0  }
0x1f9: {  	[sflag:s14] =	ssyncadd.s32 $0xFFFFFC00  }
0x1fa: {  	_ =	swait.ge [sflag:s14], $0x400  }
0x1fb: {  	[sflag:s14] =	ssyncset.done $0x0  }
0x1fc: {  	[sflag:s14] =	ssyncadd.s32 $0xFFFFFC00  }
.LBB2_8:
0x1fd: {  	s0 =	simm.s32 $0x0  }
0x1fe: {  	v33 =	vmov s0  }
0x1ff: {  	v33 =	vshrl.u32 v33, $0x3  }
0x200: {  	v33 =	vshll.u32 v33, v1  }
0x201: {  	v33 =	vbroadcast v33, $0x0  }
0x202: {  	s1 =	simm.s32 $0x8500  }
0x203: {  	v34 =	vld [tilespmem:s1+$0xFFFFFF00];
	v35 =	vadd.s32 v0, v33;
	_ =	sdelay $0x4  }
0x204: {  	[tilespmem:v35+s17+$0x0] =	vst.idx.msk $0xffff, v34  }
0x205: {  	v56 =	vadd.s32 v2, v33;
	v34 =	vld [tilespmem:s1+$0xFFFFFF10];
	_ =	sdelay $0x4  }
0x206: {  	[tilespmem:v56+s17+$0x0] =	vst.idx.msk $0xffff, v34  }
0x207: {  	v57 =	vadd.s32 v3, v33;
	v34 =	vld [tilespmem:s1+$0xFFFFFF20];
	_ =	sdelay $0x4  }
0x208: {  	[tilespmem:v57+s17+$0x0] =	vst.idx.msk $0xffff, v34  }
0x209: {  	s31 =	simm.s32 $0x1;
	v33 =	vadd.s32 v4, v33;
	v34 =	vld [tilespmem:s1+$0xFFFFFF30]  }
0x20a: {  	v58 =	vmov s31  }
0x20b: {  	v35 =	vshrl.u32 v58, $0x3  }
0x20c: {  	v35 =	vshll.u32 v35, v1  }
0x20d: {  	v35 =	vbroadcast v35, $0x0  }
0x20e: {  	[tilespmem:v33+s17+$0x0] =	vst.idx.msk $0xffff, v34  }
0x20f: {  	v59 =	vadd.s32 v5, v35;
	v33 =	vld [tilespmem:s1+$0xFFFFFF40];
	_ =	sdelay $0x4  }
0x210: {  	[tilespmem:v59+s17+$0x0] =	vst.idx.msk $0xffff, v33  }
0x211: {  	v60 =	vadd.s32 v6, v35;
	v33 =	vld [tilespmem:s1+$0xFFFFFF50];
	_ =	sdelay $0x4  }
0x212: {  	[tilespmem:v60+s17+$0x0] =	vst.idx.msk $0xffff, v33  }
0x213: {  	v61 =	vadd.s32 v7, v35;
	v33 =	vld [tilespmem:s1+$0xFFFFFF60];
	_ =	sdelay $0x4  }
0x214: {  	[tilespmem:v61+s17+$0x0] =	vst.idx.msk $0xffff, v33  }
0x215: {  	s15 =	simm.s32 $0x2;
	v62 =	vadd.s32 v8, v35;
	v33 =	vld [tilespmem:s1+$0xFFFFFF70]  }
0x216: {  	v63 =	vmov s15  }
0x217: {  	v35 =	vshrl.u32 v63, $0x3  }
0x218: {  	v35 =	vshll.u32 v35, v1  }
0x219: {  	v35 =	vbroadcast v35, $0x0  }
0x21a: {  	[tilespmem:v62+s17+$0x0] =	vst.idx.msk $0xffff, v33  }
0x21b: {  	v36 =	vadd.s32 v9, v35;
	v33 =	vld [tilespmem:s1+$0xFFFFFF80];
	_ =	sdelay $0x4  }
0x21c: {  	[tilespmem:v36+s17+$0x0] =	vst.idx.msk $0xffff, v33  }
0x21d: {  	v37 =	vadd.s32 v10, v35;
	v33 =	vld [tilespmem:s1+$0xFFFFFF90];
	_ =	sdelay $0x4  }
0x21e: {  	[tilespmem:v37+s17+$0x0] =	vst.idx.msk $0xffff, v33  }
0x21f: {  	v38 =	vadd.s32 v11, v35;
	v33 =	vld [tilespmem:s1+$0xFFFFFFA0];
	_ =	sdelay $0x4  }
0x220: {  	[tilespmem:v38+s17+$0x0] =	vst.idx.msk $0xffff, v33  }
0x221: {  	s16 =	simm.s32 $0x3;
	v39 =	vadd.s32 v12, v35;
	v33 =	vld [tilespmem:s1+$0xFFFFFFB0]  }
0x222: {  	v40 =	vmov s16  }
0x223: {  	v35 =	vshrl.u32 v40, $0x3  }
0x224: {  	v35 =	vshll.u32 v35, v1  }
0x225: {  	v35 =	vbroadcast v35, $0x0  }
0x226: {  	[tilespmem:v39+s17+$0x0] =	vst.idx.msk $0xffff, v33  }
0x227: {  	v41 =	vadd.s32 v13, v35;
	v33 =	vld [tilespmem:s1+$0xFFFFFFC0];
	_ =	sdelay $0x4  }
0x228: {  	[tilespmem:v41+s17+$0x0] =	vst.idx.msk $0xffff, v33  }
0x229: {  	v42 =	vadd.s32 v14, v35;
	v33 =	vld [tilespmem:s1+$0xFFFFFFD0];
	_ =	sdelay $0x4  }
0x22a: {  	[tilespmem:v42+s17+$0x0] =	vst.idx.msk $0xffff, v33  }
0x22b: {  	v43 =	vadd.s32 v15, v35;
	v33 =	vld [tilespmem:s1+$0xFFFFFFE0];
	_ =	sdelay $0x4  }
0x22c: {  	[tilespmem:v43+s17+$0x0] =	vst.idx.msk $0xffff, v33  }
0x22d: {  	s31 =	simm.s32 $0x4;
	v44 =	vadd.s32 v16, v35;
	v33 =	vld [tilespmem:s1+$0xFFFFFFF0]  }
0x22e: {  	v45 =	vmov s31  }
0x22f: {  	v35 =	vshrl.u32 v45, $0x3  }
0x230: {  	v35 =	vshll.u32 v35, v1  }
0x231: {  	v35 =	vbroadcast v35, $0x0  }
0x232: {  	[tilespmem:v44+s17+$0x0] =	vst.idx.msk $0xffff, v33  }
0x233: {  	v46 =	vadd.s32 v17, v35;
	v33 =	vld [tilespmem:s1+$0x0];
	_ =	sdelay $0x4  }
0x234: {  	[tilespmem:v46+s17+$0x0] =	vst.idx.msk $0xffff, v33  }
0x235: {  	v47 =	vadd.s32 v18, v35;
	v33 =	vld [tilespmem:s1+$0x10];
	_ =	sdelay $0x4  }
0x236: {  	[tilespmem:v47+s17+$0x0] =	vst.idx.msk $0xffff, v33  }
0x237: {  	v48 =	vadd.s32 v19, v35;
	v33 =	vld [tilespmem:s1+$0x20];
	_ =	sdelay $0x4  }
0x238: {  	[tilespmem:v48+s17+$0x0] =	vst.idx.msk $0xffff, v33  }
0x239: {  	s15 =	simm.s32 $0x5;
	v49 =	vadd.s32 v20, v35;
	v33 =	vld [tilespmem:s1+$0x30]  }
0x23a: {  	v50 =	vmov s15  }
0x23b: {  	v35 =	vshrl.u32 v50, $0x3  }
0x23c: {  	v35 =	vshll.u32 v35, v1  }
0x23d: {  	v35 =	vbroadcast v35, $0x0  }
0x23e: {  	[tilespmem:v49+s17+$0x0] =	vst.idx.msk $0xffff, v33  }
0x23f: {  	v51 =	vadd.s32 v21, v35;
	v33 =	vld [tilespmem:s1+$0x40];
	_ =	sdelay $0x4  }
0x240: {  	[tilespmem:v51+s17+$0x0] =	vst.idx.msk $0xffff, v33  }
0x241: {  	v52 =	vadd.s32 v22, v35;
	v33 =	vld [tilespmem:s1+$0x50];
	_ =	sdelay $0x4  }
0x242: {  	[tilespmem:v52+s17+$0x0] =	vst.idx.msk $0xffff, v33  }
0x243: {  	v53 =	vadd.s32 v23, v35;
	v33 =	vld [tilespmem:s1+$0x60];
	_ =	sdelay $0x4  }
0x244: {  	[tilespmem:v53+s17+$0x0] =	vst.idx.msk $0xffff, v33  }
0x245: {  	s16 =	simm.s32 $0x6;
	v54 =	vadd.s32 v24, v35;
	v33 =	vld [tilespmem:s1+$0x70]  }
0x246: {  	v55 =	vmov s16  }
0x247: {  	v35 =	vshrl.u32 v55, $0x3  }
0x248: {  	v35 =	vshll.u32 v35, v1  }
0x249: {  	v35 =	vbroadcast v35, $0x0  }
0x24a: {  	[tilespmem:v54+s17+$0x0] =	vst.idx.msk $0xffff, v33  }
0x24b: {  	v56 =	vadd.s32 v25, v35;
	v33 =	vld [tilespmem:s1+$0x80];
	_ =	sdelay $0x4  }
0x24c: {  	[tilespmem:v56+s17+$0x0] =	vst.idx.msk $0xffff, v33  }
0x24d: {  	v57 =	vadd.s32 v26, v35;
	v33 =	vld [tilespmem:s1+$0x90];
	_ =	sdelay $0x4  }
0x24e: {  	[tilespmem:v57+s17+$0x0] =	vst.idx.msk $0xffff, v33  }
0x24f: {  	v58 =	vadd.s32 v27, v35;
	v33 =	vld [tilespmem:s1+$0xA0];
	_ =	sdelay $0x4  }
0x250: {  	[tilespmem:v58+s17+$0x0] =	vst.idx.msk $0xffff, v33  }
0x251: {  	s31 =	simm.s32 $0x7;
	v59 =	vadd.s32 v28, v35;
	v33 =	vld [tilespmem:s1+$0xB0]  }
0x252: {  	v60 =	vmov s31  }
0x253: {  	v35 =	vshrl.u32 v60, $0x3  }
0x254: {  	v35 =	vshll.u32 v35, v1  }
0x255: {  	v35 =	vbroadcast v35, $0x0  }
0x256: {  	[tilespmem:v59+s17+$0x0] =	vst.idx.msk $0xffff, v33  }
0x257: {  	v61 =	vadd.s32 v29, v35;
	v33 =	vld [tilespmem:s1+$0xC0];
	_ =	sdelay $0x4  }
0x258: {  	[tilespmem:v61+s17+$0x0] =	vst.idx.msk $0xffff, v33  }
0x259: {  	v62 =	vadd.s32 v30, v35;
	v33 =	vld [tilespmem:s1+$0xD0];
	_ =	sdelay $0x4  }
0x25a: {  	[tilespmem:v62+s17+$0x0] =	vst.idx.msk $0xffff, v33  }
0x25b: {  	v63 =	vadd.s32 v31, v35;
	v33 =	vld [tilespmem:s1+$0xE0];
	_ =	sdelay $0x4  }
0x25c: {  	[tilespmem:v63+s17+$0x0] =	vst.idx.msk $0xffff, v33  }
0x25d: {  	s0 =	simm.s32 $0xF;
	s16 =	simm.s32 $0x8;
	s15 =	simm.s32 $0x17;
	v34 =	vadd.s32 v32, v35;
	v33 =	vld [tilespmem:s1+$0xF0]  }
.LBB2_9:
0x25e: {  	p0 =	sne.s32 s15, $0x7F;
	v35 =	vmov s16  }
0x25f: {  	v35 =	vshrl.u32 v35, $0x3  }
0x260: {  	v35 =	vshll.u32 v35, v1  }
0x261: {  	v35 =	vbroadcast v35, $0x0  }
0x262: {  	s1 =	sadd.s32 $0x200, s1;
	[tilespmem:v34+s17+$0x0] =	vst.idx.msk $0xffff, v33  }
0x263: {  	v33 =	vld [tilespmem:s1+$0xFFFFFF00];
	v34 =	vadd.s32 v0, v35;
	_ =	sdelay $0x4  }
0x264: {  	[tilespmem:v34+s17+$0x0] =	vst.idx.msk $0xffff, v33  }
0x265: {  	v34 =	vadd.s32 v2, v35;
	v33 =	vld [tilespmem:s1+$0xFFFFFF10];
	_ =	sdelay $0x4  }
0x266: {  	[tilespmem:v34+s17+$0x0] =	vst.idx.msk $0xffff, v33  }
0x267: {  	v34 =	vadd.s32 v3, v35;
	v33 =	vld [tilespmem:s1+$0xFFFFFF20];
	_ =	sdelay $0x4  }
0x268: {  	[tilespmem:v34+s17+$0x0] =	vst.idx.msk $0xffff, v33  }
0x269: {  	s16 =	sadd.s32 $0xFFFFFFFA, s0;
	v34 =	vadd.s32 v4, v35;
	v33 =	vld [tilespmem:s1+$0xFFFFFF30]  }
0x26a: {  	v35 =	vmov s16  }
0x26b: {  	v35 =	vshrl.u32 v35, $0x3  }
0x26c: {  	v35 =	vshll.u32 v35, v1  }
0x26d: {  	v35 =	vbroadcast v35, $0x0  }
0x26e: {  	[tilespmem:v34+s17+$0x0] =	vst.idx.msk $0xffff, v33  }
0x26f: {  	v34 =	vadd.s32 v5, v35;
	v33 =	vld [tilespmem:s1+$0xFFFFFF40];
	_ =	sdelay $0x4  }
0x270: {  	[tilespmem:v34+s17+$0x0] =	vst.idx.msk $0xffff, v33  }
0x271: {  	v34 =	vadd.s32 v6, v35;
	v33 =	vld [tilespmem:s1+$0xFFFFFF50];
	_ =	sdelay $0x4  }
0x272: {  	[tilespmem:v34+s17+$0x0] =	vst.idx.msk $0xffff, v33  }
0x273: {  	v34 =	vadd.s32 v7, v35;
	v33 =	vld [tilespmem:s1+$0xFFFFFF60];
	_ =	sdelay $0x4  }
0x274: {  	[tilespmem:v34+s17+$0x0] =	vst.idx.msk $0xffff, v33  }
0x275: {  	s16 =	sadd.s32 $0xFFFFFFFB, s0;
	v34 =	vadd.s32 v8, v35;
	v33 =	vld [tilespmem:s1+$0xFFFFFF70]  }
0x276: {  	v35 =	vmov s16  }
0x277: {  	v35 =	vshrl.u32 v35, $0x3  }
0x278: {  	v35 =	vshll.u32 v35, v1  }
0x279: {  	v35 =	vbroadcast v35, $0x0  }
0x27a: {  	[tilespmem:v34+s17+$0x0] =	vst.idx.msk $0xffff, v33  }
0x27b: {  	v34 =	vadd.s32 v9, v35;
	v33 =	vld [tilespmem:s1+$0xFFFFFF80];
	_ =	sdelay $0x4  }
0x27c: {  	[tilespmem:v34+s17+$0x0] =	vst.idx.msk $0xffff, v33  }
0x27d: {  	v34 =	vadd.s32 v10, v35;
	v33 =	vld [tilespmem:s1+$0xFFFFFF90];
	_ =	sdelay $0x4  }
0x27e: {  	[tilespmem:v34+s17+$0x0] =	vst.idx.msk $0xffff, v33  }
0x27f: {  	v34 =	vadd.s32 v11, v35;
	v33 =	vld [tilespmem:s1+$0xFFFFFFA0];
	_ =	sdelay $0x4  }
0x280: {  	[tilespmem:v34+s17+$0x0] =	vst.idx.msk $0xffff, v33  }
0x281: {  	s16 =	sadd.s32 $0xFFFFFFFC, s0;
	v34 =	vadd.s32 v12, v35;
	v33 =	vld [tilespmem:s1+$0xFFFFFFB0]  }
0x282: {  	v35 =	vmov s16  }
0x283: {  	v35 =	vshrl.u32 v35, $0x3  }
0x284: {  	v35 =	vshll.u32 v35, v1  }
0x285: {  	v35 =	vbroadcast v35, $0x0  }
0x286: {  	[tilespmem:v34+s17+$0x0] =	vst.idx.msk $0xffff, v33  }
0x287: {  	v34 =	vadd.s32 v13, v35;
	v33 =	vld [tilespmem:s1+$0xFFFFFFC0];
	_ =	sdelay $0x4  }
0x288: {  	[tilespmem:v34+s17+$0x0] =	vst.idx.msk $0xffff, v33  }
0x289: {  	v34 =	vadd.s32 v14, v35;
	v33 =	vld [tilespmem:s1+$0xFFFFFFD0];
	_ =	sdelay $0x4  }
0x28a: {  	[tilespmem:v34+s17+$0x0] =	vst.idx.msk $0xffff, v33  }
0x28b: {  	v34 =	vadd.s32 v15, v35;
	v33 =	vld [tilespmem:s1+$0xFFFFFFE0];
	_ =	sdelay $0x4  }
0x28c: {  	[tilespmem:v34+s17+$0x0] =	vst.idx.msk $0xffff, v33  }
0x28d: {  	s16 =	sadd.s32 $0xFFFFFFFD, s0;
	v34 =	vadd.s32 v16, v35;
	v33 =	vld [tilespmem:s1+$0xFFFFFFF0]  }
0x28e: {  	v35 =	vmov s16  }
0x28f: {  	v35 =	vshrl.u32 v35, $0x3  }
0x290: {  	v35 =	vshll.u32 v35, v1  }
0x291: {  	v35 =	vbroadcast v35, $0x0  }
0x292: {  	[tilespmem:v34+s17+$0x0] =	vst.idx.msk $0xffff, v33  }
0x293: {  	v34 =	vadd.s32 v17, v35;
	v33 =	vld [tilespmem:s1+$0x0];
	_ =	sdelay $0x4  }
0x294: {  	[tilespmem:v34+s17+$0x0] =	vst.idx.msk $0xffff, v33  }
0x295: {  	v34 =	vadd.s32 v18, v35;
	v33 =	vld [tilespmem:s1+$0x10];
	_ =	sdelay $0x4  }
0x296: {  	[tilespmem:v34+s17+$0x0] =	vst.idx.msk $0xffff, v33  }
0x297: {  	v34 =	vadd.s32 v19, v35;
	v33 =	vld [tilespmem:s1+$0x20];
	_ =	sdelay $0x4  }
0x298: {  	[tilespmem:v34+s17+$0x0] =	vst.idx.msk $0xffff, v33  }
0x299: {  	s16 =	sadd.s32 $0xFFFFFFFE, s0;
	v34 =	vadd.s32 v20, v35;
	v33 =	vld [tilespmem:s1+$0x30]  }
0x29a: {  	v35 =	vmov s16  }
0x29b: {  	v35 =	vshrl.u32 v35, $0x3  }
0x29c: {  	v35 =	vshll.u32 v35, v1  }
0x29d: {  	v35 =	vbroadcast v35, $0x0  }
0x29e: {  	[tilespmem:v34+s17+$0x0] =	vst.idx.msk $0xffff, v33  }
0x29f: {  	v34 =	vadd.s32 v21, v35;
	v33 =	vld [tilespmem:s1+$0x40];
	_ =	sdelay $0x4  }
0x2a0: {  	[tilespmem:v34+s17+$0x0] =	vst.idx.msk $0xffff, v33  }
0x2a1: {  	v34 =	vadd.s32 v22, v35;
	v33 =	vld [tilespmem:s1+$0x50];
	_ =	sdelay $0x4  }
0x2a2: {  	[tilespmem:v34+s17+$0x0] =	vst.idx.msk $0xffff, v33  }
0x2a3: {  	v34 =	vadd.s32 v23, v35;
	v33 =	vld [tilespmem:s1+$0x60];
	_ =	sdelay $0x4  }
0x2a4: {  	[tilespmem:v34+s17+$0x0] =	vst.idx.msk $0xffff, v33  }
0x2a5: {  	s16 =	sadd.s32 $0xFFFFFFFF, s0;
	v34 =	vadd.s32 v24, v35;
	v33 =	vld [tilespmem:s1+$0x70]  }
0x2a6: {  	v35 =	vmov s16  }
0x2a7: {  	v35 =	vshrl.u32 v35, $0x3  }
0x2a8: {  	v35 =	vshll.u32 v35, v1  }
0x2a9: {  	v35 =	vbroadcast v35, $0x0  }
0x2aa: {  	[tilespmem:v34+s17+$0x0] =	vst.idx.msk $0xffff, v33  }
0x2ab: {  	v34 =	vadd.s32 v25, v35;
	v33 =	vld [tilespmem:s1+$0x80];
	_ =	sdelay $0x4  }
0x2ac: {  	[tilespmem:v34+s17+$0x0] =	vst.idx.msk $0xffff, v33  }
0x2ad: {  	v34 =	vadd.s32 v26, v35;
	v33 =	vld [tilespmem:s1+$0x90];
	_ =	sdelay $0x4  }
0x2ae: {  	[tilespmem:v34+s17+$0x0] =	vst.idx.msk $0xffff, v33  }
0x2af: {  	v34 =	vadd.s32 v27, v35;
	v33 =	vld [tilespmem:s1+$0xA0];
	_ =	sdelay $0x4  }
0x2b0: {  	[tilespmem:v34+s17+$0x0] =	vst.idx.msk $0xffff, v33  }
0x2b1: {  	v34 =	vadd.s32 v28, v35;
	v33 =	vld [tilespmem:s1+$0xB0]  }
0x2b2: {  	v35 =	vmov s0;
	s0 =	smov.u32 s15  }
0x2b3: {  	v35 =	vshrl.u32 v35, $0x3  }
0x2b4: {  	v35 =	vshll.u32 v35, v1  }
0x2b5: {  	v35 =	vbroadcast v35, $0x0  }
0x2b6: {  	[tilespmem:v34+s17+$0x0] =	vst.idx.msk $0xffff, v33  }
0x2b7: {  	v34 =	vadd.s32 v29, v35;
	v33 =	vld [tilespmem:s1+$0xC0];
	_ =	sdelay $0x4  }
0x2b8: {  	[tilespmem:v34+s17+$0x0] =	vst.idx.msk $0xffff, v33  }
0x2b9: {  	v34 =	vadd.s32 v30, v35;
	v33 =	vld [tilespmem:s1+$0xD0];
	_ =	sdelay $0x4  }
0x2ba: {  	[tilespmem:v34+s17+$0x0] =	vst.idx.msk $0xffff, v33  }
0x2bb: {  	v34 =	vadd.s32 v31, v35;
	v33 =	vld [tilespmem:s1+$0xE0];
	_ =	sdelay $0x1  }
.Ltmp4:
0x2bc: {  	(pc) =	sbr.rel @p0 .LBB2_9-.Ltmp4, $3  }
0x2bd: {  	_ =	sdelay $0x1  }
0x2be: {  	[tilespmem:v34+s17+$0x0] =	vst.idx.msk $0xffff, v33  }
0x2bf: {  	s15 =	sadd.s32 $0x8, s15;
	s16 =	sadd.s32 $0xFFFFFFF9, s0;
	v34 =	vadd.s32 v32, v35;
	v33 =	vld [tilespmem:s1+$0xF0]  }
0x2c0: {  	v35 =	vmov s16  }
0x2c1: {  	v35 =	vshrl.u32 v35, $0x3  }
0x2c2: {  	v35 =	vshll.u32 v35, v1  }
0x2c3: {  	v35 =	vbroadcast v35, $0x0  }
0x2c4: {  	s1 =	sadd.s32 $0x200, s1;
	[tilespmem:v34+s17+$0x0] =	vst.idx.msk $0xffff, v33  }
0x2c5: {  	v33 =	vld [tilespmem:s1+$0xFFFFFF00];
	v53 =	vadd.s32 v0, v35;
	_ =	sdelay $0x4  }
0x2c6: {  	[tilespmem:v53+s17+$0x0] =	vst.idx.msk $0xffff, v33  }
0x2c7: {  	v54 =	vadd.s32 v2, v35;
	v33 =	vld [tilespmem:s1+$0xFFFFFF10];
	_ =	sdelay $0x4  }
0x2c8: {  	[tilespmem:v54+s17+$0x0] =	vst.idx.msk $0xffff, v33  }
0x2c9: {  	v55 =	vadd.s32 v3, v35;
	v33 =	vld [tilespmem:s1+$0xFFFFFF20];
	_ =	sdelay $0x4  }
0x2ca: {  	[tilespmem:v55+s17+$0x0] =	vst.idx.msk $0xffff, v33  }
0x2cb: {  	s15 =	sadd.s32 $0xFFFFFFFA, s0;
	v56 =	vadd.s32 v4, v35;
	v33 =	vld [tilespmem:s1+$0xFFFFFF30]  }
0x2cc: {  	v57 =	vmov s15  }
0x2cd: {  	v35 =	vshrl.u32 v57, $0x3  }
0x2ce: {  	v35 =	vshll.u32 v35, v1  }
0x2cf: {  	v35 =	vbroadcast v35, $0x0  }
0x2d0: {  	[tilespmem:v56+s17+$0x0] =	vst.idx.msk $0xffff, v33  }
0x2d1: {  	v58 =	vadd.s32 v5, v35;
	v33 =	vld [tilespmem:s1+$0xFFFFFF40];
	_ =	sdelay $0x4  }
0x2d2: {  	[tilespmem:v58+s17+$0x0] =	vst.idx.msk $0xffff, v33  }
0x2d3: {  	v59 =	vadd.s32 v6, v35;
	v33 =	vld [tilespmem:s1+$0xFFFFFF50];
	_ =	sdelay $0x4  }
0x2d4: {  	[tilespmem:v59+s17+$0x0] =	vst.idx.msk $0xffff, v33  }
0x2d5: {  	v60 =	vadd.s32 v7, v35;
	v33 =	vld [tilespmem:s1+$0xFFFFFF60];
	_ =	sdelay $0x4  }
0x2d6: {  	[tilespmem:v60+s17+$0x0] =	vst.idx.msk $0xffff, v33  }
0x2d7: {  	s31 =	sadd.s32 $0xFFFFFFFB, s0;
	v61 =	vadd.s32 v8, v35;
	v33 =	vld [tilespmem:s1+$0xFFFFFF70]  }
0x2d8: {  	v62 =	vmov s31  }
0x2d9: {  	v35 =	vshrl.u32 v62, $0x3  }
0x2da: {  	v35 =	vshll.u32 v35, v1  }
0x2db: {  	v35 =	vbroadcast v35, $0x0  }
0x2dc: {  	[tilespmem:v61+s17+$0x0] =	vst.idx.msk $0xffff, v33  }
0x2dd: {  	v63 =	vadd.s32 v9, v35;
	v33 =	vld [tilespmem:s1+$0xFFFFFF80];
	_ =	sdelay $0x4  }
0x2de: {  	[tilespmem:v63+s17+$0x0] =	vst.idx.msk $0xffff, v33  }
0x2df: {  	v36 =	vadd.s32 v10, v35;
	v33 =	vld [tilespmem:s1+$0xFFFFFF90];
	_ =	sdelay $0x4  }
0x2e0: {  	[tilespmem:v36+s17+$0x0] =	vst.idx.msk $0xffff, v33  }
0x2e1: {  	v37 =	vadd.s32 v11, v35;
	v33 =	vld [tilespmem:s1+$0xFFFFFFA0];
	_ =	sdelay $0x4  }
0x2e2: {  	[tilespmem:v37+s17+$0x0] =	vst.idx.msk $0xffff, v33  }
0x2e3: {  	s16 =	sadd.s32 $0xFFFFFFFC, s0;
	v38 =	vadd.s32 v12, v35;
	v33 =	vld [tilespmem:s1+$0xFFFFFFB0]  }
0x2e4: {  	v39 =	vmov s16  }
0x2e5: {  	v35 =	vshrl.u32 v39, $0x3  }
0x2e6: {  	v35 =	vshll.u32 v35, v1  }
0x2e7: {  	v35 =	vbroadcast v35, $0x0  }
0x2e8: {  	[tilespmem:v38+s17+$0x0] =	vst.idx.msk $0xffff, v33  }
0x2e9: {  	v40 =	vadd.s32 v13, v35;
	v33 =	vld [tilespmem:s1+$0xFFFFFFC0];
	_ =	sdelay $0x4  }
0x2ea: {  	[tilespmem:v40+s17+$0x0] =	vst.idx.msk $0xffff, v33  }
0x2eb: {  	v41 =	vadd.s32 v14, v35;
	v33 =	vld [tilespmem:s1+$0xFFFFFFD0];
	_ =	sdelay $0x4  }
0x2ec: {  	[tilespmem:v41+s17+$0x0] =	vst.idx.msk $0xffff, v33  }
0x2ed: {  	v42 =	vadd.s32 v15, v35;
	v33 =	vld [tilespmem:s1+$0xFFFFFFE0];
	_ =	sdelay $0x4  }
0x2ee: {  	[tilespmem:v42+s17+$0x0] =	vst.idx.msk $0xffff, v33  }
0x2ef: {  	s31 =	sadd.s32 $0xFFFFFFFD, s0;
	v43 =	vadd.s32 v16, v35;
	v33 =	vld [tilespmem:s1+$0xFFFFFFF0]  }
0x2f0: {  	v44 =	vmov s31  }
0x2f1: {  	v35 =	vshrl.u32 v44, $0x3  }
0x2f2: {  	v35 =	vshll.u32 v35, v1  }
0x2f3: {  	v35 =	vbroadcast v35, $0x0  }
0x2f4: {  	[tilespmem:v43+s17+$0x0] =	vst.idx.msk $0xffff, v33  }
0x2f5: {  	v45 =	vadd.s32 v17, v35;
	v33 =	vld [tilespmem:s1+$0x0];
	_ =	sdelay $0x4  }
0x2f6: {  	[tilespmem:v45+s17+$0x0] =	vst.idx.msk $0xffff, v33  }
0x2f7: {  	v46 =	vadd.s32 v18, v35;
	v33 =	vld [tilespmem:s1+$0x10];
	_ =	sdelay $0x4  }
0x2f8: {  	[tilespmem:v46+s17+$0x0] =	vst.idx.msk $0xffff, v33  }
0x2f9: {  	v47 =	vadd.s32 v19, v35;
	v33 =	vld [tilespmem:s1+$0x20];
	_ =	sdelay $0x4  }
0x2fa: {  	[tilespmem:v47+s17+$0x0] =	vst.idx.msk $0xffff, v33  }
0x2fb: {  	s16 =	sadd.s32 $0xFFFFFFFE, s0;
	v48 =	vadd.s32 v20, v35;
	v33 =	vld [tilespmem:s1+$0x30]  }
0x2fc: {  	v49 =	vmov s16  }
0x2fd: {  	v35 =	vshrl.u32 v49, $0x3  }
0x2fe: {  	v35 =	vshll.u32 v35, v1  }
0x2ff: {  	v35 =	vbroadcast v35, $0x0  }
0x300: {  	[tilespmem:v48+s17+$0x0] =	vst.idx.msk $0xffff, v33  }
0x301: {  	v50 =	vadd.s32 v21, v35;
	v33 =	vld [tilespmem:s1+$0x40];
	_ =	sdelay $0x4  }
0x302: {  	[tilespmem:v50+s17+$0x0] =	vst.idx.msk $0xffff, v33  }
0x303: {  	v51 =	vadd.s32 v22, v35;
	v33 =	vld [tilespmem:s1+$0x50];
	_ =	sdelay $0x4  }
0x304: {  	[tilespmem:v51+s17+$0x0] =	vst.idx.msk $0xffff, v33  }
0x305: {  	v52 =	vadd.s32 v23, v35;
	v33 =	vld [tilespmem:s1+$0x60];
	_ =	sdelay $0x4  }
0x306: {  	[tilespmem:v52+s17+$0x0] =	vst.idx.msk $0xffff, v33  }
0x307: {  	s31 =	sadd.s32 $0xFFFFFFFF, s0;
	v53 =	vadd.s32 v24, v35;
	v33 =	vld [tilespmem:s1+$0x70]  }
0x308: {  	v54 =	vmov s31  }
0x309: {  	v35 =	vshrl.u32 v54, $0x3  }
0x30a: {  	v35 =	vshll.u32 v35, v1  }
0x30b: {  	v35 =	vbroadcast v35, $0x0  }
0x30c: {  	[tilespmem:v53+s17+$0x0] =	vst.idx.msk $0xffff, v33  }
0x30d: {  	v55 =	vadd.s32 v25, v35;
	v33 =	vld [tilespmem:s1+$0x80];
	_ =	sdelay $0x4  }
0x30e: {  	[tilespmem:v55+s17+$0x0] =	vst.idx.msk $0xffff, v33  }
0x30f: {  	v56 =	vadd.s32 v26, v35;
	v33 =	vld [tilespmem:s1+$0x90];
	_ =	sdelay $0x4  }
0x310: {  	[tilespmem:v56+s17+$0x0] =	vst.idx.msk $0xffff, v33  }
0x311: {  	v57 =	vadd.s32 v27, v35;
	v33 =	vld [tilespmem:s1+$0xA0];
	_ =	sdelay $0x4  }
0x312: {  	[tilespmem:v57+s17+$0x0] =	vst.idx.msk $0xffff, v33  }
0x313: {  	v58 =	vadd.s32 v28, v35;
	v33 =	vld [tilespmem:s1+$0xB0]  }
0x314: {  	v59 =	vmov s0  }
0x315: {  	v35 =	vshrl.u32 v59, $0x3  }
0x316: {  	v35 =	vshll.u32 v35, v1  }
0x317: {  	v35 =	vbroadcast v35, $0x0  }
0x318: {  	[tilespmem:v58+s17+$0x0] =	vst.idx.msk $0xffff, v33  }
0x319: {  	v60 =	vadd.s32 v29, v35;
	v33 =	vld [tilespmem:s1+$0xC0];
	_ =	sdelay $0x4  }
0x31a: {  	[tilespmem:v60+s17+$0x0] =	vst.idx.msk $0xffff, v33  }
0x31b: {  	v61 =	vadd.s32 v30, v35;
	v33 =	vld [tilespmem:s1+$0xD0];
	_ =	sdelay $0x4  }
0x31c: {  	[tilespmem:v61+s17+$0x0] =	vst.idx.msk $0xffff, v33  }
0x31d: {  	v62 =	vadd.s32 v31, v35;
	v33 =	vld [tilespmem:s1+$0xE0];
	_ =	sdelay $0x4  }
0x31e: {  	[tilespmem:v62+s17+$0x0] =	vst.idx.msk $0xffff, v33  }
0x31f: {  	v63 =	vadd.s32 v32, v35;
	v33 =	vld [tilespmem:s1+$0xF0];
	_ =	sdelay $0x1  }
0x320: {  	s16 =	sshll.u32 s30, $0x12  }
0x321: {  	s0 =	sor.u32 s4, s16  }
0x322: {  	s0 =	sshrl.u32 s0, $0x3  }
0x323: {  	s1 =	sadd.s32 s2, s0;
	[tilespmem:v63+s17+$0x0] =	vst.idx.msk $0xffff, v33  }
0x324: {  	[hbm4b:s1+s3] =	stream.linear.scatter [tilespmem:s17], [sflag:$0x4], $0x80, $0x38;
	[tilespmem:$0xE800] =	vst v63  }
0x325: {  	s31 =	simm.s32 $0xC688;
	s30 =	sadd.s32 $0x10, s1  }
0x326: {  	[hbm4b:s30+s3] =	stream.linear.scatter [tilespmem:s31], [sflag:$0x4], $0x80, $0x38;
	[tilespmem:$0xE800] =	vst v63  }
0x327: {  	s30 =	sadd.s32 $0x20, s1;
	s31 =	simm.s32 $0xC710  }
0x328: {  	[hbm4b:s30+s3] =	stream.linear.scatter [tilespmem:s31], [sflag:$0x4], $0x80, $0x38;
	[tilespmem:$0xE800] =	vst v63  }
0x329: {  	s30 =	sadd.s32 $0x30, s1;
	s31 =	simm.s32 $0xC798  }
0x32a: {  	[hbm4b:s30+s3] =	stream.linear.scatter [tilespmem:s31], [sflag:$0x4], $0x80, $0x38;
	[tilespmem:$0xE800] =	vst v63  }
0x32b: {  	s30 =	sadd.s32 $0x40, s1;
	s31 =	simm.s32 $0xC820  }
0x32c: {  	[hbm4b:s30+s3] =	stream.linear.scatter [tilespmem:s31], [sflag:$0x4], $0x80, $0x38;
	[tilespmem:$0xE800] =	vst v63  }
0x32d: {  	s30 =	sadd.s32 $0x50, s1;
	s31 =	simm.s32 $0xC8A8  }
0x32e: {  	[hbm4b:s30+s3] =	stream.linear.scatter [tilespmem:s31], [sflag:$0x4], $0x80, $0x38;
	[tilespmem:$0xE800] =	vst v63  }
0x32f: {  	s16 =	sadd.s32 $0x60, s1;
	s30 =	simm.s32 $0xC930  }
0x330: {  	[hbm4b:s16+s3] =	stream.linear.scatter [tilespmem:s30], [sflag:$0x4], $0x80, $0x38;
	[tilespmem:$0xE800] =	vst v63  }
0x331: {  	s1 =	sadd.s32 $0x70, s1;
	s31 =	simm.s32 $0xC9B8  }
0x332: {  	[hbm4b:s1+s3] =	stream.linear.scatter [tilespmem:s31], [sflag:$0x4], $0x80, $0x38;
	[tilespmem:$0xE800] =	vst v63  }
0x333: {  	s16 =	simm.s32 $0xCA40;
	s1 =	sadd.s32 s0, s7  }
0x334: {  	[hbm4b:s1+s3] =	stream.linear.scatter [tilespmem:s16], [sflag:$0x4], $0x80, $0x38;
	[tilespmem:$0xE800] =	vst v63  }
0x335: {  	s31 =	simm.s32 $0xCAC8;
	s30 =	sadd.s32 $0x10, s1  }
0x336: {  	[hbm4b:s30+s3] =	stream.linear.scatter [tilespmem:s31], [sflag:$0x4], $0x80, $0x38;
	[tilespmem:$0xE800] =	vst v63  }
0x337: {  	s30 =	sadd.s32 $0x20, s1;
	s31 =	simm.s32 $0xCB50  }
0x338: {  	[hbm4b:s30+s3] =	stream.linear.scatter [tilespmem:s31], [sflag:$0x4], $0x80, $0x38;
	[tilespmem:$0xE800] =	vst v63  }
0x339: {  	s30 =	sadd.s32 $0x30, s1;
	s31 =	simm.s32 $0xCBD8  }
0x33a: {  	[hbm4b:s30+s3] =	stream.linear.scatter [tilespmem:s31], [sflag:$0x4], $0x80, $0x38;
	[tilespmem:$0xE800] =	vst v63  }
0x33b: {  	s30 =	sadd.s32 $0x40, s1;
	s31 =	simm.s32 $0xCC60  }
0x33c: {  	[hbm4b:s30+s3] =	stream.linear.scatter [tilespmem:s31], [sflag:$0x4], $0x80, $0x38;
	[tilespmem:$0xE800] =	vst v63  }
0x33d: {  	s30 =	sadd.s32 $0x50, s1;
	s31 =	simm.s32 $0xCCE8  }
0x33e: {  	[hbm4b:s30+s3] =	stream.linear.scatter [tilespmem:s31], [sflag:$0x4], $0x80, $0x38;
	[tilespmem:$0xE800] =	vst v63  }
0x33f: {  	s16 =	sadd.s32 $0x60, s1;
	s30 =	simm.s32 $0xCD70  }
0x340: {  	[hbm4b:s16+s3] =	stream.linear.scatter [tilespmem:s30], [sflag:$0x4], $0x80, $0x38;
	[tilespmem:$0xE800] =	vst v63  }
0x341: {  	s1 =	sadd.s32 $0x70, s1;
	s31 =	simm.s32 $0xCDF8  }
0x342: {  	[hbm4b:s1+s3] =	stream.linear.scatter [tilespmem:s31], [sflag:$0x4], $0x80, $0x38;
	[tilespmem:$0xE800] =	vst v63  }
0x343: {  	s16 =	simm.s32 $0xCE80;
	s1 =	sadd.s32 s0, s8  }
0x344: {  	[hbm4b:s1+s3] =	stream.linear.scatter [tilespmem:s16], [sflag:$0x4], $0x80, $0x38;
	[tilespmem:$0xE800] =	vst v63  }
0x345: {  	s31 =	simm.s32 $0xCF08;
	s30 =	sadd.s32 $0x10, s1  }
0x346: {  	[hbm4b:s30+s3] =	stream.linear.scatter [tilespmem:s31], [sflag:$0x4], $0x80, $0x38;
	[tilespmem:$0xE800] =	vst v63  }
0x347: {  	s30 =	sadd.s32 $0x20, s1;
	s31 =	simm.s32 $0xCF90  }
0x348: {  	[hbm4b:s30+s3] =	stream.linear.scatter [tilespmem:s31], [sflag:$0x4], $0x80, $0x38;
	[tilespmem:$0xE800] =	vst v63  }
0x349: {  	s30 =	sadd.s32 $0x30, s1;
	s31 =	simm.s32 $0xD018  }
0x34a: {  	[hbm4b:s30+s3] =	stream.linear.scatter [tilespmem:s31], [sflag:$0x4], $0x80, $0x38;
	[tilespmem:$0xE800] =	vst v63  }
0x34b: {  	s30 =	sadd.s32 $0x40, s1;
	s31 =	simm.s32 $0xD0A0  }
0x34c: {  	[hbm4b:s30+s3] =	stream.linear.scatter [tilespmem:s31], [sflag:$0x4], $0x80, $0x38;
	[tilespmem:$0xE800] =	vst v63  }
0x34d: {  	s30 =	sadd.s32 $0x50, s1;
	s31 =	simm.s32 $0xD128  }
0x34e: {  	[hbm4b:s30+s3] =	stream.linear.scatter [tilespmem:s31], [sflag:$0x4], $0x80, $0x38;
	[tilespmem:$0xE800] =	vst v63  }
0x34f: {  	s16 =	sadd.s32 $0x60, s1;
	s30 =	simm.s32 $0xD1B0  }
0x350: {  	[hbm4b:s16+s3] =	stream.linear.scatter [tilespmem:s30], [sflag:$0x4], $0x80, $0x38;
	[tilespmem:$0xE800] =	vst v63  }
0x351: {  	s1 =	sadd.s32 $0x70, s1;
	s31 =	simm.s32 $0xD238  }
0x352: {  	[hbm4b:s1+s3] =	stream.linear.scatter [tilespmem:s31], [sflag:$0x4], $0x80, $0x38;
	[tilespmem:$0xE800] =	vst v63  }
0x353: {  	s16 =	simm.s32 $0xD2C0;
	s1 =	sadd.s32 s0, s9  }
0x354: {  	[hbm4b:s1+s3] =	stream.linear.scatter [tilespmem:s16], [sflag:$0x4], $0x80, $0x38;
	[tilespmem:$0xE800] =	vst v63  }
0x355: {  	s31 =	simm.s32 $0xD348;
	s30 =	sadd.s32 $0x10, s1  }
0x356: {  	[hbm4b:s30+s3] =	stream.linear.scatter [tilespmem:s31], [sflag:$0x4], $0x80, $0x38;
	[tilespmem:$0xE800] =	vst v63  }
0x357: {  	s30 =	sadd.s32 $0x20, s1;
	s31 =	simm.s32 $0xD3D0  }
0x358: {  	[hbm4b:s30+s3] =	stream.linear.scatter [tilespmem:s31], [sflag:$0x4], $0x80, $0x38;
	[tilespmem:$0xE800] =	vst v63  }
0x359: {  	s30 =	sadd.s32 $0x30, s1;
	s31 =	simm.s32 $0xD458  }
0x35a: {  	[hbm4b:s30+s3] =	stream.linear.scatter [tilespmem:s31], [sflag:$0x4], $0x80, $0x38;
	[tilespmem:$0xE800] =	vst v63  }
0x35b: {  	s30 =	sadd.s32 $0x40, s1;
	s31 =	simm.s32 $0xD4E0  }
0x35c: {  	[hbm4b:s30+s3] =	stream.linear.scatter [tilespmem:s31], [sflag:$0x4], $0x80, $0x38;
	[tilespmem:$0xE800] =	vst v63  }
0x35d: {  	s30 =	sadd.s32 $0x50, s1;
	s31 =	simm.s32 $0xD568  }
0x35e: {  	[hbm4b:s30+s3] =	stream.linear.scatter [tilespmem:s31], [sflag:$0x4], $0x80, $0x38;
	[tilespmem:$0xE800] =	vst v63  }
0x35f: {  	s16 =	sadd.s32 $0x60, s1;
	s30 =	simm.s32 $0xD5F0  }
0x360: {  	[hbm4b:s16+s3] =	stream.linear.scatter [tilespmem:s30], [sflag:$0x4], $0x80, $0x38;
	[tilespmem:$0xE800] =	vst v63  }
0x361: {  	s1 =	sadd.s32 $0x70, s1;
	s31 =	simm.s32 $0xD678  }
0x362: {  	[hbm4b:s1+s3] =	stream.linear.scatter [tilespmem:s31], [sflag:$0x4], $0x80, $0x38;
	[tilespmem:$0xE800] =	vst v63  }
0x363: {  	s16 =	simm.s32 $0xD700;
	s1 =	sadd.s32 s0, s10  }
0x364: {  	[hbm4b:s1+s3] =	stream.linear.scatter [tilespmem:s16], [sflag:$0x4], $0x80, $0x38;
	[tilespmem:$0xE800] =	vst v63  }
0x365: {  	s31 =	simm.s32 $0xD788;
	s30 =	sadd.s32 $0x10, s1  }
0x366: {  	[hbm4b:s30+s3] =	stream.linear.scatter [tilespmem:s31], [sflag:$0x4], $0x80, $0x38;
	[tilespmem:$0xE800] =	vst v63  }
0x367: {  	s30 =	sadd.s32 $0x20, s1;
	s31 =	simm.s32 $0xD810  }
0x368: {  	[hbm4b:s30+s3] =	stream.linear.scatter [tilespmem:s31], [sflag:$0x4], $0x80, $0x38;
	[tilespmem:$0xE800] =	vst v63  }
0x369: {  	s30 =	sadd.s32 $0x30, s1;
	s31 =	simm.s32 $0xD898  }
0x36a: {  	[hbm4b:s30+s3] =	stream.linear.scatter [tilespmem:s31], [sflag:$0x4], $0x80, $0x38;
	[tilespmem:$0xE800] =	vst v63  }
0x36b: {  	s30 =	sadd.s32 $0x40, s1;
	s31 =	simm.s32 $0xD920  }
0x36c: {  	[hbm4b:s30+s3] =	stream.linear.scatter [tilespmem:s31], [sflag:$0x4], $0x80, $0x38;
	[tilespmem:$0xE800] =	vst v63  }
0x36d: {  	s30 =	sadd.s32 $0x50, s1;
	s31 =	simm.s32 $0xD9A8  }
0x36e: {  	[hbm4b:s30+s3] =	stream.linear.scatter [tilespmem:s31], [sflag:$0x4], $0x80, $0x38;
	[tilespmem:$0xE800] =	vst v63  }
0x36f: {  	s16 =	sadd.s32 $0x60, s1;
	s30 =	simm.s32 $0xDA30  }
0x370: {  	[hbm4b:s16+s3] =	stream.linear.scatter [tilespmem:s30], [sflag:$0x4], $0x80, $0x38;
	[tilespmem:$0xE800] =	vst v63  }
0x371: {  	s1 =	sadd.s32 $0x70, s1;
	s31 =	simm.s32 $0xDAB8  }
0x372: {  	[hbm4b:s1+s3] =	stream.linear.scatter [tilespmem:s31], [sflag:$0x4], $0x80, $0x38;
	[tilespmem:$0xE800] =	vst v63  }
0x373: {  	s16 =	simm.s32 $0xDB40;
	s1 =	sadd.s32 s0, s11  }
0x374: {  	[hbm4b:s1+s3] =	stream.linear.scatter [tilespmem:s16], [sflag:$0x4], $0x80, $0x38;
	[tilespmem:$0xE800] =	vst v63  }
0x375: {  	s31 =	simm.s32 $0xDBC8;
	s30 =	sadd.s32 $0x10, s1  }
0x376: {  	[hbm4b:s30+s3] =	stream.linear.scatter [tilespmem:s31], [sflag:$0x4], $0x80, $0x38;
	[tilespmem:$0xE800] =	vst v63  }
0x377: {  	s30 =	sadd.s32 $0x20, s1;
	s31 =	simm.s32 $0xDC50  }
0x378: {  	[hbm4b:s30+s3] =	stream.linear.scatter [tilespmem:s31], [sflag:$0x4], $0x80, $0x38;
	[tilespmem:$0xE800] =	vst v63  }
0x379: {  	s30 =	sadd.s32 $0x30, s1;
	s31 =	simm.s32 $0xDCD8  }
0x37a: {  	[hbm4b:s30+s3] =	stream.linear.scatter [tilespmem:s31], [sflag:$0x4], $0x80, $0x38;
	[tilespmem:$0xE800] =	vst v63  }
0x37b: {  	s30 =	sadd.s32 $0x40, s1;
	s31 =	simm.s32 $0xDD60  }
0x37c: {  	[hbm4b:s30+s3] =	stream.linear.scatter [tilespmem:s31], [sflag:$0x4], $0x80, $0x38;
	[tilespmem:$0xE800] =	vst v63  }
0x37d: {  	s30 =	sadd.s32 $0x50, s1;
	s31 =	simm.s32 $0xDDE8  }
0x37e: {  	[hbm4b:s30+s3] =	stream.linear.scatter [tilespmem:s31], [sflag:$0x4], $0x80, $0x38;
	[tilespmem:$0xE800] =	vst v63  }
0x37f: {  	s16 =	sadd.s32 $0x60, s1;
	s30 =	simm.s32 $0xDE70  }
0x380: {  	[hbm4b:s16+s3] =	stream.linear.scatter [tilespmem:s30], [sflag:$0x4], $0x80, $0x38;
	[tilespmem:$0xE800] =	vst v63  }
0x381: {  	s1 =	sadd.s32 $0x70, s1;
	s31 =	simm.s32 $0xDEF8  }
0x382: {  	[hbm4b:s1+s3] =	stream.linear.scatter [tilespmem:s31], [sflag:$0x4], $0x80, $0x38;
	[tilespmem:$0xE800] =	vst v63  }
0x383: {  	s16 =	simm.s32 $0xDF80;
	s1 =	sadd.s32 s0, s12  }
0x384: {  	[hbm4b:s1+s3] =	stream.linear.scatter [tilespmem:s16], [sflag:$0x4], $0x80, $0x38;
	[tilespmem:$0xE800] =	vst v63  }
0x385: {  	s31 =	simm.s32 $0xE008;
	s30 =	sadd.s32 $0x10, s1  }
0x386: {  	[hbm4b:s30+s3] =	stream.linear.scatter [tilespmem:s31], [sflag:$0x4], $0x80, $0x38;
	[tilespmem:$0xE800] =	vst v63  }
0x387: {  	s30 =	sadd.s32 $0x20, s1;
	s31 =	simm.s32 $0xE090  }
0x388: {  	[hbm4b:s30+s3] =	stream.linear.scatter [tilespmem:s31], [sflag:$0x4], $0x80, $0x38;
	[tilespmem:$0xE800] =	vst v63  }
0x389: {  	s30 =	sadd.s32 $0x30, s1;
	s31 =	simm.s32 $0xE118  }
0x38a: {  	[hbm4b:s30+s3] =	stream.linear.scatter [tilespmem:s31], [sflag:$0x4], $0x80, $0x38;
	[tilespmem:$0xE800] =	vst v63  }
0x38b: {  	s30 =	sadd.s32 $0x40, s1;
	s31 =	simm.s32 $0xE1A0  }
0x38c: {  	[hbm4b:s30+s3] =	stream.linear.scatter [tilespmem:s31], [sflag:$0x4], $0x80, $0x38;
	[tilespmem:$0xE800] =	vst v63  }
0x38d: {  	s30 =	sadd.s32 $0x50, s1;
	s31 =	simm.s32 $0xE228  }
0x38e: {  	[hbm4b:s30+s3] =	stream.linear.scatter [tilespmem:s31], [sflag:$0x4], $0x80, $0x38;
	[tilespmem:$0xE800] =	vst v63  }
0x38f: {  	s16 =	sadd.s32 $0x60, s1;
	s30 =	simm.s32 $0xE2B0  }
0x390: {  	[hbm4b:s16+s3] =	stream.linear.scatter [tilespmem:s30], [sflag:$0x4], $0x80, $0x38;
	[tilespmem:$0xE800] =	vst v63  }
0x391: {  	s1 =	sadd.s32 $0x70, s1;
	s31 =	simm.s32 $0xE338  }
0x392: {  	[hbm4b:s1+s3] =	stream.linear.scatter [tilespmem:s31], [sflag:$0x4], $0x80, $0x38;
	[tilespmem:$0xE800] =	vst v63  }
0x393: {  	s0 =	sadd.s32 s0, s13;
	s16 =	simm.s32 $0xE3C0  }
0x394: {  	[hbm4b:s0+s3] =	stream.linear.scatter [tilespmem:s16], [sflag:$0x4], $0x80, $0x38;
	[tilespmem:$0xE800] =	vst v63  }
0x395: {  	s30 =	sadd.s32 $0x10, s0  }
0x396: {  	[hbm4b:s30+s3] =	stream.linear.scatter [tilespmem:s19], [sflag:$0x4], $0x80, $0x38;
	[tilespmem:$0xE800] =	vst v63  }
0x397: {  	s31 =	sadd.s32 $0x20, s0  }
0x398: {  	[hbm4b:s31+s3] =	stream.linear.scatter [tilespmem:s20], [sflag:$0x4], $0x80, $0x38;
	[tilespmem:$0xE800] =	vst v63  }
0x399: {  	s15 =	sadd.s32 $0x30, s0  }
0x39a: {  	[hbm4b:s15+s3] =	stream.linear.scatter [tilespmem:s23], [sflag:$0x4], $0x80, $0x38;
	[tilespmem:$0xE800] =	vst v63  }
0x39b: {  	s29 =	sadd.s32 $0x1, s29;
	s16 =	sadd.s32 $0x40, s0  }
0x39c: {  	[hbm4b:s16+s3] =	stream.linear.scatter [tilespmem:s24], [sflag:$0x4], $0x80, $0x38;
	[tilespmem:$0xE800] =	vst v63  }
0x39d: {  	p0 =	sne.s32 s29, $0x64;
	s30 =	sadd.s32 $0x50, s0  }
0x39e: {  	[hbm4b:s30+s3] =	stream.linear.scatter [tilespmem:s25], [sflag:$0x4], $0x80, $0x38;
	[tilespmem:$0xE800] =	vst v63  }
.Ltmp5:
0x39f: {  	_ = 	snop;
	(pc) =	sbr.rel @p0 .LBB2_2-.Ltmp5, $4  }
0x3a0: {  	s31 =	sadd.s32 $0x60, s0  }
0x3a1: {  	[hbm4b:s31+s3] =	stream.linear.scatter [tilespmem:s26], [sflag:$0x4], $0x80, $0x38;
	[tilespmem:$0xE800] =	vst v63  }
0x3a2: {  	s0 =	sadd.s32 $0x70, s0  }
0x3a3: {  	[hbm4b:s0+s3] =	stream.linear.scatter [tilespmem:s28], [sflag:$0x4], $0x80, $0x38;
	[tilespmem:$0xE800] =	vst v63  }
0x3a4: {  	s0 =	simm.s32 $0x3  }
0x3a5: {  	_ =	swait.ge [sflag:s0], $0x400  }
0x3a6: {  	[sflag:s0] =	ssyncset.done $0x0  }
0x3a7: {  	[sflag:s0] =	ssyncadd.s32 $0xFFFFFC00  }
0x3a8: {  	_ =	swait.ge [sflag:s0], $0x400  }
0x3a9: {  	[sflag:s0] =	ssyncset.done $0x0  }
0x3aa: {  	[sflag:s0] =	ssyncadd.s32 $0xFFFFFC00  }
0x3ab: {  	_ =	swait.ge [sflag:s0], $0x400  }
0x3ac: {  	[sflag:s0] =	ssyncset.done $0x0  }
0x3ad: {  	[sflag:s0] =	ssyncadd.s32 $0xFFFFFC00  }
0x3ae: {  	_ =	swait.ge [sflag:s0], $0x400  }
0x3af: {  	[sflag:s0] =	ssyncset.done $0x0  }
0x3b0: {  	[sflag:s0] =	ssyncadd.s32 $0xFFFFFC00  }
0x3b1: {  	_ =	swait.ge [sflag:s0], $0x400  }
0x3b2: {  	[sflag:s0] =	ssyncset.done $0x0  }
0x3b3: {  	[sflag:s0] =	ssyncadd.s32 $0xFFFFFC00  }
0x3b4: {  	_ =	swait.ge [sflag:s0], $0x400  }
0x3b5: {  	[sflag:s0] =	ssyncset.done $0x0  }
0x3b6: {  	[sflag:s0] =	ssyncadd.s32 $0xFFFFFC00  }
0x3b7: {  	_ =	swait.ge [sflag:s0], $0x400  }
0x3b8: {  	[sflag:s0] =	ssyncset.done $0x0  }
0x3b9: {  	[sflag:s0] =	ssyncadd.s32 $0xFFFFFC00  }
0x3ba: {  	_ =	swait.ge [sflag:s0], $0x400  }
0x3bb: {  	[sflag:s0] =	ssyncset.done $0x0  }
0x3bc: {  	[sflag:s0] =	ssyncadd.s32 $0xFFFFFC00  }
0x3bd: {  	_ =	swait.ge [sflag:s14], $0x400  }
0x3be: {  	[sflag:s14] =	ssyncset.done $0x0  }
0x3bf: {  	[sflag:s14] =	ssyncadd.s32 $0xFFFFFC00  }
0x3c0: {  	_ =	swait.ge [sflag:s14], $0x400  }
0x3c1: {  	[sflag:s14] =	ssyncset.done $0x0  }
0x3c2: {  	[sflag:s14] =	ssyncadd.s32 $0xFFFFFC00  }
0x3c3: {  	_ =	swait.ge [sflag:s14], $0x400  }
0x3c4: {  	[sflag:s14] =	ssyncset.done $0x0  }
0x3c5: {  	[sflag:s14] =	ssyncadd.s32 $0xFFFFFC00  }
0x3c6: {  	_ =	swait.ge [sflag:s14], $0x400  }
0x3c7: {  	[sflag:s14] =	ssyncset.done $0x0  }
0x3c8: {  	[sflag:s14] =	ssyncadd.s32 $0xFFFFFC00  }
0x3c9: {  	_ =	swait.ge [sflag:s14], $0x400  }
0x3ca: {  	[sflag:s14] =	ssyncset.done $0x0  }
0x3cb: {  	[sflag:s14] =	ssyncadd.s32 $0xFFFFFC00  }
0x3cc: {  	_ =	swait.ge [sflag:s14], $0x400  }
0x3cd: {  	[sflag:s14] =	ssyncset.done $0x0  }
0x3ce: {  	[sflag:s14] =	ssyncadd.s32 $0xFFFFFC00  }
0x3cf: {  	_ =	swait.ge [sflag:s14], $0x400  }
0x3d0: {  	[sflag:s14] =	ssyncset.done $0x0  }
0x3d1: {  	[sflag:s14] =	ssyncadd.s32 $0xFFFFFC00  }
0x3d2: {  	_ =	swait.ge [sflag:s14], $0x400  }
0x3d3: {  	s1 =	rddreg [dreg:$0x5]  }
0x3d4: {  	s31 =	rddreg [dreg:$0x4];
	s1 =	sadd.s32 $0x1, s1  }
0x3d5: {  	p0 =	sne.s32 s1, s31  }
.Ltmp6:
0x3d6: {  	_ = 	snop;
	(pc) =	sbr.rel @p0 .LBB2_1-.Ltmp6, $3  }
0x3d7: {  	_ =	sdelay $0x1  }
0x3d8: {  	[sflag:s14] =	ssyncset.done $0x0  }
0x3d9: {  	[sflag:s14] =	ssyncadd.s32 $0xFFFFFC00  }
0x3da: {  	_ =	sfence.sel $0x180000  }
0x3db: {  	[bflag:$0x0] =	sbarrier.arrive $0xFFFF  }
0x3dc: {  	_ =	strace $0x9000004A  }
0x3dd: {  	s0 =	stileid.u32;
	[bflag:$0x2] =	sbarrier.arrive $0xFFFF  }
0x3de: {  	p0 =	sne.s32 s0, $0x0;
	s0 =	rddreg [dreg:$0x2]  }
0x3df: {  	s0 =	sadd.s32 @!p0 $0x100000, s0  }
0x3e0: {  	[sflag:s0] =	ssyncadd.tile.s32 @!p0 $0x1;
	_ =	shalt  }
.Lfunc_end2:
_tile_overlayer_lowered:
.L_overlay_start_2:
0x3e1: {  	(tag) =	ssettag $0x2  }
0x3e2: {  	s0 =	rddreg [dreg:$0x0];
	s2 =	stileid.u32  }
0x3e3: {  	s1 =	rddreg [dreg:$0x1];
	p0 =	sne.s32 s2, $0x0  }
0x3e4: {  	s3 =	rddreg [dreg:$0x2];
	[bflag:$0x3] =	sbarrier.arrive $0xFFFF;
	s2 =	simm.s32 @!p0 $0x1C05  }
0x3e5: {  	[timem:s3], [sflag:s2] =	dma.local @!p0 [hbm:s0], s1  }
0x3e6: {  	s0 =	simm.s32 @!p0 $0x5  }
0x3e7: {  	_ =	swait.ge @!p0 [sflag:s0], s1  }
0x3e8: {  	s1 =	ssub.s32 @!p0 $0x0, s1;
	[sflag:s0] =	ssyncset.done @!p0 $0x0  }
0x3e9: {  	[sflag:s0] =	ssyncadd.s32 @!p0 s1  }
0x3ea: {  	[bflag:$0x3] =	sbarrier.arrive $0xFFFF  }
0x3eb: {  	_ =	shalt  }

// kernel: sparse-core-data-format-call.cloned.1.call-start
scs
called_computation_lowered:
.L_overlay_start_0:
0x0: {  	s2 =	sld [smem:$0x3FD9]  }
0x1: {  	s3 =	sld [smem:$0x3FFE];
	_ =	sdelay $0x1  }
0x2: {  	s1 =	srdreg.scid  }
0x3: {  	s0 =	sand.u32 $0x1, s1  }
0x4: {  	s18 =	sshll.u32 s0, $0xA;
	s2 =	sadd.s32 s3, s2  }
0x5: {  	s2 =	sadd.s32 s2, s18  }
0x6: {  	[smem:$0x3FC6] =	sst s2  }
0x7: {  	_ = 	snop  }
0x8: {  	s2 =	sld [smem:$0x3FC8];
	(tm) =	ssettm $0x1  }
0x9: {  	s19 =	sld [smem:$0x3FFB];
	_ =	sdelay $0x3  }
0xa: {  	_ =	strace s19  }
0xb: {  	s3 =	sld [smem:$0x3FFC];
	_ =	sdelay $0x3  }
0xc: {  	_ =	strace s3  }
0xd: {  	s3 =	sld [smem:$0x3FFD];
	_ =	sdelay $0x3  }
0xe: {  	_ =	strace s3  }
0xf: {  	_ =	strace $0x8FFFFFFF  }
0x10: {  	s20 =	sld [smem:$0x3FDB];
	_ =	sdelay $0x1  }
0x11: {  	s4 =	simm.s32 $_scs_section_size  }
0x12: {  	s5 =	simm.s32 $_size__tile_overlayer_lowered;
	s6 =	simm.s32 $_tile_overlayer_lowered  }
0x13: {  	s23 =	simm.s32 $0x1BFF;
	s22 =	sshll.u32 s6, $0x1;
	s3 =	sadd.s32 s4, s20  }
0x14: {  	s7 =	simm.s32 $0x0;
	s21 =	sshll.u32 s5, $0x1;
	s5 =	sadd.s32 s22, s3  }
0x15: {  	[timem:s7], [sflag:s23] =	dma.local [hbm:s5], s21  }
0x16: {  	_ =	swait.ge [sflag:s23], s21  }
0x17: {  	s4 =	ssub.s32 $0x0, s21;
	[sflag:s23] =	ssyncset.done $0x0  }
0x18: {  	[sflag:s23] =	ssyncadd.s32 s4;
	_ =	sdelay $0x1  }
0x19: {  	s24 =	simm.s32 $0x1B8B  }
0x1a: {  	_ =	swait.ge [sflag:s24], $0x1  }
0x1b: {  	[sflag:s24] =	ssyncset.done $0x0  }
0x1c: {  	s26 =	simm.s32 $0x1B8E;
	s25 =	sld [smem:$0x3FFE];
	[sflag:s24] =	ssyncadd.s32 $0xFFFFFFFF  }
0x1d: {  	s27 =	simm.s32 $execute0_lowered;
	[smem:$0x3FD2] =	sst s26  }
0x1e: {  	s5 =	sshll.u32 s27, $0x1;
	_ =	strace $0x80000046;
	[dreg:$0x1] =	wrdreg $0xFFFFFFFF  }
0x1f: {  	s28 =	simm.s32 $_size_execute0_lowered;
	s3 =	sadd.s32 s3, s5;
	[dreg:$0x0] =	wrdreg $0x0  }
0x20: {  	s5 =	sshll.u32 s28, $0x1;
	[dreg:$0x2] =	wrdreg s3  }
0x21: {  	[dreg:$0x3] =	wrdreg s5  }
0x22: {  	[dreg:$0x4] =	wrdreg $0xC0  }
0x23: {  	_ =	task [dreg:s7], $0x5FFFF  }
0x24: {  	[dreg:$0x1] =	wrdreg $0xFFFFFFFF  }
0x25: {  	[dreg:$0x0] =	wrdreg $0x60  }
0x26: {  	[dreg:$0x2] =	wrdreg s2  }
0x27: {  	[dreg:$0x3] =	wrdreg s25  }
0x28: {  	[dreg:$0x4] =	wrdreg $0x9  }
0x29: {  	_ =	task.clear_ibuf [dreg:s7], $0x5FFFF;
	_ =	strace $0x90000046  }
0x2a: {  	s29 =	simm.s32 $0x9;
	_ =	strace $0x80000048  }
0x2b: {  	_ =	swait.ge [sflag:s29], $0x1  }
0x2c: {  	[sflag:s29] =	ssyncadd.s32 $0xFFFFFFFF  }
0x2d: {  	_ =	strace $0x90000048  }
0x2e: {  	_ =	sfence  }
0x2f: {  	s30 =	sld [smem:$0x0];
	_ =	sdelay $0x2  }
0x30: {  	s31 =	sshll.u32 s1, $0xD;
	s1 =	sshrl.u32 s1, $0x2  }
0x31: {  	s3 =	sand.u32 $0x4000, s31;
	s1 =	sadd.s32 s1, s30  }
0x32: {  	s0 =	sor.u32 s3, s0;
	s1 =	sshll.u32 s1, $0x11  }
0x33: {  	s0 =	sor.u32 s1, s0  }
0x34: {  	s0 =	sadd.s32 $0x8F2B, s0  }
0x35: {  	[sflag:s0] =	ssyncadd.remote.s32 $0x1  }
0x36: {  	_ =	sfence.sel $0xFFFF  }
0x37: {  	[dreg:$0x0] =	wrdreg $0xFFFFFFFF;
	(pc) =	sbr.abs _section_cstart, $3  }
0x38: {  	[dreg:$0x1] =	wrdreg $0xFFFFFFFF  }
0x39: {  	_ =	task.clear_ibuf [dreg:s7], $0x2FFFF;
	_ =	strace $0x9FFFFFFF  }
0x3a: {  	(tm) =	ssettm $0x7FFFFFFF  }
0x3b: {  	_ =	shalt  }
tec
execute0_lowered:
.L_overlay_start_1:
0x0: {  	(tag) =	ssettag $0x1  }
0x1: {  	s0 =	srdreg.scid;
	s2 =	rddreg [dreg:$0x0]  }
0x2: {  	s5 =	rddreg [dreg:$0x1];
	s1 =	stileid.u32  }
0x3: {  	s4 =	simm.s32 $0x1;
	s6 =	simm.s32 $0x2;
	s15 =	simm.s32 $0x0  }
0x4: {  	p0 =	por $0x0, $0x0;
	s8 =	simm.s32 $0x80;
	s0 =	sshll.u32 s0, $0x4  }
0x5: {  	s14 =	simm.s32 $0x0;
	s9 =	simm.s32 $0x0;
	s3 =	sand.u32 $0x10, s0  }
.Ltmp0:
0x6: {  	s10 =	simm.s32 $0x0;
	s3 =	sor.u32 s1, s3;
	(pc) =	sbr.rel .LBB1_1-.Ltmp0, $4  }
0x7: {  	s0 =	rddreg [dreg:$0x2];
	_ =	strace $0x80000047;
	s3 =	sshll.u32 s3, $0x7  }
0x8: {  	s12 =	simm.s32 $0x0;
	[sflag:s4] =	ssyncpa.u1 $0x0;
	s7 =	ssub.s32 $0xF4200, s3  }
0x9: {  	s13 =	simm.s32 $0x0;
	[sflag:s6] =	ssyncpa.u1 $0x0;
	s6 =	sshrl.u32 s7, $0xC  }
0xa: {  	s5 =	sadd.s32 $0xA00, s5;
	s11 =	smov.u32 s3;
	s7 =	sadd.s32 $0x2, s6  }
.LBB1_5:
0xb: {  	p1 =	slt.u32 s13, $0x2  }
0xc: {  	s17 =	smov.u32 s15;
	p2 =	sgt.s32 @!p1 s15, $0xF41C0;
	s16 =	sshra.s32 @!p1 s15, $0x1F  }
0xd: {  	p3 =	sgt.s32 @!p1 s14, $0x40;
	s18 =	sshra.s32 @!p1 s14, $0x1F;
	p2 =	por !p2, p1  }
0xe: {  	s15 =	sand.u32 @!p1 s16, s15;
	p3 =	por !p3, p1;
	s16 =	smov.u32 s14  }
0xf: {  	s14 =	sand.u32 @!p1 s18, s14;
	s17 =	simm.s32 @p2 $0xF41C0;
	s16 =	simm.s32 @p3 $0x40  }
0x10: {  	s15 =	ssub.s32 @!p1 s17, s15;
	s14 =	ssub.s32 @!p1 s16, s14  }
0x11: {  	s18 =	smov.u32 s12;
	s16 =	sadd.s32 @!p1 $0xFFF0BE40, s15;
	s17 =	sadd.s32 @!p1 $0xFFFFFFC0, s14  }
0x12: {  	s15 =	ssub.s32 @!p1 $0xF4240, s15;
	p2 =	sgt.s32 @!p1 s16, $0x7F;
	p3 =	sgt.s32 @!p1 s17, $0x3F  }
0x13: {  	s14 =	ssub.s32 @!p1 $0x80, s14;
	p2 =	por !p2, p1;
	p3 =	por !p3, p1  }
0x14: {  	s16 =	sadd.s32 $0x1000, s11;
	s15 =	simm.s32 @!p2 $0x0;
	s14 =	simm.s32 @!p3 $0x0  }
0x15: {  	p2 =	sgt.s32 s16, $0xF423F;
	s14 =	smul.u32 @!p1 s14, s15;
	s15 =	sadd.s32 $0x40, s12  }
0x16: {  	s18 =	smov.u32 @p2 s15  }
0x17: {  	s16 =	smov.u32 @p2 s3;
	p2 =	sgt.s32 s18, $0x3F  }
0x18: {  	s18 =	simm.s32 @p2 $0x0;
	p2 =	sne.s32 s13, s7  }
.Ltmp1:
0x19: {  	p0 =	por !p0, !p0;
	s17 =	simm.s32 @!p1 $0x2;
	(pc) =	sbr.rel @!p2 .LBB1_6-.Ltmp1, $4  }
0x1a: {  	s15 =	smov.u32 s9;
	s9 =	smov.u32 s11;
	s14 =	sand.u32 @!p1 $0x3FFFFFFF, s14  }
0x1b: {  	s11 =	smov.u32 s16;
	_ =	swait.ge @!p1 [sflag:s17], s14;
	s19 =	ssub.s32 @!p1 $0x0, s14  }
0x1c: {  	s14 =	smov.u32 s10;
	s13 =	sadd.s32 $0x1, s13;
	[sflag:s17] =	ssyncset.done @!p1 $0x0  }
0x1d: {  	s10 =	smov.u32 s12;
	s12 =	smov.u32 s18;
	[sflag:s17] =	ssyncadd.s32 @!p1 s19  }
.LBB1_1:
0x1e: {  	p1 =	sgt.u32 s13, s6  }
0x1f: {  	s16 =	sshrl.u32 @!p1 s12, $0x3  }
0x20: {  	s17 =	sshll.u32 @!p1 s11, $0x3;
	s16 =	smul.u32 @!p1 $0x7A1400, s16  }
0x21: {  	s18 =	sshll.u32 @!p1 s12, $0x7;
	s17 =	sand.u32 @!p1 $0xFFFFFC00, s17  }
0x22: {  	s16 =	sadd.s32 @!p1 s16, s17;
	s17 =	sand.u32 @!p1 $0x380, s18  }
0x23: {  	s18 =	sand.u32 @!p1 $0x7F, s11;
	s16 =	sor.u32 @!p1 s17, s16  }
0x24: {  	s17 =	sor.u32 @!p1 s18, s16  }
0x25: {  	s18 =	smulhi.u32 @!p1 $0x218D6287, s17;
	_ =	sdelay $0x1  }
0x26: {  	s16 =	smulhi.u32 @!p1 $0x218D6287, s16;
	s18 =	sshrl.u32 @!p1 s18, $0x11  }
0x27: {  	s18 =	smul.u32 @!p1 $0xF4280, s18  }
0x28: {  	s19 =	sxor.u32 @!p1 $0xFFFFFFFF, s13;
	s16 =	sshrl.u32 @!p1 s16, $0x11  }
0x29: {  	s19 =	sshll.u32 @!p1 s19, $0xD;
	s16 =	sand.u32 @!p1 $0x3F, s16;
	s17 =	ssub.s32 @!p1 s17, s18  }
0x2a: {  	s16 =	smul.u32 @!p1 $0x1E850, s16;
	s18 =	sshrl.u32 @!p1 s17, $0x3;
	s17 =	sand.u32 @!p1 $0x7, s17  }
0x2b: {  	s19 =	sand.u32 @!p1 $0x2000, s19;
	s18 =	sadd.s32 @!p1 s2, s18;
	s17 =	sshll.u32 @!p1 s17, $0x12  }
0x2c: {  	s16 =	sadd.s32 @!p1 s16, s18;
	s17 =	sor.u32 @!p1 $0x400, s17;
	s18 =	simm.s32 @!p1 $0x7A1400  }
0x2d: {  	[tilespmem:s19], [sflag:$0x1] =	stream.strided.gather @!p1 [hbm4b:s16+s17], $0x2000, s18, s17, $0x38;
	[tilespmem:$0x8100] =	vst v63  }
0x2e: {  	p1 =	seq.s32 s13, $0x0  }
0x2f: {  	p2 =	sge.u32 @!p1 s13, s7  }
0x30: {  	p1 =	por p1, p2  }
.Ltmp2:
0x31: {  	_ = 	snop;
	(pc) =	sbr.rel @p1 .LBB1_5-.Ltmp2, $1  }
0x32: {  	_ =	sdelay $0x3  }
0x33: {  	s16 =	simm.s32 $0x1  }
0x34: {  	_ =	swait.ge [sflag:s4], $0x2000;
	s16 =	simm.s32 @!p0 $0x0  }
0x35: {  	[sflag:s4] =	ssyncset.done $0x0;
	s17 =	sshll.u32 s16, $0xD  }
0x36: {  	[sflag:s4] =	ssyncadd.s32 $0xFFFFE000;
	s17 =	sor.u32 $0x40, s17  }
0x37: {  	s16 =	smul.u32 $0x8200, s16;
	v0 =	vld [tilespmem:s17+$0x30]  }
0x38: {  	v1 =	vld [tilespmem:s17+$0xFFFFFFD0]  }
0x39: {  	s16 =	sshrl.u32 s16, $0x2;
	v5 =	vld [tilespmem:s17+$0xFFFFFFE0]  }
0x3a: {  	v6 =	vld [tilespmem:s17+$0xFFFFFFF0];
	s19 =	sor.u32 $0x4000, s16  }
0x3b: {  	s31 =	sand.u32 $0x1, s13;
	v4 =	vld [tilespmem:s17+$0x0];
	s18 =	sadd.s32 $0x0, s19  }
0x3c: {  	v3 =	vld [tilespmem:s17+$0x10];
	s16 =	smul.u32 $0x8200, s31;
	[tilespmem:s18+$0x1C70 ss:$0x41] =	vst.msk $0xffff, v0  }
0x3d: {  	v2 =	vld [tilespmem:s17+$0x20];
	[tilespmem:s18+$0x410 ss:$0x41] =	vst.msk $0xffff, v1  }
0x3e: {  	s16 =	sshrl.u32 s16, $0x2;
	v1 =	vld [tilespmem:s17+$0xFFFFFFC0];
	[tilespmem:s18+$0x820 ss:$0x41] =	vst.msk $0xffff, v5;
	s17 =	sadd.s32 $0x80, s17  }
0x3f: {  	s20 =	simm.s32 $0x4;
	s21 =	simm.s32 $0x8;
	s16 =	sor.u32 $0x4000, s16;
	[tilespmem:s18+$0xC30 ss:$0x41] =	vst.msk $0xffff, v6;
	v0 =	vld [tilespmem:s17+$0x30]  }
.LBB1_3:
0x40: {  	p1 =	sne.s32 s21, $0xFC;
	v5 =	vld [tilespmem:s17+$0xFFFFFFD0];
	[tilespmem:s18+$0x1040 ss:$0x41] =	vst.msk $0xffff, v4  }
0x41: {  	v6 =	vld [tilespmem:s17+$0xFFFFFFE0];
	[tilespmem:s18+$0x1450 ss:$0x41] =	vst.msk $0xffff, v3  }
0x42: {  	s22 =	sshra.s32 s20, $0x2;
	s20 =	smov.u32 s21;
	v7 =	vld [tilespmem:s17+$0xFFFFFFF0];
	[tilespmem:s18+$0x1860 ss:$0x41] =	vst.msk $0xffff, v2  }
.Ltmp3:
0x43: {  	v4 =	vld [tilespmem:s17+$0x0];
	[tilespmem:s18+$0x0 ss:$0x41] =	vst.msk $0xffff, v1;
	s18 =	sadd.s32 s22, s19;
	(pc) =	sbr.rel @p1 .LBB1_3-.Ltmp3, $4  }
0x44: {  	v3 =	vld [tilespmem:s17+$0x10];
	[tilespmem:s18+$0x1C70 ss:$0x41] =	vst.msk $0xffff, v0  }
0x45: {  	[tilespmem:s18+$0x410 ss:$0x41] =	vst.msk $0xffff, v5;
	v2 =	vld [tilespmem:s17+$0x20]  }
0x46: {  	v1 =	vld [tilespmem:s17+$0xFFFFFFC0];
	[tilespmem:s18+$0x820 ss:$0x41] =	vst.msk $0xffff, v6;
	s17 =	sadd.s32 $0x80, s17  }
0x47: {  	s21 =	sadd.s32 $0x4, s21;
	v0 =	vld [tilespmem:s17+$0x30];
	[tilespmem:s18+$0xC30 ss:$0x41] =	vst.msk $0xffff, v7  }
0x48: {  	s21 =	sshll.u32 s9, $0x7;
	s22 =	sshll.u32 s10, $0x3;
	s20 =	sshra.s32 s20, $0x2  }
0x49: {  	p1 =	sgt.s32 s9, $0xF41C0;
	s30 =	sshra.s32 s9, $0x1F;
	s25 =	sshra.s32 s10, $0x1F  }
0x4a: {  	v5 =	vld [tilespmem:s17+$0xFFFFFFD0];
	s28 =	sshrl.u32 s10, $0x3;
	s23 =	sand.u32 $0xFFFFFC00, s21;
	s22 =	sand.u32 $0xFFFFFC00, s22  }
0x4b: {  	[tilespmem:s18+$0x1040 ss:$0x41] =	vst.msk $0xffff, v4;
	v58 =	vld [tilespmem:s17+$0xFFFFFFE0];
	s21 =	sand.u32 $0x380, s21;
	s19 =	sadd.s32 s20, s19;
	s22 =	sadd.s32 s22, s23  }
0x4c: {  	v59 =	vld [tilespmem:s17+$0xFFFFFFF0];
	[tilespmem:s18+$0x1450 ss:$0x41] =	vst.msk $0xffff, v3;
	s29 =	sor.u32 s21, s22;
	s21 =	smov.u32 s9;
	s22 =	sand.u32 s30, s9  }
0x4d: {  	v60 =	vld [tilespmem:s17+$0x0];
	[tilespmem:s18+$0x1860 ss:$0x41] =	vst.msk $0xffff, v2;
	s30 =	sand.u32 $0x7, s10;
	s20 =	sshrl.u32 s29, $0x7;
	s21 =	simm.s32 @!p1 $0xF41C0  }
0x4e: {  	v61 =	vld [tilespmem:s17+$0x10];
	[tilespmem:s18+$0x0 ss:$0x41] =	vst.msk $0xffff, v1;
	p1 =	sgt.s32 s10, $0x40;
	s24 =	ssub.s32 s21, s22;
	s21 =	smov.u32 s10  }
0x4f: {  	v62 =	vld [tilespmem:s17+$0x20];
	[tilespmem:s19+$0x1C70 ss:$0x41] =	vst.msk $0xffff, v0;
	s31 =	smulhi.u32 $0x218DEF5, s20;
	s22 =	sand.u32 s25, s10;
	s21 =	simm.s32 @!p1 $0x40  }
0x50: {  	v63 =	vld [tilespmem:s17+$0xFFFFFFC0];
	[tilespmem:s19+$0x410 ss:$0x41] =	vst.msk $0xffff, v5;
	s26 =	sadd.s32 $0xFFF0BE40, s24;
	s17 =	ssub.s32 $0xF4240, s24;
	s21 =	ssub.s32 s21, s22  }
0x51: {  	[tilespmem:s19+$0x820 ss:$0x41] =	vst.msk $0xffff, v58;
	s23 =	sshrl.u32 s31, $0xD;
	p1 =	sgt.s32 s26, $0x7F;
	s27 =	sadd.s32 $0xFFFFFFC0, s21  }
0x52: {  	[tilespmem:s19+$0xC30 ss:$0x41] =	vst.msk $0xffff, v59;
	s23 =	smul.u32 $0xF4240, s23;
	s18 =	ssub.s32 $0x80, s21;
	p2 =	sgt.s32 s27, $0x3F  }
.Ltmp4:
0x53: {  	[tilespmem:s19+$0x1040 ss:$0x41] =	vst.msk $0xffff, v60;
	s17 =	simm.s32 @p1 $0x0;
	s18 =	simm.s32 @p2 $0x0;
	(pc) =	sbr.rel .LBB1_5-.Ltmp4, $4  }
0x54: {  	s29 =	sand.u32 $0xF, s28;
	[tilespmem:s19+$0x1450 ss:$0x41] =	vst.msk $0xffff, v61;
	s20 =	ssub.s32 s20, s23;
	s17 =	smul.u32 s18, s17  }
0x55: {  	[tilespmem:s19+$0x1860 ss:$0x41] =	vst.msk $0xffff, v62;
	s21 =	sshll.u32 s30, $0x12;
	s20 =	sshll.u32 s20, $0x4;
	s18 =	sadd.s32 s5, s29  }
0x56: {  	[tilespmem:s19+$0x0 ss:$0x41] =	vst.msk $0xffff, v63;
	s31 =	sor.u32 $0x40, s21;
	s18 =	sadd.s32 s20, s18;
	s17 =	sand.u32 $0x3FFFFFFF, s17  }
0x57: {  	[hbm4b:s18+s31] =	stream.strided.scatter [tilespmem:s16], [sflag:$0x2], s17, s8, s31, $0x18;
	[tilespmem:$0x8100] =	vst v63  }
.LBB1_6:
0x58: {  	_ =	sfence.sel $0x180000  }
0x59: {  	s2 =	simm.s32 $0x1;
	[bflag:$0x0] =	sbarrier.arrive $0xFFFF  }
0x5a: {  	s31 =	simm.s32 $0x2;
	[sflag:s2] =	ssyncpa.u1 $0x1  }
0x5b: {  	[sflag:s31] =	ssyncpa.u1 $0x1  }
0x5c: {  	p0 =	sne.s32 s1, $0x0;
	_ =	strace $0x90000047  }
0x5d: {  	s0 =	sadd.s32 @!p0 $0x100000, s0;
	[bflag:$0x2] =	sbarrier.arrive $0xFFFF  }
0x5e: {  	[sflag:s0] =	ssyncadd.tile.s32 @!p0 $0x1;
	_ =	shalt  }
.Lfunc_end1:
_tile_overlayer_lowered:
.L_overlay_start_2:
0x5f: {  	(tag) =	ssettag $0x2  }
0x60: {  	s0 =	rddreg [dreg:$0x0];
	s2 =	stileid.u32  }
0x61: {  	s1 =	rddreg [dreg:$0x1];
	p0 =	sne.s32 s2, $0x0  }
0x62: {  	s3 =	rddreg [dreg:$0x2];
	[bflag:$0x3] =	sbarrier.arrive $0xFFFF;
	s2 =	simm.s32 @!p0 $0x1C01  }
0x63: {  	[timem:s3], [sflag:s2] =	dma.local @!p0 [hbm:s0], s1  }
0x64: {  	s0 =	simm.s32 @!p0 $0x1  }
0x65: {  	_ =	swait.ge @!p0 [sflag:s0], s1  }
0x66: {  	s1 =	ssub.s32 @!p0 $0x0, s1;
	[sflag:s0] =	ssyncset.done @!p0 $0x0  }
0x67: {  	[sflag:s0] =	ssyncadd.s32 @!p0 s1  }
0x68: {  	[bflag:$0x3] =	sbarrier.arrive $0xFFFF  }
0x69: {  	_ =	shalt  }

</sc_bundles>
